<compile_context>
chip_gen: v7x
topology: tpu7x:2x2x1
jax: 0.10.2.dev20260603
libtpu: 0.0.44.dev20260713+nightly
codegen_flags: <defaults>
</compile_context>

<pallas_src>
import jax
import jax.numpy as jnp
from jax import lax
from jax.experimental import pallas as pl
from jax.experimental.pallas import tpu as pltpu
from jax.experimental.pallas import tpu_sc as plsc

E = 8
K = 2
D = 768
F = 3072
T = 2048
S = 2 * T
BT = 256
TP = S + E * BT
NB = TP // BT


_CHUNK = 256


def _router_body(x_ref, wr_ref, pos_ref, fw_ref, be_ref, br_ref, loss_ref):
    x = x_ref[...]
    wr = wr_ref[...]
    logits = lax.dot_general(x, wr, (((1,), (1,)), ((), ())),
                             preferred_element_type=jnp.float32)
    mx = jnp.max(logits, axis=1, keepdims=True)
    ex = jnp.exp(logits - mx)
    probs = ex / jnp.sum(ex, axis=1, keepdims=True)
    usage = jnp.mean(probs, axis=0, keepdims=True)
    loss_ref[...] = E * jnp.sum(usage * usage, axis=1, keepdims=True)
    iota = lax.broadcasted_iota(jnp.int32, (T, E), 1)
    ismax = logits == mx
    i1 = jnp.min(jnp.where(ismax, iota, E), axis=1, keepdims=True)
    rest = jnp.where(iota == i1, -jnp.inf, logits)
    m2 = jnp.max(rest, axis=1, keepdims=True)
    i2 = jnp.min(jnp.where(rest == m2, iota, E), axis=1, keepdims=True)
    b = jnp.exp(m2 - mx)
    fwcol = jnp.concatenate([1.0 / (1.0 + b), b / (1.0 + b)], axis=0)
    fw_ref[...] = jnp.broadcast_to(fwcol, (S, 128))

    fe = jnp.concatenate([i1, i2], axis=0)
    lanes = lax.broadcasted_iota(jnp.int32, (S, E), 1)
    oh = (fe == lanes).astype(jnp.float32)
    r2 = lax.broadcasted_iota(jnp.int32, (_CHUNK, _CHUNK), 0)
    c2 = lax.broadcasted_iota(jnp.int32, (_CHUNK, _CHUNK), 1)
    tri = (r2 >= c2).astype(jnp.float32)
    carry = jnp.zeros((1, E), jnp.float32)
    parts = []
    for k in range(S // _CHUNK):
        ohk = oh[k * _CHUNK:(k + 1) * _CHUNK]
        part = lax.dot_general(tri, ohk, (((1,), (0,)), ((), ())),
                               preferred_element_type=jnp.float32) + carry
        carry = part[_CHUNK - 1:_CHUNK]
        parts.append(part)
    cc = jnp.concatenate(parts, axis=0)
    counts = carry
    padded = jnp.floor((counts + (BT - 1)) * (1.0 / BT)) * BT
    eu = lax.broadcasted_iota(jnp.int32, (E, E), 0)
    ec = lax.broadcasted_iota(jnp.int32, (E, E), 1)
    upper = (eu < ec).astype(jnp.float32)
    aoff = lax.dot_general(padded, upper, (((1,), (0,)), ((), ())),
                           preferred_element_type=jnp.float32)
    pos_f = jnp.sum(oh * (aoff + cc - 1.0), axis=1, keepdims=True)
    pos_ref[...] = pos_f.astype(jnp.int32)
    bi = lax.broadcasted_iota(jnp.int32, (NB, E), 0).astype(jnp.float32) * BT
    be = (jnp.sum((bi >= aoff).astype(jnp.int32), axis=1, keepdims=True) - 1)
    be_ref[...] = be
    lanes_b = lax.broadcasted_iota(jnp.int32, (NB, E), 1)
    beoh = (be == lanes_b).astype(jnp.float32)
    realend = aoff + counts
    br_ref[...] = jnp.sum(beoh * (bi < realend).astype(jnp.float32),
                          axis=1, keepdims=True).astype(jnp.int32)


def _router(x, wr):
    return pl.pallas_call(
        _router_body,
        out_shape=(
            jax.ShapeDtypeStruct((S, 1), jnp.int32),
            jax.ShapeDtypeStruct((S, 128), jnp.float32),
            jax.ShapeDtypeStruct((NB, 1), jnp.int32),
            jax.ShapeDtypeStruct((NB, 1), jnp.int32),
            jax.ShapeDtypeStruct((1, 1), jnp.float32),
        ),
    )(x, wr)


_NW = 32
_CTOK = T // _NW
_SC_MESH = plsc.VectorSubcoreMesh(core_axis_name="c", subcore_axis_name="s")


def _dispatch_body(x_hbm, pos_hbm, fw_hbm, xs_hbm, wrow_hbm,
                   ia_v, ib_v, rows_v, fwa_v, fwb_v, sem0, sem1, sem2):
    wid = lax.axis_index("s") * 2 + lax.axis_index("c")
    tbase = wid * _CTOK
    ld0 = pltpu.async_copy(pos_hbm.at[pl.ds(tbase, _CTOK)], ia_v, sem0)
    ld1 = pltpu.async_copy(pos_hbm.at[pl.ds(T + tbase, _CTOK)], ib_v, sem0)
    ld2 = pltpu.async_copy(x_hbm.at[pl.ds(tbase, _CTOK)], rows_v, sem1)
    ld3 = pltpu.async_copy(fw_hbm.at[pl.ds(tbase, _CTOK)], fwa_v, sem2)
    ld4 = pltpu.async_copy(fw_hbm.at[pl.ds(T + tbase, _CTOK)], fwb_v, sem2)
    ld0.wait()
    ld1.wait()
    ld2.wait()
    ld3.wait()
    ld4.wait()
    cp0 = pltpu.async_copy(rows_v, xs_hbm.at[ia_v], sem0)
    cp1 = pltpu.async_copy(rows_v, xs_hbm.at[ib_v], sem1)
    cp2 = pltpu.async_copy(fwa_v, wrow_hbm.at[ia_v], sem2)
    cp3 = pltpu.async_copy(fwb_v, wrow_hbm.at[ib_v], sem2)
    cp0.wait()
    cp1.wait()
    cp2.wait()
    cp3.wait()


def _dispatch(x, pos, fw):
    k = pl.kernel(
        _dispatch_body,
        mesh=_SC_MESH,
        out_type=(
            jax.ShapeDtypeStruct((TP, D), jnp.float32),
            jax.ShapeDtypeStruct((TP, 128), jnp.float32),
        ),
        scratch_types=[
            pltpu.VMEM((_CTOK,), jnp.int32),
            pltpu.VMEM((_CTOK,), jnp.int32),
            pltpu.VMEM((_CTOK, D), jnp.float32),
            pltpu.VMEM((_CTOK, 128), jnp.float32),
            pltpu.VMEM((_CTOK, 128), jnp.float32),
            pltpu.SemaphoreType.DMA,
            pltpu.SemaphoreType.DMA,
            pltpu.SemaphoreType.DMA,
        ],
    )
    return k(x, pos, fw)


def _combine_body(ys_hbm, pos_hbm, out_hbm, ia_v, ib_v, bufa_v, bufb_v,
                  sema, semb, semw):
    wid = lax.axis_index("s") * 2 + lax.axis_index("c")
    tbase = wid * _CTOK
    lda = pltpu.async_copy(pos_hbm.at[pl.ds(tbase, _CTOK)], ia_v, sema)
    ldb = pltpu.async_copy(pos_hbm.at[pl.ds(T + tbase, _CTOK)], ib_v, semb)
    lda.wait()
    ldb.wait()
    half = _CTOK // 2
    cps = []
    for ch in range(2):
        sl = pl.ds(ch * half, half)
        cps.append((pltpu.async_copy(ys_hbm.at[ia_v.at[sl]],
                                     bufa_v.at[sl], sema),
                    pltpu.async_copy(ys_hbm.at[ib_v.at[sl]],
                                     bufb_v.at[sl], semb)))

    def row(r, _):
        for c in range(D // 16):
            sl = pl.ds(c * 16, 16)
            bufa_v[r, sl] = bufa_v[r, sl] + bufb_v[r, sl]
        return 0

    wrs = []
    for ch in range(2):
        cps[ch][0].wait()
        cps[ch][1].wait()
        lax.fori_loop(ch * half, (ch + 1) * half, row, 0)
        sl = pl.ds(ch * half, half)
        wrs.append(pltpu.async_copy(bufa_v.at[sl],
                                    out_hbm.at[pl.ds(tbase + ch * half, half)],
                                    semw))
    for w in wrs:
        w.wait()


def _combine(ys, pos):
    k = pl.kernel(
        _combine_body,
        mesh=_SC_MESH,
        out_type=jax.ShapeDtypeStruct((T, D), jnp.float32),
        scratch_types=[
            pltpu.VMEM((_CTOK,), jnp.int32),
            pltpu.VMEM((_CTOK,), jnp.int32),
            pltpu.VMEM((_CTOK, D), jnp.float32),
            pltpu.VMEM((_CTOK, D), jnp.float32),
            pltpu.SemaphoreType.DMA,
            pltpu.SemaphoreType.DMA,
            pltpu.SemaphoreType.DMA,
        ],
    )
    return k(ys, pos)


def _gmm_body(be_ref, br_ref, xs_ref, w1_ref, w3_ref, w2_ref, wrow_ref,
              out_ref):
    del be_ref

    @pl.when(br_ref[pl.program_id(0)] == 1)
    def _():
        xs = xs_ref[...]
        h = lax.dot_general(xs, w1_ref[0], (((1,), (1,)), ((), ())),
                            preferred_element_type=jnp.float32)
        g = lax.dot_general(xs, w3_ref[0], (((1,), (1,)), ((), ())),
                            preferred_element_type=jnp.float32)
        act = h * jax.nn.sigmoid(h) * g
        y = lax.dot_general(act, w2_ref[0], (((1,), (1,)), ((), ())),
                            preferred_element_type=jnp.float32)
        out_ref[...] = y * wrow_ref[...][:, :1]


def _gmm(be, br, xs, w1, w3, w2, wrow):
    grid_spec = pltpu.PrefetchScalarGridSpec(
        num_scalar_prefetch=2,
        grid=(NB,),
        in_specs=[
            pl.BlockSpec((BT, D), lambda b, be_ref, br_ref: (b, 0)),
            pl.BlockSpec((1, F, D),
                         lambda b, be_ref, br_ref: (be_ref[b], 0, 0)),
            pl.BlockSpec((1, F, D),
                         lambda b, be_ref, br_ref: (be_ref[b], 0, 0)),
            pl.BlockSpec((1, D, F),
                         lambda b, be_ref, br_ref: (be_ref[b], 0, 0)),
            pl.BlockSpec((BT, 128), lambda b, be_ref, br_ref: (b, 0)),
        ],
        out_specs=pl.BlockSpec((BT, D), lambda b, be_ref, br_ref: (b, 0)),
    )
    return pl.pallas_call(
        _gmm_body,
        grid_spec=grid_spec,
        out_shape=jax.ShapeDtypeStruct((TP, D), jnp.float32),
        compiler_params=pltpu.CompilerParams(
            vmem_limit_bytes=100 * 1024 * 1024),
    )(be, br, xs, w1, w3, w2, wrow)


@jax.jit
def kernel(hidden_states, Wr, w1, w2, w3):
    x = hidden_states.reshape(T, D)
    pos2, fw, be2, br2, loss = _router(x, Wr)
    pos, be, br = pos2[:, 0], be2[:, 0], br2[:, 0]

    xs, wrow = _dispatch(x, pos, fw)
    ys = _gmm(be, br, xs, w1, w3, w2, wrow)
    out = _combine(ys, pos)
    return out.reshape(1, T, D), loss[0, 0]

# --- scband reference (transcript-rebuilt; emitter-appended) ---
"""Pipeline reference for scband-mo-elayer-52338471469501 (READ-ONLY COPY).

The authoritative reference and input builder live on the scoring server;
editing this copy changes nothing except your own understanding.
"""

import jax, jax.numpy as jnp
import numpy as np

NUM_EXPERTS = 8
TOP_K = 2
HIDDEN = 768
FFN = 3072


def setup_inputs(seed: int = 0) -> dict:
    key = jax.random.key(seed)
    ks = jax.random.split(key, 5)
    hidden_states = jax.random.normal(ks[0], (1, 2048, HIDDEN), dtype=jnp.float32)
    # router: nn.Linear(hidden_dim, num_experts, bias=False) -> weight [E, D]
    Wr = jax.random.normal(ks[1], (NUM_EXPERTS, HIDDEN), dtype=jnp.float32) * (1.0 / np.sqrt(HIDDEN))
    # expert weights stacked over experts; Linear weight layout [out, in]
    w1 = jax.random.normal(ks[2], (NUM_EXPERTS, FFN, HIDDEN), dtype=jnp.float32) * (1.0 / np.sqrt(HIDDEN))
    w2 = jax.random.normal(ks[3], (NUM_EXPERTS, HIDDEN, FFN), dtype=jnp.float32) * (1.0 / np.sqrt(FFN))
    w3 = jax.random.normal(ks[4], (NUM_EXPERTS, FFN, HIDDEN), dtype=jnp.float32) * (1.0 / np.sqrt(HIDDEN))
    return {"hidden_states": hidden_states, "Wr": Wr, "w1": w1, "w2": w2, "w3": w3}


def reference(hidden_states, Wr, w1, w2, w3):
    B, S, D = hidden_states.shape
    x = hidden_states.reshape(-1, D)                       # [T, D]
    router_logits = x @ Wr.T                               # [T, E]
    routing_vals, selected_experts = jax.lax.top_k(router_logits, TOP_K)
    routing_weights = jax.nn.softmax(routing_vals, axis=-1)  # [T, k]
    # per-token combine weight for each expert: sum over top-k slots of
    # routing_weight * 1[selected == e]  (mathematically identical to the
    # torch gather/scatter dispatch loop)
    one_hot = jax.nn.one_hot(selected_experts, NUM_EXPERTS, dtype=x.dtype)  # [T, k, E]
    combine = jnp.einsum('tk,tke->te', routing_weights, one_hot)            # [T, E]
    output = jnp.zeros_like(x)
    for e in range(NUM_EXPERTS):
        h = x @ w1[e].T
        g = x @ w3[e].T
        expert_out = (jax.nn.silu(h) * g) @ w2[e].T
        output = output + expert_out * combine[:, e:e + 1]
    output = output.reshape(B, S, D)
    router_probs = jax.nn.softmax(router_logits, axis=-1)
    expert_usage = router_probs.mean(axis=0)
    load_balancing_loss = NUM_EXPERTS * jnp.sum(expert_usage ** 2)
    return (output, load_balancing_loss)

if __name__ == "__main__":
    import jax
    _d = setup_inputs()
    print(jax.jit(kernel)(*tuple(_d.values())))

</pallas_src>

<mosaic_0001>
#map = affine_map<(d0, d1) -> (0, 0)>
#map1 = affine_map<(d0, d1) -> (0)>
module attributes {stable_mosaic.version = 14 : i64} {
  func.func @_dispatch_body(%arg0: i32, %arg1: i32, %arg2: memref<2048x768xf32, #tpu.memory_space<hbm>>, %arg3: memref<4096xi32, #tpu.memory_space<hbm>>, %arg4: memref<4096x128xf32, #tpu.memory_space<hbm>>, %arg5: memref<6144x768xf32, #tpu.memory_space<hbm>>, %arg6: memref<6144x128xf32, #tpu.memory_space<hbm>>, %arg7: memref<64xi32, #tpu.memory_space<vmem>>, %arg8: memref<64xi32, #tpu.memory_space<vmem>>, %arg9: memref<64x768xf32, #tpu.memory_space<vmem>>, %arg10: memref<64x128xf32, #tpu.memory_space<vmem>>, %arg11: memref<64x128xf32, #tpu.memory_space<vmem>>, %arg12: memref<!tpu.dma_semaphore, #tpu.memory_space<semaphore_mem>>, %arg13: memref<!tpu.dma_semaphore, #tpu.memory_space<semaphore_mem>>, %arg14: memref<!tpu.dma_semaphore, #tpu.memory_space<semaphore_mem>>) attributes {dimension_semantics = [#tpu.dimension_semantics<core_parallel>, #tpu.dimension_semantics<subcore_parallel>], iteration_bounds = array<i64: 2, 16>, scalar_prefetch = 0 : i64, scratch_operands = 8 : i64, tpu.core_type = #tpu.core_type<sc_vector_subcore>, window_params = [{transform_indices = #map}, {transform_indices = #map1}, {transform_indices = #map}, {transform_indices = #map}, {transform_indices = #map}]} {
    %mul3A = arith.constant 2 : i32
    %mul3A_0 = arith.muli %arg1, %mul3A : i32
    %add3A = arith.addi %mul3A_0, %arg0 : i32
    %mul3A_1 = arith.constant 64 : i32
    %mul3A_2 = arith.muli %add3A, %mul3A_1 : i32
    %dma_start3A = tpu.memref_slice %arg3[%mul3A_2] : memref<4096xi32, #tpu.memory_space<hbm>> -> memref<64xi32, #tpu.memory_space<hbm>>
    %dma_start3A_3 = tpu.memref_slice %arg3[%mul3A_2] : memref<4096xi32, #tpu.memory_space<hbm>> -> memref<64xi32, #tpu.memory_space<hbm>>
    tpu.enqueue_dma source(%dma_start3A_3 : memref<64xi32, #tpu.memory_space<hbm>>) target(%arg7 : memref<64xi32, #tpu.memory_space<vmem>>) target_semaphore(%arg12 : memref<!tpu.dma_semaphore, #tpu.memory_space<semaphore_mem>>)
    %add3A_4 = arith.constant 2048 : i32
    %add3A_5 = arith.addi %add3A_4, %mul3A_2 : i32
    %dma_start3A_6 = tpu.memref_slice %arg3[%add3A_5] : memref<4096xi32, #tpu.memory_space<hbm>> -> memref<64xi32, #tpu.memory_space<hbm>>
    %dma_start3A_7 = tpu.memref_slice %arg3[%add3A_5] : memref<4096xi32, #tpu.memory_space<hbm>> -> memref<64xi32, #tpu.memory_space<hbm>>
    tpu.enqueue_dma source(%dma_start3A_7 : memref<64xi32, #tpu.memory_space<hbm>>) target(%arg8 : memref<64xi32, #tpu.memory_space<vmem>>) target_semaphore(%arg12 : memref<!tpu.dma_semaphore, #tpu.memory_space<semaphore_mem>>)
    %dma_start3A_8 = arith.constant 0 : i32
    %dma_start3A_9 = tpu.memref_slice %arg2[%mul3A_2, %dma_start3A_8] : memref<2048x768xf32, #tpu.memory_space<hbm>> -> memref<64x768xf32, #tpu.memory_space<hbm>>
    %dma_start3A_10 = arith.constant 0 : i32
    %dma_start3A_11 = tpu.memref_slice %arg2[%mul3A_2, %dma_start3A_10] : memref<2048x768xf32, #tpu.memory_space<hbm>> -> memref<64x768xf32, #tpu.memory_space<hbm>>
    tpu.enqueue_dma source(%dma_start3A_11 : memref<64x768xf32, #tpu.memory_space<hbm>>) target(%arg9 : memref<64x768xf32, #tpu.memory_space<vmem>>) target_semaphore(%arg13 : memref<!tpu.dma_semaphore, #tpu.memory_space<semaphore_mem>>)
    %dma_start3A_12 = arith.constant 0 : i32
    %dma_start3A_13 = tpu.memref_slice %arg4[%mul3A_2, %dma_start3A_12] : memref<4096x128xf32, #tpu.memory_space<hbm>> -> memref<64x128xf32, #tpu.memory_space<hbm>>
    %dma_start3A_14 = arith.constant 0 : i32
    %dma_start3A_15 = tpu.memref_slice %arg4[%mul3A_2, %dma_start3A_14] : memref<4096x128xf32, #tpu.memory_space<hbm>> -> memref<64x128xf32, #tpu.memory_space<hbm>>
    tpu.enqueue_dma source(%dma_start3A_15 : memref<64x128xf32, #tpu.memory_space<hbm>>) target(%arg10 : memref<64x128xf32, #tpu.memory_space<vmem>>) target_semaphore(%arg14 : memref<!tpu.dma_semaphore, #tpu.memory_space<semaphore_mem>>)
    %add3A_16 = arith.constant 2048 : i32
    %add3A_17 = arith.addi %add3A_16, %mul3A_2 : i32
    %dma_start3A_18 = arith.constant 0 : i32
    %dma_start3A_19 = tpu.memref_slice %arg4[%add3A_17, %dma_start3A_18] : memref<4096x128xf32, #tpu.memory_space<hbm>> -> memref<64x128xf32, #tpu.memory_space<hbm>>
    %dma_start3A_20 = arith.constant 0 : i32
    %dma_start3A_21 = tpu.memref_slice %arg4[%add3A_17, %dma_start3A_20] : memref<4096x128xf32, #tpu.memory_space<hbm>> -> memref<64x128xf32, #tpu.memory_space<hbm>>
    tpu.enqueue_dma source(%dma_start3A_21 : memref<64x128xf32, #tpu.memory_space<hbm>>) target(%arg11 : memref<64x128xf32, #tpu.memory_space<vmem>>) target_semaphore(%arg14 : memref<!tpu.dma_semaphore, #tpu.memory_space<semaphore_mem>>)
    %dma_wait3A = tpu.memref_slice %arg3[%mul3A_2] : memref<4096xi32, #tpu.memory_space<hbm>> -> memref<64xi32, #tpu.memory_space<hbm>>
    %dma_wait3A_22 = tpu.memref_slice %arg3[%mul3A_2] : memref<4096xi32, #tpu.memory_space<hbm>> -> memref<64xi32, #tpu.memory_space<hbm>>
    tpu.wait_dma2 semaphore(%arg12 : memref<!tpu.dma_semaphore, #tpu.memory_space<semaphore_mem>>) src(%dma_wait3A_22 : memref<64xi32, #tpu.memory_space<hbm>>) dst(%arg7 : memref<64xi32, #tpu.memory_space<vmem>>)
    %dma_wait3A_23 = tpu.memref_slice %arg3[%add3A_5] : memref<4096xi32, #tpu.memory_space<hbm>> -> memref<64xi32, #tpu.memory_space<hbm>>
    %dma_wait3A_24 = tpu.memref_slice %arg3[%add3A_5] : memref<4096xi32, #tpu.memory_space<hbm>> -> memref<64xi32, #tpu.memory_space<hbm>>
    tpu.wait_dma2 semaphore(%arg12 : memref<!tpu.dma_semaphore, #tpu.memory_space<semaphore_mem>>) src(%dma_wait3A_24 : memref<64xi32, #tpu.memory_space<hbm>>) dst(%arg8 : memref<64xi32, #tpu.memory_space<vmem>>)
    %dma_wait3A_25 = arith.constant 0 : i32
    %dma_wait3A_26 = tpu.memref_slice %arg2[%mul3A_2, %dma_wait3A_25] : memref<2048x768xf32, #tpu.memory_space<hbm>> -> memref<64x768xf32, #tpu.memory_space<hbm>>
    %dma_wait3A_27 = arith.constant 0 : i32
    %dma_wait3A_28 = tpu.memref_slice %arg2[%mul3A_2, %dma_wait3A_27] : memref<2048x768xf32, #tpu.memory_space<hbm>> -> memref<64x768xf32, #tpu.memory_space<hbm>>
    tpu.wait_dma2 semaphore(%arg13 : memref<!tpu.dma_semaphore, #tpu.memory_space<semaphore_mem>>) src(%dma_wait3A_28 : memref<64x768xf32, #tpu.memory_space<hbm>>) dst(%arg9 : memref<64x768xf32, #tpu.memory_space<vmem>>)
    %dma_wait3A_29 = arith.constant 0 : i32
    %dma_wait3A_30 = tpu.memref_slice %arg4[%mul3A_2, %dma_wait3A_29] : memref<4096x128xf32, #tpu.memory_space<hbm>> -> memref<64x128xf32, #tpu.memory_space<hbm>>
    %dma_wait3A_31 = arith.constant 0 : i32
    %dma_wait3A_32 = tpu.memref_slice %arg4[%mul3A_2, %dma_wait3A_31] : memref<4096x128xf32, #tpu.memory_space<hbm>> -> memref<64x128xf32, #tpu.memory_space<hbm>>
    tpu.wait_dma2 semaphore(%arg14 : memref<!tpu.dma_semaphore, #tpu.memory_space<semaphore_mem>>) src(%dma_wait3A_32 : memref<64x128xf32, #tpu.memory_space<hbm>>) dst(%arg10 : memref<64x128xf32, #tpu.memory_space<vmem>>)
    %dma_wait3A_33 = arith.constant 0 : i32
    %dma_wait3A_34 = tpu.memref_slice %arg4[%add3A_17, %dma_wait3A_33] : memref<4096x128xf32, #tpu.memory_space<hbm>> -> memref<64x128xf32, #tpu.memory_space<hbm>>
    %dma_wait3A_35 = arith.constant 0 : i32
    %dma_wait3A_36 = tpu.memref_slice %arg4[%add3A_17, %dma_wait3A_35] : memref<4096x128xf32, #tpu.memory_space<hbm>> -> memref<64x128xf32, #tpu.memory_space<hbm>>
    tpu.wait_dma2 semaphore(%arg14 : memref<!tpu.dma_semaphore, #tpu.memory_space<semaphore_mem>>) src(%dma_wait3A_36 : memref<64x128xf32, #tpu.memory_space<hbm>>) dst(%arg11 : memref<64x128xf32, #tpu.memory_space<vmem>>)
    %dma_start3A_37 = arith.constant 0 : i32
    %dma_start3A_38 = arith.constant 0 : i32
    %dma_start3A_39 = tpu.memref_slice %arg5[%dma_start3A_37, %dma_start3A_38] : memref<6144x768xf32, #tpu.memory_space<hbm>> -> memref<6144x768xf32, #tpu.memory_space<hbm>>
    tpu.enqueue_indirect_dma source(%arg9 : memref<64x768xf32, #tpu.memory_space<vmem>>) target(%dma_start3A_39 : memref<6144x768xf32, #tpu.memory_space<hbm>>) offsets(%arg7 : memref<64xi32, #tpu.memory_space<vmem>>) semaphore(%arg12 : memref<!tpu.dma_semaphore, #tpu.memory_space<semaphore_mem>>)
    %dma_start3A_40 = arith.constant 0 : i32
    %dma_start3A_41 = arith.constant 0 : i32
    %dma_start3A_42 = tpu.memref_slice %arg5[%dma_start3A_40, %dma_start3A_41] : memref<6144x768xf32, #tpu.memory_space<hbm>> -> memref<6144x768xf32, #tpu.memory_space<hbm>>
    tpu.enqueue_indirect_dma source(%arg9 : memref<64x768xf32, #tpu.memory_space<vmem>>) target(%dma_start3A_42 : memref<6144x768xf32, #tpu.memory_space<hbm>>) offsets(%arg8 : memref<64xi32, #tpu.memory_space<vmem>>) semaphore(%arg13 : memref<!tpu.dma_semaphore, #tpu.memory_space<semaphore_mem>>)
    %dma_start3A_43 = arith.constant 0 : i32
    %dma_start3A_44 = arith.constant 0 : i32
    %dma_start3A_45 = tpu.memref_slice %arg6[%dma_start3A_43, %dma_start3A_44] : memref<6144x128xf32, #tpu.memory_space<hbm>> -> memref<6144x128xf32, #tpu.memory_space<hbm>>
    tpu.enqueue_indirect_dma source(%arg10 : memref<64x128xf32, #tpu.memory_space<vmem>>) target(%dma_start3A_45 : memref<6144x128xf32, #tpu.memory_space<hbm>>) offsets(%arg7 : memref<64xi32, #tpu.memory_space<vmem>>) semaphore(%arg14 : memref<!tpu.dma_semaphore, #tpu.memory_space<semaphore_mem>>)
    %dma_start3A_46 = arith.constant 0 : i32
    %dma_start3A_47 = arith.constant 0 : i32
    %dma_start3A_48 = tpu.memref_slice %arg6[%dma_start3A_46, %dma_start3A_47] : memref<6144x128xf32, #tpu.memory_space<hbm>> -> memref<6144x128xf32, #tpu.memory_space<hbm>>
    tpu.enqueue_indirect_dma source(%arg11 : memref<64x128xf32, #tpu.memory_space<vmem>>) target(%dma_start3A_48 : memref<6144x128xf32, #tpu.memory_space<hbm>>) offsets(%arg8 : memref<64xi32, #tpu.memory_space<vmem>>) semaphore(%arg14 : memref<!tpu.dma_semaphore, #tpu.memory_space<semaphore_mem>>)
    %dma_wait3A_49 = arith.constant 0 : i32
    %dma_wait3A_50 = arith.constant 0 : i32
    %dma_wait3A_51 = tpu.memref_slice %arg5[%dma_wait3A_49, %dma_wait3A_50] : memref<6144x768xf32, #tpu.memory_space<hbm>> -> memref<6144x768xf32, #tpu.memory_space<hbm>>
    tpu.wait_indirect_dma semaphore(%arg12 : memref<!tpu.dma_semaphore, #tpu.memory_space<semaphore_mem>>) src(%arg9 : memref<64x768xf32, #tpu.memory_space<vmem>>) dst(%dma_wait3A_51 : memref<6144x768xf32, #tpu.memory_space<hbm>>)
    %dma_wait3A_52 = arith.constant 0 : i32
    %dma_wait3A_53 = arith.constant 0 : i32
    %dma_wait3A_54 = tpu.memref_slice %arg5[%dma_wait3A_52, %dma_wait3A_53] : memref<6144x768xf32, #tpu.memory_space<hbm>> -> memref<6144x768xf32, #tpu.memory_space<hbm>>
    tpu.wait_indirect_dma semaphore(%arg13 : memref<!tpu.dma_semaphore, #tpu.memory_space<semaphore_mem>>) src(%arg9 : memref<64x768xf32, #tpu.memory_space<vmem>>) dst(%dma_wait3A_54 : memref<6144x768xf32, #tpu.memory_space<hbm>>)
    %dma_wait3A_55 = arith.constant 0 : i32
    %dma_wait3A_56 = arith.constant 0 : i32
    %dma_wait3A_57 = tpu.memref_slice %arg6[%dma_wait3A_55, %dma_wait3A_56] : memref<6144x128xf32, #tpu.memory_space<hbm>> -> memref<6144x128xf32, #tpu.memory_space<hbm>>
    tpu.wait_indirect_dma semaphore(%arg14 : memref<!tpu.dma_semaphore, #tpu.memory_space<semaphore_mem>>) src(%arg10 : memref<64x128xf32, #tpu.memory_space<vmem>>) dst(%dma_wait3A_57 : memref<6144x128xf32, #tpu.memory_space<hbm>>)
    %dma_wait3A_58 = arith.constant 0 : i32
    %dma_wait3A_59 = arith.constant 0 : i32
    %dma_wait3A_60 = tpu.memref_slice %arg6[%dma_wait3A_58, %dma_wait3A_59] : memref<6144x128xf32, #tpu.memory_space<hbm>> -> memref<6144x128xf32, #tpu.memory_space<hbm>>
    tpu.wait_indirect_dma semaphore(%arg14 : memref<!tpu.dma_semaphore, #tpu.memory_space<semaphore_mem>>) src(%arg11 : memref<64x128xf32, #tpu.memory_space<vmem>>) dst(%dma_wait3A_60 : memref<6144x128xf32, #tpu.memory_space<hbm>>)
    return
  }
}

#map = affine_map<(d0, d1) -> (0, 0)>
#map1 = affine_map<(d0, d1) -> (0)>
module attributes {stable_mosaic.version = 14 : i64} {
  func.func @_combine_body(%arg0: i32, %arg1: i32, %arg2: memref<6144x768xf32, #tpu.memory_space<hbm>>, %arg3: memref<4096xi32, #tpu.memory_space<hbm>>, %arg4: memref<2048x768xf32, #tpu.memory_space<hbm>>, %arg5: memref<64xi32, #tpu.memory_space<vmem>>, %arg6: memref<64xi32, #tpu.memory_space<vmem>>, %arg7: memref<64x768xf32, #tpu.memory_space<vmem>>, %arg8: memref<64x768xf32, #tpu.memory_space<vmem>>, %arg9: memref<!tpu.dma_semaphore, #tpu.memory_space<semaphore_mem>>, %arg10: memref<!tpu.dma_semaphore, #tpu.memory_space<semaphore_mem>>, %arg11: memref<!tpu.dma_semaphore, #tpu.memory_space<semaphore_mem>>) attributes {dimension_semantics = [#tpu.dimension_semantics<core_parallel>, #tpu.dimension_semantics<subcore_parallel>], iteration_bounds = array<i64: 2, 16>, scalar_prefetch = 0 : i64, scratch_operands = 7 : i64, tpu.core_type = #tpu.core_type<sc_vector_subcore>, window_params = [{transform_indices = #map}, {transform_indices = #map1}, {transform_indices = #map}]} {
    %mul3A = arith.constant 2 : i32
    %mul3A_0 = arith.muli %arg1, %mul3A : i32
    %add3A = arith.addi %mul3A_0, %arg0 : i32
    %mul3A_1 = arith.constant 64 : i32
    %mul3A_2 = arith.muli %add3A, %mul3A_1 : i32
    %dma_start3A = tpu.memref_slice %arg3[%mul3A_2] : memref<4096xi32, #tpu.memory_space<hbm>> -> memref<64xi32, #tpu.memory_space<hbm>>
    %dma_start3A_3 = tpu.memref_slice %arg3[%mul3A_2] : memref<4096xi32, #tpu.memory_space<hbm>> -> memref<64xi32, #tpu.memory_space<hbm>>
    tpu.enqueue_dma source(%dma_start3A_3 : memref<64xi32, #tpu.memory_space<hbm>>) target(%arg5 : memref<64xi32, #tpu.memory_space<vmem>>) target_semaphore(%arg9 : memref<!tpu.dma_semaphore, #tpu.memory_space<semaphore_mem>>)
    %add3A_4 = arith.constant 2048 : i32
    %add3A_5 = arith.addi %add3A_4, %mul3A_2 : i32
    %dma_start3A_6 = tpu.memref_slice %arg3[%add3A_5] : memref<4096xi32, #tpu.memory_space<hbm>> -> memref<64xi32, #tpu.memory_space<hbm>>
    %dma_start3A_7 = tpu.memref_slice %arg3[%add3A_5] : memref<4096xi32, #tpu.memory_space<hbm>> -> memref<64xi32, #tpu.memory_space<hbm>>
    tpu.enqueue_dma source(%dma_start3A_7 : memref<64xi32, #tpu.memory_space<hbm>>) target(%arg6 : memref<64xi32, #tpu.memory_space<vmem>>) target_semaphore(%arg10 : memref<!tpu.dma_semaphore, #tpu.memory_space<semaphore_mem>>)
    %dma_wait3A = tpu.memref_slice %arg3[%mul3A_2] : memref<4096xi32, #tpu.memory_space<hbm>> -> memref<64xi32, #tpu.memory_space<hbm>>
    %dma_wait3A_8 = tpu.memref_slice %arg3[%mul3A_2] : memref<4096xi32, #tpu.memory_space<hbm>> -> memref<64xi32, #tpu.memory_space<hbm>>
    tpu.wait_dma2 semaphore(%arg9 : memref<!tpu.dma_semaphore, #tpu.memory_space<semaphore_mem>>) src(%dma_wait3A_8 : memref<64xi32, #tpu.memory_space<hbm>>) dst(%arg5 : memref<64xi32, #tpu.memory_space<vmem>>)
    %dma_wait3A_9 = tpu.memref_slice %arg3[%add3A_5] : memref<4096xi32, #tpu.memory_space<hbm>> -> memref<64xi32, #tpu.memory_space<hbm>>
    %dma_wait3A_10 = tpu.memref_slice %arg3[%add3A_5] : memref<4096xi32, #tpu.memory_space<hbm>> -> memref<64xi32, #tpu.memory_space<hbm>>
    tpu.wait_dma2 semaphore(%arg10 : memref<!tpu.dma_semaphore, #tpu.memory_space<semaphore_mem>>) src(%dma_wait3A_10 : memref<64xi32, #tpu.memory_space<hbm>>) dst(%arg6 : memref<64xi32, #tpu.memory_space<vmem>>)
    %dma_start3A_11 = arith.constant 0 : i32
    %dma_start3A_12 = arith.constant 0 : i32
    %dma_start3A_13 = tpu.memref_slice %arg7[%dma_start3A_11, %dma_start3A_12] : memref<64x768xf32, #tpu.memory_space<vmem>> -> memref<32x768xf32, #tpu.memory_space<vmem>>
    %dma_start3A_14 = arith.constant 0 : i32
    %dma_start3A_15 = tpu.memref_slice %arg5[%dma_start3A_14] : memref<64xi32, #tpu.memory_space<vmem>> -> memref<32xi32, #tpu.memory_space<vmem>>
    %dma_start3A_16 = arith.constant 0 : i32
    %dma_start3A_17 = arith.constant 0 : i32
    %dma_start3A_18 = tpu.memref_slice %arg2[%dma_start3A_16, %dma_start3A_17] : memref<6144x768xf32, #tpu.memory_space<hbm>> -> memref<6144x768xf32, #tpu.memory_space<hbm>>
    tpu.enqueue_indirect_dma source(%dma_start3A_18 : memref<6144x768xf32, #tpu.memory_space<hbm>>) target(%dma_start3A_13 : memref<32x768xf32, #tpu.memory_space<vmem>>) offsets(%dma_start3A_15 : memref<32xi32, #tpu.memory_space<vmem>>) semaphore(%arg9 : memref<!tpu.dma_semaphore, #tpu.memory_space<semaphore_mem>>)
    %dma_start3A_19 = arith.constant 0 : i32
    %dma_start3A_20 = arith.constant 0 : i32
    %dma_start3A_21 = tpu.memref_slice %arg8[%dma_start3A_19, %dma_start3A_20] : memref<64x768xf32, #tpu.memory_space<vmem>> -> memref<32x768xf32, #tpu.memory_space<vmem>>
    %dma_start3A_22 = arith.constant 0 : i32
    %dma_start3A_23 = tpu.memref_slice %arg6[%dma_start3A_22] : memref<64xi32, #tpu.memory_space<vmem>> -> memref<32xi32, #tpu.memory_space<vmem>>
    %dma_start3A_24 = arith.constant 0 : i32
    %dma_start3A_25 = arith.constant 0 : i32
    %dma_start3A_26 = tpu.memref_slice %arg2[%dma_start3A_24, %dma_start3A_25] : memref<6144x768xf32, #tpu.memory_space<hbm>> -> memref<6144x768xf32, #tpu.memory_space<hbm>>
    tpu.enqueue_indirect_dma source(%dma_start3A_26 : memref<6144x768xf32, #tpu.memory_space<hbm>>) target(%dma_start3A_21 : memref<32x768xf32, #tpu.memory_space<vmem>>) offsets(%dma_start3A_23 : memref<32xi32, #tpu.memory_space<vmem>>) semaphore(%arg10 : memref<!tpu.dma_semaphore, #tpu.memory_space<semaphore_mem>>)
    %dma_start3A_27 = arith.constant 32 : i32
    %dma_start3A_28 = arith.constant 0 : i32
    %dma_start3A_29 = tpu.memref_slice %arg7[%dma_start3A_27, %dma_start3A_28] : memref<64x768xf32, #tpu.memory_space<vmem>> -> memref<32x768xf32, #tpu.memory_space<vmem>>
    %dma_start3A_30 = arith.constant 32 : i32
    %dma_start3A_31 = tpu.memref_slice %arg5[%dma_start3A_30] : memref<64xi32, #tpu.memory_space<vmem>> -> memref<32xi32, #tpu.memory_space<vmem>>
    %dma_start3A_32 = arith.constant 0 : i32
    %dma_start3A_33 = arith.constant 0 : i32
    %dma_start3A_34 = tpu.memref_slice %arg2[%dma_start3A_32, %dma_start3A_33] : memref<6144x768xf32, #tpu.memory_space<hbm>> -> memref<6144x768xf32, #tpu.memory_space<hbm>>
    tpu.enqueue_indirect_dma source(%dma_start3A_34 : memref<6144x768xf32, #tpu.memory_space<hbm>>) target(%dma_start3A_29 : memref<32x768xf32, #tpu.memory_space<vmem>>) offsets(%dma_start3A_31 : memref<32xi32, #tpu.memory_space<vmem>>) semaphore(%arg9 : memref<!tpu.dma_semaphore, #tpu.memory_space<semaphore_mem>>)
    %dma_start3A_35 = arith.constant 32 : i32
    %dma_start3A_36 = arith.constant 0 : i32
    %dma_start3A_37 = tpu.memref_slice %arg8[%dma_start3A_35, %dma_start3A_36] : memref<64x768xf32, #tpu.memory_space<vmem>> -> memref<32x768xf32, #tpu.memory_space<vmem>>
    %dma_start3A_38 = arith.constant 32 : i32
    %dma_start3A_39 = tpu.memref_slice %arg6[%dma_start3A_38] : memref<64xi32, #tpu.memory_space<vmem>> -> memref<32xi32, #tpu.memory_space<vmem>>
    %dma_start3A_40 = arith.constant 0 : i32
    %dma_start3A_41 = arith.constant 0 : i32
    %dma_start3A_42 = tpu.memref_slice %arg2[%dma_start3A_40, %dma_start3A_41] : memref<6144x768xf32, #tpu.memory_space<hbm>> -> memref<6144x768xf32, #tpu.memory_space<hbm>>
    tpu.enqueue_indirect_dma source(%dma_start3A_42 : memref<6144x768xf32, #tpu.memory_space<hbm>>) target(%dma_start3A_37 : memref<32x768xf32, #tpu.memory_space<vmem>>) offsets(%dma_start3A_39 : memref<32xi32, #tpu.memory_space<vmem>>) semaphore(%arg10 : memref<!tpu.dma_semaphore, #tpu.memory_space<semaphore_mem>>)
    %dma_wait3A_43 = arith.constant 0 : i32
    %dma_wait3A_44 = arith.constant 0 : i32
    %dma_wait3A_45 = tpu.memref_slice %arg7[%dma_wait3A_43, %dma_wait3A_44] : memref<64x768xf32, #tpu.memory_space<vmem>> -> memref<32x768xf32, #tpu.memory_space<vmem>>
    %dma_wait3A_46 = arith.constant 0 : i32
    %dma_wait3A_47 = tpu.memref_slice %arg5[%dma_wait3A_46] : memref<64xi32, #tpu.memory_space<vmem>> -> memref<32xi32, #tpu.memory_space<vmem>>
    %dma_wait3A_48 = arith.constant 0 : i32
    %dma_wait3A_49 = arith.constant 0 : i32
    %dma_wait3A_50 = tpu.memref_slice %arg2[%dma_wait3A_48, %dma_wait3A_49] : memref<6144x768xf32, #tpu.memory_space<hbm>> -> memref<6144x768xf32, #tpu.memory_space<hbm>>
    tpu.wait_indirect_dma semaphore(%arg9 : memref<!tpu.dma_semaphore, #tpu.memory_space<semaphore_mem>>) src(%dma_wait3A_50 : memref<6144x768xf32, #tpu.memory_space<hbm>>) dst(%dma_wait3A_45 : memref<32x768xf32, #tpu.memory_space<vmem>>)
    %dma_wait3A_51 = arith.constant 0 : i32
    %dma_wait3A_52 = arith.constant 0 : i32
    %dma_wait3A_53 = tpu.memref_slice %arg8[%dma_wait3A_51, %dma_wait3A_52] : memref<64x768xf32, #tpu.memory_space<vmem>> -> memref<32x768xf32, #tpu.memory_space<vmem>>
    %dma_wait3A_54 = arith.constant 0 : i32
    %dma_wait3A_55 = tpu.memref_slice %arg6[%dma_wait3A_54] : memref<64xi32, #tpu.memory_space<vmem>> -> memref<32xi32, #tpu.memory_space<vmem>>
    %dma_wait3A_56 = arith.constant 0 : i32
    %dma_wait3A_57 = arith.constant 0 : i32
    %dma_wait3A_58 = tpu.memref_slice %arg2[%dma_wait3A_56, %dma_wait3A_57] : memref<6144x768xf32, #tpu.memory_space<hbm>> -> memref<6144x768xf32, #tpu.memory_space<hbm>>
    tpu.wait_indirect_dma semaphore(%arg10 : memref<!tpu.dma_semaphore, #tpu.memory_space<semaphore_mem>>) src(%dma_wait3A_58 : memref<6144x768xf32, #tpu.memory_space<hbm>>) dst(%dma_wait3A_53 : memref<32x768xf32, #tpu.memory_space<vmem>>)
    %scan3A = arith.constant 0 : i32
    %scan3A_59 = arith.constant 0 : i32
    %scan3A_60 = arith.constant 32 : i32
    %scan3A_61 = arith.addi %scan3A_59, %scan3A_60 : i32
    %scan3A_62 = arith.constant 1 : i32
    %scan3A_63 = scf.for %scan3A_132 = %scan3A_59 to %scan3A_61 step %scan3A_62 iter_args(%scan3A_133 = %scan3A) -> (i32)  : i32 {
      %get3A = arith.index_cast %scan3A_132 : i32 to index
      %get3A_134 = arith.constant 0 : index
      %get3A_135 = tpu.vector_load %arg7[%get3A, %get3A_134] {strides = array<i32>} : memref<64x768xf32, #tpu.memory_space<vmem>>, vector<1x16xf32>,
      %get3A_136 = vector.shape_cast %get3A_135 : vector<1x16xf32> to vector<16xf32>
      %get3A_137 = arith.index_cast %scan3A_132 : i32 to index
      %get3A_138 = arith.constant 0 : index
      %get3A_139 = tpu.vector_load %arg8[%get3A_137, %get3A_138] {strides = array<i32>} : memref<64x768xf32, #tpu.memory_space<vmem>>, vector<1x16xf32>,
      %get3A_140 = vector.shape_cast %get3A_139 : vector<1x16xf32> to vector<16xf32>
      %add3A_141 = arith.addf %get3A_136, %get3A_140 : vector<16xf32>
      %swap3A = arith.index_cast %scan3A_132 : i32 to index
      %swap3A_142 = arith.constant 0 : index
      %swap3A_143 = tpu.vector_load %arg7[%swap3A, %swap3A_142] {strides = array<i32>} : memref<64x768xf32, #tpu.memory_space<vmem>>, vector<1x16xf32>,
      %swap3A_144 = vector.shape_cast %swap3A_143 : vector<1x16xf32> to vector<16xf32>
      %swap3A_145 = vector.shape_cast %add3A_141 : vector<16xf32> to vector<1x16xf32>
      tpu.vector_store %arg7[%swap3A, %swap3A_142], %swap3A_145 {strides = array<i32>} : memref<64x768xf32, #tpu.memory_space<vmem>>, vector<1x16xf32>,
      %get3A_146 = arith.index_cast %scan3A_132 : i32 to index
      %get3A_147 = arith.constant 16 : index
      %get3A_148 = tpu.vector_load %arg7[%get3A_146, %get3A_147] {strides = array<i32>} : memref<64x768xf32, #tpu.memory_space<vmem>>, vector<1x16xf32>,
      %get3A_149 = vector.shape_cast %get3A_148 : vector<1x16xf32> to vector<16xf32>
      %get3A_150 = arith.index_cast %scan3A_132 : i32 to index
      %get3A_151 = arith.constant 16 : index
      %get3A_152 = tpu.vector_load %arg8[%get3A_150, %get3A_151] {strides = array<i32>} : memref<64x768xf32, #tpu.memory_space<vmem>>, vector<1x16xf32>,
      %get3A_153 = vector.shape_cast %get3A_152 : vector<1x16xf32> to vector<16xf32>
      %add3A_154 = arith.addf %get3A_149, %get3A_153 : vector<16xf32>
      %swap3A_155 = arith.index_cast %scan3A_132 : i32 to index
      %swap3A_156 = arith.constant 16 : index
      %swap3A_157 = tpu.vector_load %arg7[%swap3A_155, %swap3A_156] {strides = array<i32>} : memref<64x768xf32, #tpu.memory_space<vmem>>, vector<1x16xf32>,
      %swap3A_158 = vector.shape_cast %swap3A_157 : vector<1x16xf32> to vector<16xf32>
      %swap3A_159 = vector.shape_cast %add3A_154 : vector<16xf32> to vector<1x16xf32>
      tpu.vector_store %arg7[%swap3A_155, %swap3A_156], %swap3A_159 {strides = array<i32>} : memref<64x768xf32, #tpu.memory_space<vmem>>, vector<1x16xf32>,
      %get3A_160 = arith.index_cast %scan3A_132 : i32 to index
      %get3A_161 = arith.constant 32 : index
      %get3A_162 = tpu.vector_load %arg7[%get3A_160, %get3A_161] {strides = array<i32>} : memref<64x768xf32, #tpu.memory_space<vmem>>, vector<1x16xf32>,
      %get3A_163 = vector.shape_cast %get3A_162 : vector<1x16xf32> to vector<16xf32>
      %get3A_164 = arith.index_cast %scan3A_132 : i32 to index
      %get3A_165 = arith.constant 32 : index
      %get3A_166 = tpu.vector_load %arg8[%get3A_164, %get3A_165] {strides = array<i32>} : memref<64x768xf32, #tpu.memory_space<vmem>>, vector<1x16xf32>,
      %get3A_167 = vector.shape_cast %get3A_166 : vector<1x16xf32> to vector<16xf32>
      %add3A_168 = arith.addf %get3A_163, %get3A_167 : vector<16xf32>
      %swap3A_169 = arith.index_cast %scan3A_132 : i32 to index
      %swap3A_170 = arith.constant 32 : index
      %swap3A_171 = tpu.vector_load %arg7[%swap3A_169, %swap3A_170] {strides = array<i32>} : memref<64x768xf32, #tpu.memory_space<vmem>>, vector<1x16xf32>,
      %swap3A_172 = vector.shape_cast %swap3A_171 : vector<1x16xf32> to vector<16xf32>
      %swap3A_173 = vector.shape_cast %add3A_168 : vector<16xf32> to vector<1x16xf32>
      tpu.vector_store %arg7[%swap3A_169, %swap3A_170], %swap3A_173 {strides = array<i32>} : memref<64x768xf32, #tpu.memory_space<vmem>>, vector<1x16xf32>,
      %get3A_174 = arith.index_cast %scan3A_132 : i32 to index
      %get3A_175 = arith.constant 48 : index
      %get3A_176 = tpu.vector_load %arg7[%get3A_174, %get3A_175] {strides = array<i32>} : memref<64x768xf32, #tpu.memory_space<vmem>>, vector<1x16xf32>,
      %get3A_177 = vector.shape_cast %get3A_176 : vector<1x16xf32> to vector<16xf32>
      %get3A_178 = arith.index_cast %scan3A_132 : i32 to index
      %get3A_179 = arith.constant 48 : index
      %get3A_180 = tpu.vector_load %arg8[%get3A_178, %get3A_179] {strides = array<i32>} : memref<64x768xf32, #tpu.memory_space<vmem>>, vector<1x16xf32>,
      %get3A_181 = vector.shape_cast %get3A_180 : vector<1x16xf32> to vector<16xf32>
      %add3A_182 = arith.addf %get3A_177, %get3A_181 : vector<16xf32>
      %swap3A_183 = arith.index_cast %scan3A_132 : i32 to index
      %swap3A_184 = arith.constant 48 : index
      %swap3A_185 = tpu.vector_load %arg7[%swap3A_183, %swap3A_184] {strides = array<i32>} : memref<64x768xf32, #tpu.memory_space<vmem>>, vector<1x16xf32>,
      %swap3A_186 = vector.shape_cast %swap3A_185 : vector<1x16xf32> to vector<16xf32>
      %swap3A_187 = vector.shape_cast %add3A_182 : vector<16xf32> to vector<1x16xf32>
      tpu.vector_store %arg7[%swap3A_183, %swap3A_184], %swap3A_187 {strides = array<i32>} : memref<64x768xf32, #tpu.memory_space<vmem>>, vector<1x16xf32>,
      %get3A_188 = arith.index_cast %scan3A_132 : i32 to index
      %get3A_189 = arith.constant 64 : index
      %get3A_190 = tpu.vector_load %arg7[%get3A_188, %get3A_189] {strides = array<i32>} : memref<64x768xf32, #tpu.memory_space<vmem>>, vector<1x16xf32>,
      %get3A_191 = vector.shape_cast %get3A_190 : vector<1x16xf32> to vector<16xf32>
      %get3A_192 = arith.index_cast %scan3A_132 : i32 to index
      %get3A_193 = arith.constant 64 : index
      %get3A_194 = tpu.vector_load %arg8[%get3A_192, %get3A_193] {strides = array<i32>} : memref<64x768xf32, #tpu.memory_space<vmem>>, vector<1x16xf32>,
      %get3A_195 = vector.shape_cast %get3A_194 : vector<1x16xf32> to vector<16xf32>
      %add3A_196 = arith.addf %get3A_191, %get3A_195 : vector<16xf32>
      %swap3A_197 = arith.index_cast %scan3A_132 : i32 to index
      %swap3A_198 = arith.constant 64 : index
      %swap3A_199 = tpu.vector_load %arg7[%swap3A_197, %swap3A_198] {strides = array<i32>} : memref<64x768xf32, #tpu.memory_space<vmem>>, vector<1x16xf32>,
      %swap3A_200 = vector.shape_cast %swap3A_199 : vector<1x16xf32> to vector<16xf32>
      %swap3A_201 = vector.shape_cast %add3A_196 : vector<16xf32> to vector<1x16xf32>
      tpu.vector_store %arg7[%swap3A_197, %swap3A_198], %swap3A_201 {strides = array<i32>} : memref<64x768xf32, #tpu.memory_space<vmem>>, vector<1x16xf32>,
      %get3A_202 = arith.index_cast %scan3A_132 : i32 to index
      %get3A_203 = arith.constant 80 : index
      %get3A_204 = tpu.vector_load %arg7[%get3A_202, %get3A_203] {strides = array<i32>} : memref<64x768xf32, #tpu.memory_space<vmem>>, vector<1x16xf32>,
      %get3A_205 = vector.shape_cast %get3A_204 : vector<1x16xf32> to vector<16xf32>
      %get3A_206 = arith.index_cast %scan3A_132 : i32 to index
      %get3A_207 = arith.constant 80 : index
      %get3A_208 = tpu.vector_load %arg8[%get3A_206, %get3A_207] {strides = array<i32>} : memref<64x768xf32, #tpu.memory_space<vmem>>, vector<1x16xf32>,
      %get3A_209 = vector.shape_cast %get3A_208 : vector<1x16xf32> to vector<16xf32>
      %add3A_210 = arith.addf %get3A_205, %get3A_209 : vector<16xf32>
      %swap3A_211 = arith.index_cast %scan3A_132 : i32 to index
      %swap3A_212 = arith.constant 80 : index
      %swap3A_213 = tpu.vector_load %arg7[%swap3A_211, %swap3A_212] {strides = array<i32>} : memref<64x768xf32, #tpu.memory_space<vmem>>, vector<1x16xf32>,
      %swap3A_214 = vector.shape_cast %swap3A_213 : vector<1x16xf32> to vector<16xf32>
      %swap3A_215 = vector.shape_cast %add3A_210 : vector<16xf32> to vector<1x16xf32>
      tpu.vector_store %arg7[%swap3A_211, %swap3A_212], %swap3A_215 {strides = array<i32>} : memref<64x768xf32, #tpu.memory_space<vmem>>, vector<1x16xf32>,
      %get3A_216 = arith.index_cast %scan3A_132 : i32 to index
      %get3A_217 = arith.constant 96 : index
      %get3A_218 = tpu.vector_load %arg7[%get3A_216, %get3A_217] {strides = array<i32>} : memref<64x768xf32, #tpu.memory_space<vmem>>, vector<1x16xf32>,
      %get3A_219 = vector.shape_cast %get3A_218 : vector<1x16xf32> to vector<16xf32>
      %get3A_220 = arith.index_cast %scan3A_132 : i32 to index
      %get3A_221 = arith.constant 96 : index
      %get3A_222 = tpu.vector_load %arg8[%get3A_220, %get3A_221] {strides = array<i32>} : memref<64x768xf32, #tpu.memory_space<vmem>>, vector<1x16xf32>,
      %get3A_223 = vector.shape_cast %get3A_222 : vector<1x16xf32> to vector<16xf32>
      %add3A_224 = arith.addf %get3A_219, %get3A_223 : vector<16xf32>
      %swap3A_225 = arith.index_cast %scan3A_132 : i32 to index
      %swap3A_226 = arith.constant 96 : index
      %swap3A_227 = tpu.vector_load %arg7[%swap3A_225, %swap3A_226] {strides = array<i32>} : memref<64x768xf32, #tpu.memory_space<vmem>>, vector<1x16xf32>,
      %swap3A_228 = vector.shape_cast %swap3A_227 : vector<1x16xf32> to vector<16xf32>
      %swap3A_229 = vector.shape_cast %add3A_224 : vector<16xf32> to vector<1x16xf32>
      tpu.vector_store %arg7[%swap3A_225, %swap3A_226], %swap3A_229 {strides = array<i32>} : memref<64x768xf32, #tpu.memory_space<vmem>>, vector<1x16xf32>,
      %get3A_230 = arith.index_cast %scan3A_132 : i32 to index
      %get3A_231 = arith.constant 112 : index
      %get3A_232 = tpu.vector_load %arg7[%get3A_230, %get3A_231] {strides = array<i32>} : memref<64x768xf32, #tpu.memory_space<vmem>>, vector<1x16xf32>,
      %get3A_233 = vector.shape_cast %get3A_232 : vector<1x16xf32> to vector<16xf32>
      %get3A_234 = arith.index_cast %scan3A_132 : i32 to index
      %get3A_235 = arith.constant 112 : index
      %get3A_236 = tpu.vector_load %arg8[%get3A_234, %get3A_235] {strides = array<i32>} : memref<64x768xf32, #tpu.memory_space<vmem>>, vector<1x16xf32>,
      %get3A_237 = vector.shape_cast %get3A_236 : vector<1x16xf32> to vector<16xf32>
      %add3A_238 = arith.addf %get3A_233, %get3A_237 : vector<16xf32>
      %swap3A_239 = arith.index_cast %scan3A_132 : i32 to index
      %swap3A_240 = arith.constant 112 : index
      %swap3A_241 = tpu.vector_load %arg7[%swap3A_239, %swap3A_240] {strides = array<i32>} : memref<64x768xf32, #tpu.memory_space<vmem>>, vector<1x16xf32>,
      %swap3A_242 = vector.shape_cast %swap3A_241 : vector<1x16xf32> to vector<16xf32>
      %swap3A_243 = vector.shape_cast %add3A_238 : vector<16xf32> to vector<1x16xf32>
      tpu.vector_store %arg7[%swap3A_239, %swap3A_240], %swap3A_243 {strides = array<i32>} : memref<64x768xf32, #tpu.memory_space<vmem>>, vector<1x16xf32>,
      %get3A_244 = arith.index_cast %scan3A_132 : i32 to index
      %get3A_245 = arith.constant 128 : index
      %get3A_246 = tpu.vector_load %arg7[%get3A_244, %get3A_245] {strides = array<i32>} : memref<64x768xf32, #tpu.memory_space<vmem>>, vector<1x16xf32>,
      %get3A_247 = vector.shape_cast %get3A_246 : vector<1x16xf32> to vector<16xf32>
      %get3A_248 = arith.index_cast %scan3A_132 : i32 to index
      %get3A_249 = arith.constant 128 : index
      %get3A_250 = tpu.vector_load %arg8[%get3A_248, %get3A_249] {strides = array<i32>} : memref<64x768xf32, #tpu.memory_space<vmem>>, vector<1x16xf32>,
      %get3A_251 = vector.shape_cast %get3A_250 : vector<1x16xf32> to vector<16xf32>
      %add3A_252 = arith.addf %get3A_247, %get3A_251 : vector<16xf32>
      %swap3A_253 = arith.index_cast %scan3A_132 : i32 to index
      %swap3A_254 = arith.constant 128 : index
      %swap3A_255 = tpu.vector_load %arg7[%swap3A_253, %swap3A_254] {strides = array<i32>} : memref<64x768xf32, #tpu.memory_space<vmem>>, vector<1x16xf32>,
      %swap3A_256 = vector.shape_cast %swap3A_255 : vector<1x16xf32> to vector<16xf32>
      %swap3A_257 = vector.shape_cast %add3A_252 : vector<16xf32> to vector<1x16xf32>
      tpu.vector_store %arg7[%swap3A_253, %swap3A_254], %swap3A_257 {strides = array<i32>} : memref<64x768xf32, #tpu.memory_space<vmem>>, vector<1x16xf32>,
      %get3A_258 = arith.index_cast %scan3A_132 : i32 to index
      %get3A_259 = arith.constant 144 : index
      %get3A_260 = tpu.vector_load %arg7[%get3A_258, %get3A_259] {strides = array<i32>} : memref<64x768xf32, #tpu.memory_space<vmem>>, vector<1x16xf32>,
      %get3A_261 = vector.shape_cast %get3A_260 : vector<1x16xf32> to vector<16xf32>
      %get3A_262 = arith.index_cast %scan3A_132 : i32 to index
      %get3A_263 = arith.constant 144 : index
      %get3A_264 = tpu.vector_load %arg8[%get3A_262, %get3A_263] {strides = array<i32>} : memref<64x768xf32, #tpu.memory_space<vmem>>, vector<1x16xf32>,
      %get3A_265 = vector.shape_cast %get3A_264 : vector<1x16xf32> to vector<16xf32>
      %add3A_266 = arith.addf %get3A_261, %get3A_265 : vector<16xf32>
      %swap3A_267 = arith.index_cast %scan3A_132 : i32 to index
      %swap3A_268 = arith.constant 144 : index
      %swap3A_269 = tpu.vector_load %arg7[%swap3A_267, %swap3A_268] {strides = array<i32>} : memref<64x768xf32, #tpu.memory_space<vmem>>, vector<1x16xf32>,
      %swap3A_270 = vector.shape_cast %swap3A_269 : vector<1x16xf32> to vector<16xf32>
      %swap3A_271 = vector.shape_cast %add3A_266 : vector<16xf32> to vector<1x16xf32>
      tpu.vector_store %arg7[%swap3A_267, %swap3A_268], %swap3A_271 {strides = array<i32>} : memref<64x768xf32, #tpu.memory_space<vmem>>, vector<1x16xf32>,
      %get3A_272 = arith.index_cast %scan3A_132 : i32 to index
      %get3A_273 = arith.constant 160 : index
      %get3A_274 = tpu.vector_load %arg7[%get3A_272, %get3A_273] {strides = array<i32>} : memref<64x768xf32, #tpu.memory_space<vmem>>, vector<1x16xf32>,
      %get3A_275 = vector.shape_cast %get3A_274 : vector<1x16xf32> to vector<16xf32>
      %get3A_276 = arith.index_cast %scan3A_132 : i32 to index
      %get3A_277 = arith.constant 160 : index
      %get3A_278 = tpu.vector_load %arg8[%get3A_276, %get3A_277] {strides = array<i32>} : memref<64x768xf32, #tpu.memory_space<vmem>>, vector<1x16xf32>,
      %get3A_279 = vector.shape_cast %get3A_278 : vector<1x16xf32> to vector<16xf32>
      %add3A_280 = arith.addf %get3A_275, %get3A_279 : vector<16xf32>
      %swap3A_281 = arith.index_cast %scan3A_132 : i32 to index
      %swap3A_282 = arith.constant 160 : index
      %swap3A_283 = tpu.vector_load %arg7[%swap3A_281, %swap3A_282] {strides = array<i32>} : memref<64x768xf32, #tpu.memory_space<vmem>>, vector<1x16xf32>,
      %swap3A_284 = vector.shape_cast %swap3A_283 : vector<1x16xf32> to vector<16xf32>
      %swap3A_285 = vector.shape_cast %add3A_280 : vector<16xf32> to vector<1x16xf32>
      tpu.vector_store %arg7[%swap3A_281, %swap3A_282], %swap3A_285 {strides = array<i32>} : memref<64x768xf32, #tpu.memory_space<vmem>>, vector<1x16xf32>,
      %get3A_286 = arith.index_cast %scan3A_132 : i32 to index
      %get3A_287 = arith.constant 176 : index
      %get3A_288 = tpu.vector_load %arg7[%get3A_286, %get3A_287] {strides = array<i32>} : memref<64x768xf32, #tpu.memory_space<vmem>>, vector<1x16xf32>,
      %get3A_289 = vector.shape_cast %get3A_288 : vector<1x16xf32> to vector<16xf32>
      %get3A_290 = arith.index_cast %scan3A_132 : i32 to index
      %get3A_291 = arith.constant 176 : index
      %get3A_292 = tpu.vector_load %arg8[%get3A_290, %get3A_291] {strides = array<i32>} : memref<64x768xf32, #tpu.memory_space<vmem>>, vector<1x16xf32>,
      %get3A_293 = vector.shape_cast %get3A_292 : vector<1x16xf32> to vector<16xf32>
      %add3A_294 = arith.addf %get3A_289, %get3A_293 : vector<16xf32>
      %swap3A_295 = arith.index_cast %scan3A_132 : i32 to index
      %swap3A_296 = arith.constant 176 : index
      %swap3A_297 = tpu.vector_load %arg7[%swap3A_295, %swap3A_296] {strides = array<i32>} : memref<64x768xf32, #tpu.memory_space<vmem>>, vector<1x16xf32>,
      %swap3A_298 = vector.shape_cast %swap3A_297 : vector<1x16xf32> to vector<16xf32>
      %swap3A_299 = vector.shape_cast %add3A_294 : vector<16xf32> to vector<1x16xf32>
      tpu.vector_store %arg7[%swap3A_295, %swap3A_296], %swap3A_299 {strides = array<i32>} : memref<64x768xf32, #tpu.memory_space<vmem>>, vector<1x16xf32>,
      %get3A_300 = arith.index_cast %scan3A_132 : i32 to index
      %get3A_301 = arith.constant 192 : index
      %get3A_302 = tpu.vector_load %arg7[%get3A_300, %get3A_301] {strides = array<i32>} : memref<64x768xf32, #tpu.memory_space<vmem>>, vector<1x16xf32>,
      %get3A_303 = vector.shape_cast %get3A_302 : vector<1x16xf32> to vector<16xf32>
      %get3A_304 = arith.index_cast %scan3A_132 : i32 to index
      %get3A_305 = arith.constant 192 : index
      %get3A_306 = tpu.vector_load %arg8[%get3A_304, %get3A_305] {strides = array<i32>} : memref<64x768xf32, #tpu.memory_space<vmem>>, vector<1x16xf32>,
      %get3A_307 = vector.shape_cast %get3A_306 : vector<1x16xf32> to vector<16xf32>
      %add3A_308 = arith.addf %get3A_303, %get3A_307 : vector<16xf32>
      %swap3A_309 = arith.index_cast %scan3A_132 : i32 to index
      %swap3A_310 = arith.constant 192 : index
      %swap3A_311 = tpu.vector_load %arg7[%swap3A_309, %swap3A_310] {strides = array<i32>} : memref<64x768xf32, #tpu.memory_space<vmem>>, vector<1x16xf32>,
      %swap3A_312 = vector.shape_cast %swap3A_311 : vector<1x16xf32> to vector<16xf32>
      %swap3A_313 = vector.shape_cast %add3A_308 : vector<16xf32> to vector<1x16xf32>
      tpu.vector_store %arg7[%swap3A_309, %swap3A_310], %swap3A_313 {strides = array<i32>} : memref<64x768xf32, #tpu.memory_space<vmem>>, vector<1x16xf32>,
      %get3A_314 = arith.index_cast %scan3A_132 : i32 to index
      %get3A_315 = arith.constant 208 : index
      %get3A_316 = tpu.vector_load %arg7[%get3A_314, %get3A_315] {strides = array<i32>} : memref<64x768xf32, #tpu.memory_space<vmem>>, vector<1x16xf32>,
      %get3A_317 = vector.shape_cast %get3A_316 : vector<1x16xf32> to vector<16xf32>
      %get3A_318 = arith.index_cast %scan3A_132 : i32 to index
      %get3A_319 = arith.constant 208 : index
      %get3A_320 = tpu.vector_load %arg8[%get3A_318, %get3A_319] {strides = array<i32>} : memref<64x768xf32, #tpu.memory_space<vmem>>, vector<1x16xf32>,
      %get3A_321 = vector.shape_cast %get3A_320 : vector<1x16xf32> to vector<16xf32>
      %add3A_322 = arith.addf %get3A_317, %get3A_321 : vector<16xf32>
      %swap3A_323 = arith.index_cast %scan3A_132 : i32 to index
      %swap3A_324 = arith.constant 208 : index
      %swap3A_325 = tpu.vector_load %arg7[%swap3A_323, %swap3A_324] {strides = array<i32>} : memref<64x768xf32, #tpu.memory_space<vmem>>, vector<1x16xf32>,
      %swap3A_326 = vector.shape_cast %swap3A_325 : vector<1x16xf32> to vector<16xf32>
      %swap3A_327 = vector.shape_cast %add3A_322 : vector<16xf32> to vector<1x16xf32>
      tpu.vector_store %arg7[%swap3A_323, %swap3A_324], %swap3A_327 {strides = array<i32>} : memref<64x768xf32, #tpu.memory_space<vmem>>, vector<1x16xf32>,
      %get3A_328 = arith.index_cast %scan3A_132 : i32 to index
      %get3A_329 = arith.constant 224 : index
      %get3A_330 = tpu.vector_load %arg7[%get3A_328, %get3A_329] {strides = array<i32>} : memref<64x768xf32, #tpu.memory_space<vmem>>, vector<1x16xf32>,
      %get3A_331 = vector.shape_cast %get3A_330 : vector<1x16xf32> to vector<16xf32>
      %get3A_332 = arith.index_cast %scan3A_132 : i32 to index
      %get3A_333 = arith.constant 224 : index
      %get3A_334 = tpu.vector_load %arg8[%get3A_332, %get3A_333] {strides = array<i32>} : memref<64x768xf32, #tpu.memory_space<vmem>>, vector<1x16xf32>,
      %get3A_335 = vector.shape_cast %get3A_334 : vector<1x16xf32> to vector<16xf32>
      %add3A_336 = arith.addf %get3A_331, %get3A_335 : vector<16xf32>
      %swap3A_337 = arith.index_cast %scan3A_132 : i32 to index
      %swap3A_338 = arith.constant 224 : index
      %swap3A_339 = tpu.vector_load %arg7[%swap3A_337, %swap3A_338] {strides = array<i32>} : memref<64x768xf32, #tpu.memory_space<vmem>>, vector<1x16xf32>,
      %swap3A_340 = vector.shape_cast %swap3A_339 : vector<1x16xf32> to vector<16xf32>
      %swap3A_341 = vector.shape_cast %add3A_336 : vector<16xf32> to vector<1x16xf32>
      tpu.vector_store %arg7[%swap3A_337, %swap3A_338], %swap3A_341 {strides = array<i32>} : memref<64x768xf32, #tpu.memory_space<vmem>>, vector<1x16xf32>,
      %get3A_342 = arith.index_cast %scan3A_132 : i32 to index
      %get3A_343 = arith.constant 240 : index
      %get3A_344 = tpu.vector_load %arg7[%get3A_342, %get3A_343] {strides = array<i32>} : memref<64x768xf32, #tpu.memory_space<vmem>>, vector<1x16xf32>,
      %get3A_345 = vector.shape_cast %get3A_344 : vector<1x16xf32> to vector<16xf32>
      %get3A_346 = arith.index_cast %scan3A_132 : i32 to index
      %get3A_347 = arith.constant 240 : index
      %get3A_348 = tpu.vector_load %arg8[%get3A_346, %get3A_347] {strides = array<i32>} : memref<64x768xf32, #tpu.memory_space<vmem>>, vector<1x16xf32>,
      %get3A_349 = vector.shape_cast %get3A_348 : vector<1x16xf32> to vector<16xf32>
      %add3A_350 = arith.addf %get3A_345, %get3A_349 : vector<16xf32>
      %swap3A_351 = arith.index_cast %scan3A_132 : i32 to index
      %swap3A_352 = arith.constant 240 : index
      %swap3A_353 = tpu.vector_load %arg7[%swap3A_351, %swap3A_352] {strides = array<i32>} : memref<64x768xf32, #tpu.memory_space<vmem>>, vector<1x16xf32>,
      %swap3A_354 = vector.shape_cast %swap3A_353 : vector<1x16xf32> to vector<16xf32>
      %swap3A_355 = vector.shape_cast %add3A_350 : vector<16xf32> to vector<1x16xf32>
      tpu.vector_store %arg7[%swap3A_351, %swap3A_352], %swap3A_355 {strides = array<i32>} : memref<64x768xf32, #tpu.memory_space<vmem>>, vector<1x16xf32>,
      %get3A_356 = arith.index_cast %scan3A_132 : i32 to index
      %get3A_357 = arith.constant 256 : index
      %get3A_358 = tpu.vector_load %arg7[%get3A_356, %get3A_357] {strides = array<i32>} : memref<64x768xf32, #tpu.memory_space<vmem>>, vector<1x16xf32>,
      %get3A_359 = vector.shape_cast %get3A_358 : vector<1x16xf32> to vector<16xf32>
      %get3A_360 = arith.index_cast %scan3A_132 : i32 to index
      %get3A_361 = arith.constant 256 : index
      %get3A_362 = tpu.vector_load %arg8[%get3A_360, %get3A_361] {strides = array<i32>} : memref<64x768xf32, #tpu.memory_space<vmem>>, vector<1x16xf32>,
      %get3A_363 = vector.shape_cast %get3A_362 : vector<1x16xf32> to vector<16xf32>
      %add3A_364 = arith.addf %get3A_359, %get3A_363 : vector<16xf32>
      %swap3A_365 = arith.index_cast %scan3A_132 : i32 to index
      %swap3A_366 = arith.constant 256 : index
      %swap3A_367 = tpu.vector_load %arg7[%swap3A_365, %swap3A_366] {strides = array<i32>} : memref<64x768xf32, #tpu.memory_space<vmem>>, vector<1x16xf32>,
      %swap3A_368 = vector.shape_cast %swap3A_367 : vector<1x16xf32> to vector<16xf32>
      %swap3A_369 = vector.shape_cast %add3A_364 : vector<16xf32> to vector<1x16xf32>
      tpu.vector_store %arg7[%swap3A_365, %swap3A_366], %swap3A_369 {strides = array<i32>} : memref<64x768xf32, #tpu.memory_space<vmem>>, vector<1x16xf32>,
      %get3A_370 = arith.index_cast %scan3A_132 : i32 to index
      %get3A_371 = arith.constant 272 : index
      %get3A_372 = tpu.vector_load %arg7[%get3A_370, %get3A_371] {strides = array<i32>} : memref<64x768xf32, #tpu.memory_space<vmem>>, vector<1x16xf32>,
      %get3A_373 = vector.shape_cast %get3A_372 : vector<1x16xf32> to vector<16xf32>
      %get3A_374 = arith.index_cast %scan3A_132 : i32 to index
      %get3A_375 = arith.constant 272 : index
      %get3A_376 = tpu.vector_load %arg8[%get3A_374, %get3A_375] {strides = array<i32>} : memref<64x768xf32, #tpu.memory_space<vmem>>, vector<1x16xf32>,
      %get3A_377 = vector.shape_cast %get3A_376 : vector<1x16xf32> to vector<16xf32>
      %add3A_378 = arith.addf %get3A_373, %get3A_377 : vector<16xf32>
      %swap3A_379 = arith.index_cast %scan3A_132 : i32 to index
      %swap3A_380 = arith.constant 272 : index
      %swap3A_381 = tpu.vector_load %arg7[%swap3A_379, %swap3A_380] {strides = array<i32>} : memref<64x768xf32, #tpu.memory_space<vmem>>, vector<1x16xf32>,
      %swap3A_382 = vector.shape_cast %swap3A_381 : vector<1x16xf32> to vector<16xf32>
      %swap3A_383 = vector.shape_cast %add3A_378 : vector<16xf32> to vector<1x16xf32>
      tpu.vector_store %arg7[%swap3A_379, %swap3A_380], %swap3A_383 {strides = array<i32>} : memref<64x768xf32, #tpu.memory_space<vmem>>, vector<1x16xf32>,
      %get3A_384 = arith.index_cast %scan3A_132 : i32 to index
      %get3A_385 = arith.constant 288 : index
      %get3A_386 = tpu.vector_load %arg7[%get3A_384, %get3A_385] {strides = array<i32>} : memref<64x768xf32, #tpu.memory_space<vmem>>, vector<1x16xf32>,
      %get3A_387 = vector.shape_cast %get3A_386 : vector<1x16xf32> to vector<16xf32>
      %get3A_388 = arith.index_cast %scan3A_132 : i32 to index
      %get3A_389 = arith.constant 288 : index
      %get3A_390 = tpu.vector_load %arg8[%get3A_388, %get3A_389] {strides = array<i32>} : memref<64x768xf32, #tpu.memory_space<vmem>>, vector<1x16xf32>,
      %get3A_391 = vector.shape_cast %get3A_390 : vector<1x16xf32> to vector<16xf32>
      %add3A_392 = arith.addf %get3A_387, %get3A_391 : vector<16xf32>
      %swap3A_393 = arith.index_cast %scan3A_132 : i32 to index
      %swap3A_394 = arith.constant 288 : index
      %swap3A_395 = tpu.vector_load %arg7[%swap3A_393, %swap3A_394] {strides = array<i32>} : memref<64x768xf32, #tpu.memory_space<vmem>>, vector<1x16xf32>,
      %swap3A_396 = vector.shape_cast %swap3A_395 : vector<1x16xf32> to vector<16xf32>
      %swap3A_397 = vector.shape_cast %add3A_392 : vector<16xf32> to vector<1x16xf32>
      tpu.vector_store %arg7[%swap3A_393, %swap3A_394], %swap3A_397 {strides = array<i32>} : memref<64x768xf32, #tpu.memory_space<vmem>>, vector<1x16xf32>,
      %get3A_398 = arith.index_cast %scan3A_132 : i32 to index
      %get3A_399 = arith.constant 304 : index
      %get3A_400 = tpu.vector_load %arg7[%get3A_398, %get3A_399] {strides = array<i32>} : memref<64x768xf32, #tpu.memory_space<vmem>>, vector<1x16xf32>,
      %get3A_401 = vector.shape_cast %get3A_400 : vector<1x16xf32> to vector<16xf32>
      %get3A_402 = arith.index_cast %scan3A_132 : i32 to index
      %get3A_403 = arith.constant 304 : index
      %get3A_404 = tpu.vector_load %arg8[%get3A_402, %get3A_403] {strides = array<i32>} : memref<64x768xf32, #tpu.memory_space<vmem>>, vector<1x16xf32>,
      %get3A_405 = vector.shape_cast %get3A_404 : vector<1x16xf32> to vector<16xf32>
      %add3A_406 = arith.addf %get3A_401, %get3A_405 : vector<16xf32>
      %swap3A_407 = arith.index_cast %scan3A_132 : i32 to index
      %swap3A_408 = arith.constant 304 : index
      %swap3A_409 = tpu.vector_load %arg7[%swap3A_407, %swap3A_408] {strides = array<i32>} : memref<64x768xf32, #tpu.memory_space<vmem>>, vector<1x16xf32>,
      %swap3A_410 = vector.shape_cast %swap3A_409 : vector<1x16xf32> to vector<16xf32>
      %swap3A_411 = vector.shape_cast %add3A_406 : vector<16xf32> to vector<1x16xf32>
      tpu.vector_store %arg7[%swap3A_407, %swap3A_408], %swap3A_411 {strides = array<i32>} : memref<64x768xf32, #tpu.memory_space<vmem>>, vector<1x16xf32>,
      %get3A_412 = arith.index_cast %scan3A_132 : i32 to index
      %get3A_413 = arith.constant 320 : index
      %get3A_414 = tpu.vector_load %arg7[%get3A_412, %get3A_413] {strides = array<i32>} : memref<64x768xf32, #tpu.memory_space<vmem>>, vector<1x16xf32>,
      %get3A_415 = vector.shape_cast %get3A_414 : vector<1x16xf32> to vector<16xf32>
      %get3A_416 = arith.index_cast %scan3A_132 : i32 to index
      %get3A_417 = arith.constant 320 : index
      %get3A_418 = tpu.vector_load %arg8[%get3A_416, %get3A_417] {strides = array<i32>} : memref<64x768xf32, #tpu.memory_space<vmem>>, vector<1x16xf32>,
      %get3A_419 = vector.shape_cast %get3A_418 : vector<1x16xf32> to vector<16xf32>
      %add3A_420 = arith.addf %get3A_415, %get3A_419 : vector<16xf32>
      %swap3A_421 = arith.index_cast %scan3A_132 : i32 to index
      %swap3A_422 = arith.constant 320 : index
      %swap3A_423 = tpu.vector_load %arg7[%swap3A_421, %swap3A_422] {strides = array<i32>} : memref<64x768xf32, #tpu.memory_space<vmem>>, vector<1x16xf32>,
      %swap3A_424 = vector.shape_cast %swap3A_423 : vector<1x16xf32> to vector<16xf32>
      %swap3A_425 = vector.shape_cast %add3A_420 : vector<16xf32> to vector<1x16xf32>
      tpu.vector_store %arg7[%swap3A_421, %swap3A_422], %swap3A_425 {strides = array<i32>} : memref<64x768xf32, #tpu.memory_space<vmem>>, vector<1x16xf32>,
      %get3A_426 = arith.index_cast %scan3A_132 : i32 to index
      %get3A_427 = arith.constant 336 : index
      %get3A_428 = tpu.vector_load %arg7[%get3A_426, %get3A_427] {strides = array<i32>} : memref<64x768xf32, #tpu.memory_space<vmem>>, vector<1x16xf32>,
      %get3A_429 = vector.shape_cast %get3A_428 : vector<1x16xf32> to vector<16xf32>
      %get3A_430 = arith.index_cast %scan3A_132 : i32 to index
      %get3A_431 = arith.constant 336 : index
      %get3A_432 = tpu.vector_load %arg8[%get3A_430, %get3A_431] {strides = array<i32>} : memref<64x768xf32, #tpu.memory_space<vmem>>, vector<1x16xf32>,
      %get3A_433 = vector.shape_cast %get3A_432 : vector<1x16xf32> to vector<16xf32>
      %add3A_434 = arith.addf %get3A_429, %get3A_433 : vector<16xf32>
      %swap3A_435 = arith.index_cast %scan3A_132 : i32 to index
      %swap3A_436 = arith.constant 336 : index
      %swap3A_437 = tpu.vector_load %arg7[%swap3A_435, %swap3A_436] {strides = array<i32>} : memref<64x768xf32, #tpu.memory_space<vmem>>, vector<1x16xf32>,
      %swap3A_438 = vector.shape_cast %swap3A_437 : vector<1x16xf32> to vector<16xf32>
      %swap3A_439 = vector.shape_cast %add3A_434 : vector<16xf32> to vector<1x16xf32>
      tpu.vector_store %arg7[%swap3A_435, %swap3A_436], %swap3A_439 {strides = array<i32>} : memref<64x768xf32, #tpu.memory_space<vmem>>, vector<1x16xf32>,
      %get3A_440 = arith.index_cast %scan3A_132 : i32 to index
      %get3A_441 = arith.constant 352 : index
      %get3A_442 = tpu.vector_load %arg7[%get3A_440, %get3A_441] {strides = array<i32>} : memref<64x768xf32, #tpu.memory_space<vmem>>, vector<1x16xf32>,
      %get3A_443 = vector.shape_cast %get3A_442 : vector<1x16xf32> to vector<16xf32>
      %get3A_444 = arith.index_cast %scan3A_132 : i32 to index
      %get3A_445 = arith.constant 352 : index
      %get3A_446 = tpu.vector_load %arg8[%get3A_444, %get3A_445] {strides = array<i32>} : memref<64x768xf32, #tpu.memory_space<vmem>>, vector<1x16xf32>,
      %get3A_447 = vector.shape_cast %get3A_446 : vector<1x16xf32> to vector<16xf32>
      %add3A_448 = arith.addf %get3A_443, %get3A_447 : vector<16xf32>
      %swap3A_449 = arith.index_cast %scan3A_132 : i32 to index
      %swap3A_450 = arith.constant 352 : index
      %swap3A_451 = tpu.vector_load %arg7[%swap3A_449, %swap3A_450] {strides = array<i32>} : memref<64x768xf32, #tpu.memory_space<vmem>>, vector<1x16xf32>,
      %swap3A_452 = vector.shape_cast %swap3A_451 : vector<1x16xf32> to vector<16xf32>
      %swap3A_453 = vector.shape_cast %add3A_448 : vector<16xf32> to vector<1x16xf32>
      tpu.vector_store %arg7[%swap3A_449, %swap3A_450], %swap3A_453 {strides = array<i32>} : memref<64x768xf32, #tpu.memory_space<vmem>>, vector<1x16xf32>,
      %get3A_454 = arith.index_cast %scan3A_132 : i32 to index
      %get3A_455 = arith.constant 368 : index
      %get3A_456 = tpu.vector_load %arg7[%get3A_454, %get3A_455] {strides = array<i32>} : memref<64x768xf32, #tpu.memory_space<vmem>>, vector<1x16xf32>,
      %get3A_457 = vector.shape_cast %get3A_456 : vector<1x16xf32> to vector<16xf32>
      %get3A_458 = arith.index_cast %scan3A_132 : i32 to index
      %get3A_459 = arith.constant 368 : index
      %get3A_460 = tpu.vector_load %arg8[%get3A_458, %get3A_459] {strides = array<i32>} : memref<64x768xf32, #tpu.memory_space<vmem>>, vector<1x16xf32>,
      %get3A_461 = vector.shape_cast %get3A_460 : vector<1x16xf32> to vector<16xf32>
      %add3A_462 = arith.addf %get3A_457, %get3A_461 : vector<16xf32>
      %swap3A_463 = arith.index_cast %scan3A_132 : i32 to index
      %swap3A_464 = arith.constant 368 : index
      %swap3A_465 = tpu.vector_load %arg7[%swap3A_463, %swap3A_464] {strides = array<i32>} : memref<64x768xf32, #tpu.memory_space<vmem>>, vector<1x16xf32>,
      %swap3A_466 = vector.shape_cast %swap3A_465 : vector<1x16xf32> to vector<16xf32>
      %swap3A_467 = vector.shape_cast %add3A_462 : vector<16xf32> to vector<1x16xf32>
      tpu.vector_store %arg7[%swap3A_463, %swap3A_464], %swap3A_467 {strides = array<i32>} : memref<64x768xf32, #tpu.memory_space<vmem>>, vector<1x16xf32>,
      %get3A_468 = arith.index_cast %scan3A_132 : i32 to index
      %get3A_469 = arith.constant 384 : index
      %get3A_470 = tpu.vector_load %arg7[%get3A_468, %get3A_469] {strides = array<i32>} : memref<64x768xf32, #tpu.memory_space<vmem>>, vector<1x16xf32>,
      %get3A_471 = vector.shape_cast %get3A_470 : vector<1x16xf32> to vector<16xf32>
      %get3A_472 = arith.index_cast %scan3A_132 : i32 to index
      %get3A_473 = arith.constant 384 : index
      %get3A_474 = tpu.vector_load %arg8[%get3A_472, %get3A_473] {strides = array<i32>} : memref<64x768xf32, #tpu.memory_space<vmem>>, vector<1x16xf32>,
      %get3A_475 = vector.shape_cast %get3A_474 : vector<1x16xf32> to vector<16xf32>
      %add3A_476 = arith.addf %get3A_471, %get3A_475 : vector<16xf32>
      %swap3A_477 = arith.index_cast %scan3A_132 : i32 to index
      %swap3A_478 = arith.constant 384 : index
      %swap3A_479 = tpu.vector_load %arg7[%swap3A_477, %swap3A_478] {strides = array<i32>} : memref<64x768xf32, #tpu.memory_space<vmem>>, vector<1x16xf32>,
      %swap3A_480 = vector.shape_cast %swap3A_479 : vector<1x16xf32> to vector<16xf32>
      %swap3A_481 = vector.shape_cast %add3A_476 : vector<16xf32> to vector<1x16xf32>
      tpu.vector_store %arg7[%swap3A_477, %swap3A_478], %swap3A_481 {strides = array<i32>} : memref<64x768xf32, #tpu.memory_space<vmem>>, vector<1x16xf32>,
      %get3A_482 = arith.index_cast %scan3A_132 : i32 to index
      %get3A_483 = arith.constant 400 : index
      %get3A_484 = tpu.vector_load %arg7[%get3A_482, %get3A_483] {strides = array<i32>} : memref<64x768xf32, #tpu.memory_space<vmem>>, vector<1x16xf32>,
      %get3A_485 = vector.shape_cast %get3A_484 : vector<1x16xf32> to vector<16xf32>
      %get3A_486 = arith.index_cast %scan3A_132 : i32 to index
      %get3A_487 = arith.constant 400 : index
      %get3A_488 = tpu.vector_load %arg8[%get3A_486, %get3A_487] {strides = array<i32>} : memref<64x768xf32, #tpu.memory_space<vmem>>, vector<1x16xf32>,
      %get3A_489 = vector.shape_cast %get3A_488 : vector<1x16xf32> to vector<16xf32>
      %add3A_490 = arith.addf %get3A_485, %get3A_489 : vector<16xf32>
      %swap3A_491 = arith.index_cast %scan3A_132 : i32 to index
      %swap3A_492 = arith.constant 400 : index
      %swap3A_493 = tpu.vector_load %arg7[%swap3A_491, %swap3A_492] {strides = array<i32>} : memref<64x768xf32, #tpu.memory_space<vmem>>, vector<1x16xf32>,
      %swap3A_494 = vector.shape_cast %swap3A_493 : vector<1x16xf32> to vector<16xf32>
      %swap3A_495 = vector.shape_cast %add3A_490 : vector<16xf32> to vector<1x16xf32>
      tpu.vector_store %arg7[%swap3A_491, %swap3A_492], %swap3A_495 {strides = array<i32>} : memref<64x768xf32, #tpu.memory_space<vmem>>, vector<1x16xf32>,
      %get3A_496 = arith.index_cast %scan3A_132 : i32 to index
      %get3A_497 = arith.constant 416 : index
      %get3A_498 = tpu.vector_load %arg7[%get3A_496, %get3A_497] {strides = array<i32>} : memref<64x768xf32, #tpu.memory_space<vmem>>, vector<1x16xf32>,
      %get3A_499 = vector.shape_cast %get3A_498 : vector<1x16xf32> to vector<16xf32>
      %get3A_500 = arith.index_cast %scan3A_132 : i32 to index
      %get3A_501 = arith.constant 416 : index
      %get3A_502 = tpu.vector_load %arg8[%get3A_500, %get3A_501] {strides = array<i32>} : memref<64x768xf32, #tpu.memory_space<vmem>>, vector<1x16xf32>,
      %get3A_503 = vector.shape_cast %get3A_502 : vector<1x16xf32> to vector<16xf32>
      %add3A_504 = arith.addf %get3A_499, %get3A_503 : vector<16xf32>
      %swap3A_505 = arith.index_cast %scan3A_132 : i32 to index
      %swap3A_506 = arith.constant 416 : index
      %swap3A_507 = tpu.vector_load %arg7[%swap3A_505, %swap3A_506] {strides = array<i32>} : memref<64x768xf32, #tpu.memory_space<vmem>>, vector<1x16xf32>,
      %swap3A_508 = vector.shape_cast %swap3A_507 : vector<1x16xf32> to vector<16xf32>
      %swap3A_509 = vector.shape_cast %add3A_504 : vector<16xf32> to vector<1x16xf32>
      tpu.vector_store %arg7[%swap3A_505, %swap3A_506], %swap3A_509 {strides = array<i32>} : memref<64x768xf32, #tpu.memory_space<vmem>>, vector<1x16xf32>,
      %get3A_510 = arith.index_cast %scan3A_132 : i32 to index
      %get3A_511 = arith.constant 432 : index
      %get3A_512 = tpu.vector_load %arg7[%get3A_510, %get3A_511] {strides = array<i32>} : memref<64x768xf32, #tpu.memory_space<vmem>>, vector<1x16xf32>,
      %get3A_513 = vector.shape_cast %get3A_512 : vector<1x16xf32> to vector<16xf32>
      %get3A_514 = arith.index_cast %scan3A_132 : i32 to index
      %get3A_515 = arith.constant 432 : index
      %get3A_516 = tpu.vector_load %arg8[%get3A_514, %get3A_515] {strides = array<i32>} : memref<64x768xf32, #tpu.memory_space<vmem>>, vector<1x16xf32>,
      %get3A_517 = vector.shape_cast %get3A_516 : vector<1x16xf32> to vector<16xf32>
      %add3A_518 = arith.addf %get3A_513, %get3A_517 : vector<16xf32>
      %swap3A_519 = arith.index_cast %scan3A_132 : i32 to index
      %swap3A_520 = arith.constant 432 : index
      %swap3A_521 = tpu.vector_load %arg7[%swap3A_519, %swap3A_520] {strides = array<i32>} : memref<64x768xf32, #tpu.memory_space<vmem>>, vector<1x16xf32>,
      %swap3A_522 = vector.shape_cast %swap3A_521 : vector<1x16xf32> to vector<16xf32>
      %swap3A_523 = vector.shape_cast %add3A_518 : vector<16xf32> to vector<1x16xf32>
      tpu.vector_store %arg7[%swap3A_519, %swap3A_520], %swap3A_523 {strides = array<i32>} : memref<64x768xf32, #tpu.memory_space<vmem>>, vector<1x16xf32>,
      %get3A_524 = arith.index_cast %scan3A_132 : i32 to index
      %get3A_525 = arith.constant 448 : index
      %get3A_526 = tpu.vector_load %arg7[%get3A_524, %get3A_525] {strides = array<i32>} : memref<64x768xf32, #tpu.memory_space<vmem>>, vector<1x16xf32>,
      %get3A_527 = vector.shape_cast %get3A_526 : vector<1x16xf32> to vector<16xf32>
      %get3A_528 = arith.index_cast %scan3A_132 : i32 to index
      %get3A_529 = arith.constant 448 : index
      %get3A_530 = tpu.vector_load %arg8[%get3A_528, %get3A_529] {strides = array<i32>} : memref<64x768xf32, #tpu.memory_space<vmem>>, vector<1x16xf32>,
      %get3A_531 = vector.shape_cast %get3A_530 : vector<1x16xf32> to vector<16xf32>
      %add3A_532 = arith.addf %get3A_527, %get3A_531 : vector<16xf32>
      %swap3A_533 = arith.index_cast %scan3A_132 : i32 to index
      %swap3A_534 = arith.constant 448 : index
      %swap3A_535 = tpu.vector_load %arg7[%swap3A_533, %swap3A_534] {strides = array<i32>} : memref<64x768xf32, #tpu.memory_space<vmem>>, vector<1x16xf32>,
      %swap3A_536 = vector.shape_cast %swap3A_535 : vector<1x16xf32> to vector<16xf32>
      %swap3A_537 = vector.shape_cast %add3A_532 : vector<16xf32> to vector<1x16xf32>
      tpu.vector_store %arg7[%swap3A_533, %swap3A_534], %swap3A_537 {strides = array<i32>} : memref<64x768xf32, #tpu.memory_space<vmem>>, vector<1x16xf32>,
      %get3A_538 = arith.index_cast %scan3A_132 : i32 to index
      %get3A_539 = arith.constant 464 : index
      %get3A_540 = tpu.vector_load %arg7[%get3A_538, %get3A_539] {strides = array<i32>} : memref<64x768xf32, #tpu.memory_space<vmem>>, vector<1x16xf32>,
      %get3A_541 = vector.shape_cast %get3A_540 : vector<1x16xf32> to vector<16xf32>
      %get3A_542 = arith.index_cast %scan3A_132 : i32 to index
      %get3A_543 = arith.constant 464 : index
      %get3A_544 = tpu.vector_load %arg8[%get3A_542, %get3A_543] {strides = array<i32>} : memref<64x768xf32, #tpu.memory_space<vmem>>, vector<1x16xf32>,
      %get3A_545 = vector.shape_cast %get3A_544 : vector<1x16xf32> to vector<16xf32>
      %add3A_546 = arith.addf %get3A_541, %get3A_545 : vector<16xf32>
      %swap3A_547 = arith.index_cast %scan3A_132 : i32 to index
      %swap3A_548 = arith.constant 464 : index
      %swap3A_549 = tpu.vector_load %arg7[%swap3A_547, %swap3A_548] {strides = array<i32>} : memref<64x768xf32, #tpu.memory_space<vmem>>, vector<1x16xf32>,
      %swap3A_550 = vector.shape_cast %swap3A_549 : vector<1x16xf32> to vector<16xf32>
      %swap3A_551 = vector.shape_cast %add3A_546 : vector<16xf32> to vector<1x16xf32>
      tpu.vector_store %arg7[%swap3A_547, %swap3A_548], %swap3A_551 {strides = array<i32>} : memref<64x768xf32, #tpu.memory_space<vmem>>, vector<1x16xf32>,
      %get3A_552 = arith.index_cast %scan3A_132 : i32 to index
      %get3A_553 = arith.constant 480 : index
      %get3A_554 = tpu.vector_load %arg7[%get3A_552, %get3A_553] {strides = array<i32>} : memref<64x768xf32, #tpu.memory_space<vmem>>, vector<1x16xf32>,
      %get3A_555 = vector.shape_cast %get3A_554 : vector<1x16xf32> to vector<16xf32>
      %get3A_556 = arith.index_cast %scan3A_132 : i32 to index
      %get3A_557 = arith.constant 480 : index
      %get3A_558 = tpu.vector_load %arg8[%get3A_556, %get3A_557] {strides = array<i32>} : memref<64x768xf32, #tpu.memory_space<vmem>>, vector<1x16xf32>,
      %get3A_559 = vector.shape_cast %get3A_558 : vector<1x16xf32> to vector<16xf32>
      %add3A_560 = arith.addf %get3A_555, %get3A_559 : vector<16xf32>
      %swap3A_561 = arith.index_cast %scan3A_132 : i32 to index
      %swap3A_562 = arith.constant 480 : index
      %swap3A_563 = tpu.vector_load %arg7[%swap3A_561, %swap3A_562] {strides = array<i32>} : memref<64x768xf32, #tpu.memory_space<vmem>>, vector<1x16xf32>,
      %swap3A_564 = vector.shape_cast %swap3A_563 : vector<1x16xf32> to vector<16xf32>
      %swap3A_565 = vector.shape_cast %add3A_560 : vector<16xf32> to vector<1x16xf32>
      tpu.vector_store %arg7[%swap3A_561, %swap3A_562], %swap3A_565 {strides = array<i32>} : memref<64x768xf32, #tpu.memory_space<vmem>>, vector<1x16xf32>,
      %get3A_566 = arith.index_cast %scan3A_132 : i32 to index
      %get3A_567 = arith.constant 496 : index
      %get3A_568 = tpu.vector_load %arg7[%get3A_566, %get3A_567] {strides = array<i32>} : memref<64x768xf32, #tpu.memory_space<vmem>>, vector<1x16xf32>,
      %get3A_569 = vector.shape_cast %get3A_568 : vector<1x16xf32> to vector<16xf32>
      %get3A_570 = arith.index_cast %scan3A_132 : i32 to index
      %get3A_571 = arith.constant 496 : index
      %get3A_572 = tpu.vector_load %arg8[%get3A_570, %get3A_571] {strides = array<i32>} : memref<64x768xf32, #tpu.memory_space<vmem>>, vector<1x16xf32>,
      %get3A_573 = vector.shape_cast %get3A_572 : vector<1x16xf32> to vector<16xf32>
      %add3A_574 = arith.addf %get3A_569, %get3A_573 : vector<16xf32>
      %swap3A_575 = arith.index_cast %scan3A_132 : i32 to index
      %swap3A_576 = arith.constant 496 : index
      %swap3A_577 = tpu.vector_load %arg7[%swap3A_575, %swap3A_576] {strides = array<i32>} : memref<64x768xf32, #tpu.memory_space<vmem>>, vector<1x16xf32>,
      %swap3A_578 = vector.shape_cast %swap3A_577 : vector<1x16xf32> to vector<16xf32>
      %swap3A_579 = vector.shape_cast %add3A_574 : vector<16xf32> to vector<1x16xf32>
      tpu.vector_store %arg7[%swap3A_575, %swap3A_576], %swap3A_579 {strides = array<i32>} : memref<64x768xf32, #tpu.memory_space<vmem>>, vector<1x16xf32>,
      %get3A_580 = arith.index_cast %scan3A_132 : i32 to index
      %get3A_581 = arith.constant 512 : index
      %get3A_582 = tpu.vector_load %arg7[%get3A_580, %get3A_581] {strides = array<i32>} : memref<64x768xf32, #tpu.memory_space<vmem>>, vector<1x16xf32>,
      %get3A_583 = vector.shape_cast %get3A_582 : vector<1x16xf32> to vector<16xf32>
      %get3A_584 = arith.index_cast %scan3A_132 : i32 to index
      %get3A_585 = arith.constant 512 : index
      %get3A_586 = tpu.vector_load %arg8[%get3A_584, %get3A_585] {strides = array<i32>} : memref<64x768xf32, #tpu.memory_space<vmem>>, vector<1x16xf32>,
      %get3A_587 = vector.shape_cast %get3A_586 : vector<1x16xf32> to vector<16xf32>
      %add3A_588 = arith.addf %get3A_583, %get3A_587 : vector<16xf32>
      %swap3A_589 = arith.index_cast %scan3A_132 : i32 to index
      %swap3A_590 = arith.constant 512 : index
      %swap3A_591 = tpu.vector_load %arg7[%swap3A_589, %swap3A_590] {strides = array<i32>} : memref<64x768xf32, #tpu.memory_space<vmem>>, vector<1x16xf32>,
      %swap3A_592 = vector.shape_cast %swap3A_591 : vector<1x16xf32> to vector<16xf32>
      %swap3A_593 = vector.shape_cast %add3A_588 : vector<16xf32> to vector<1x16xf32>
      tpu.vector_store %arg7[%swap3A_589, %swap3A_590], %swap3A_593 {strides = array<i32>} : memref<64x768xf32, #tpu.memory_space<vmem>>, vector<1x16xf32>,
      %get3A_594 = arith.index_cast %scan3A_132 : i32 to index
      %get3A_595 = arith.constant 528 : index
      %get3A_596 = tpu.vector_load %arg7[%get3A_594, %get3A_595] {strides = array<i32>} : memref<64x768xf32, #tpu.memory_space<vmem>>, vector<1x16xf32>,
      %get3A_597 = vector.shape_cast %get3A_596 : vector<1x16xf32> to vector<16xf32>
      %get3A_598 = arith.index_cast %scan3A_132 : i32 to index
      %get3A_599 = arith.constant 528 : index
      %get3A_600 = tpu.vector_load %arg8[%get3A_598, %get3A_599] {strides = array<i32>} : memref<64x768xf32, #tpu.memory_space<vmem>>, vector<1x16xf32>,
      %get3A_601 = vector.shape_cast %get3A_600 : vector<1x16xf32> to vector<16xf32>
      %add3A_602 = arith.addf %get3A_597, %get3A_601 : vector<16xf32>
      %swap3A_603 = arith.index_cast %scan3A_132 : i32 to index
      %swap3A_604 = arith.constant 528 : index
      %swap3A_605 = tpu.vector_load %arg7[%swap3A_603, %swap3A_604] {strides = array<i32>} : memref<64x768xf32, #tpu.memory_space<vmem>>, vector<1x16xf32>,
      %swap3A_606 = vector.shape_cast %swap3A_605 : vector<1x16xf32> to vector<16xf32>
      %swap3A_607 = vector.shape_cast %add3A_602 : vector<16xf32> to vector<1x16xf32>
      tpu.vector_store %arg7[%swap3A_603, %swap3A_604], %swap3A_607 {strides = array<i32>} : memref<64x768xf32, #tpu.memory_space<vmem>>, vector<1x16xf32>,
      %get3A_608 = arith.index_cast %scan3A_132 : i32 to index
      %get3A_609 = arith.constant 544 : index
      %get3A_610 = tpu.vector_load %arg7[%get3A_608, %get3A_609] {strides = array<i32>} : memref<64x768xf32, #tpu.memory_space<vmem>>, vector<1x16xf32>,
      %get3A_611 = vector.shape_cast %get3A_610 : vector<1x16xf32> to vector<16xf32>
      %get3A_612 = arith.index_cast %scan3A_132 : i32 to index
      %get3A_613 = arith.constant 544 : index
      %get3A_614 = tpu.vector_load %arg8[%get3A_612, %get3A_613] {strides = array<i32>} : memref<64x768xf32, #tpu.memory_space<vmem>>, vector<1x16xf32>,
      %get3A_615 = vector.shape_cast %get3A_614 : vector<1x16xf32> to vector<16xf32>
      %add3A_616 = arith.addf %get3A_611, %get3A_615 : vector<16xf32>
      %swap3A_617 = arith.index_cast %scan3A_132 : i32 to index
      %swap3A_618 = arith.constant 544 : index
      %swap3A_619 = tpu.vector_load %arg7[%swap3A_617, %swap3A_618] {strides = array<i32>} : memref<64x768xf32, #tpu.memory_space<vmem>>, vector<1x16xf32>,
      %swap3A_620 = vector.shape_cast %swap3A_619 : vector<1x16xf32> to vector<16xf32>
      %swap3A_621 = vector.shape_cast %add3A_616 : vector<16xf32> to vector<1x16xf32>
      tpu.vector_store %arg7[%swap3A_617, %swap3A_618], %swap3A_621 {strides = array<i32>} : memref<64x768xf32, #tpu.memory_space<vmem>>, vector<1x16xf32>,
      %get3A_622 = arith.index_cast %scan3A_132 : i32 to index
      %get3A_623 = arith.constant 560 : index
      %get3A_624 = tpu.vector_load %arg7[%get3A_622, %get3A_623] {strides = array<i32>} : memref<64x768xf32, #tpu.memory_space<vmem>>, vector<1x16xf32>,
      %get3A_625 = vector.shape_cast %get3A_624 : vector<1x16xf32> to vector<16xf32>
      %get3A_626 = arith.index_cast %scan3A_132 : i32 to index
      %get3A_627 = arith.constant 560 : index
      %get3A_628 = tpu.vector_load %arg8[%get3A_626, %get3A_627] {strides = array<i32>} : memref<64x768xf32, #tpu.memory_space<vmem>>, vector<1x16xf32>,
      %get3A_629 = vector.shape_cast %get3A_628 : vector<1x16xf32> to vector<16xf32>
      %add3A_630 = arith.addf %get3A_625, %get3A_629 : vector<16xf32>
      %swap3A_631 = arith.index_cast %scan3A_132 : i32 to index
      %swap3A_632 = arith.constant 560 : index
      %swap3A_633 = tpu.vector_load %arg7[%swap3A_631, %swap3A_632] {strides = array<i32>} : memref<64x768xf32, #tpu.memory_space<vmem>>, vector<1x16xf32>,
      %swap3A_634 = vector.shape_cast %swap3A_633 : vector<1x16xf32> to vector<16xf32>
      %swap3A_635 = vector.shape_cast %add3A_630 : vector<16xf32> to vector<1x16xf32>
      tpu.vector_store %arg7[%swap3A_631, %swap3A_632], %swap3A_635 {strides = array<i32>} : memref<64x768xf32, #tpu.memory_space<vmem>>, vector<1x16xf32>,
      %get3A_636 = arith.index_cast %scan3A_132 : i32 to index
      %get3A_637 = arith.constant 576 : index
      %get3A_638 = tpu.vector_load %arg7[%get3A_636, %get3A_637] {strides = array<i32>} : memref<64x768xf32, #tpu.memory_space<vmem>>, vector<1x16xf32>,
      %get3A_639 = vector.shape_cast %get3A_638 : vector<1x16xf32> to vector<16xf32>
      %get3A_640 = arith.index_cast %scan3A_132 : i32 to index
      %get3A_641 = arith.constant 576 : index
      %get3A_642 = tpu.vector_load %arg8[%get3A_640, %get3A_641] {strides = array<i32>} : memref<64x768xf32, #tpu.memory_space<vmem>>, vector<1x16xf32>,
      %get3A_643 = vector.shape_cast %get3A_642 : vector<1x16xf32> to vector<16xf32>
      %add3A_644 = arith.addf %get3A_639, %get3A_643 : vector<16xf32>
      %swap3A_645 = arith.index_cast %scan3A_132 : i32 to index
      %swap3A_646 = arith.constant 576 : index
      %swap3A_647 = tpu.vector_load %arg7[%swap3A_645, %swap3A_646] {strides = array<i32>} : memref<64x768xf32, #tpu.memory_space<vmem>>, vector<1x16xf32>,
      %swap3A_648 = vector.shape_cast %swap3A_647 : vector<1x16xf32> to vector<16xf32>
      %swap3A_649 = vector.shape_cast %add3A_644 : vector<16xf32> to vector<1x16xf32>
      tpu.vector_store %arg7[%swap3A_645, %swap3A_646], %swap3A_649 {strides = array<i32>} : memref<64x768xf32, #tpu.memory_space<vmem>>, vector<1x16xf32>,
      %get3A_650 = arith.index_cast %scan3A_132 : i32 to index
      %get3A_651 = arith.constant 592 : index
      %get3A_652 = tpu.vector_load %arg7[%get3A_650, %get3A_651] {strides = array<i32>} : memref<64x768xf32, #tpu.memory_space<vmem>>, vector<1x16xf32>,
      %get3A_653 = vector.shape_cast %get3A_652 : vector<1x16xf32> to vector<16xf32>
      %get3A_654 = arith.index_cast %scan3A_132 : i32 to index
      %get3A_655 = arith.constant 592 : index
      %get3A_656 = tpu.vector_load %arg8[%get3A_654, %get3A_655] {strides = array<i32>} : memref<64x768xf32, #tpu.memory_space<vmem>>, vector<1x16xf32>,
      %get3A_657 = vector.shape_cast %get3A_656 : vector<1x16xf32> to vector<16xf32>
      %add3A_658 = arith.addf %get3A_653, %get3A_657 : vector<16xf32>
      %swap3A_659 = arith.index_cast %scan3A_132 : i32 to index
      %swap3A_660 = arith.constant 592 : index
      %swap3A_661 = tpu.vector_load %arg7[%swap3A_659, %swap3A_660] {strides = array<i32>} : memref<64x768xf32, #tpu.memory_space<vmem>>, vector<1x16xf32>,
      %swap3A_662 = vector.shape_cast %swap3A_661 : vector<1x16xf32> to vector<16xf32>
      %swap3A_663 = vector.shape_cast %add3A_658 : vector<16xf32> to vector<1x16xf32>
      tpu.vector_store %arg7[%swap3A_659, %swap3A_660], %swap3A_663 {strides = array<i32>} : memref<64x768xf32, #tpu.memory_space<vmem>>, vector<1x16xf32>,
      %get3A_664 = arith.index_cast %scan3A_132 : i32 to index
      %get3A_665 = arith.constant 608 : index
      %get3A_666 = tpu.vector_load %arg7[%get3A_664, %get3A_665] {strides = array<i32>} : memref<64x768xf32, #tpu.memory_space<vmem>>, vector<1x16xf32>,
      %get3A_667 = vector.shape_cast %get3A_666 : vector<1x16xf32> to vector<16xf32>
      %get3A_668 = arith.index_cast %scan3A_132 : i32 to index
      %get3A_669 = arith.constant 608 : index
      %get3A_670 = tpu.vector_load %arg8[%get3A_668, %get3A_669] {strides = array<i32>} : memref<64x768xf32, #tpu.memory_space<vmem>>, vector<1x16xf32>,
      %get3A_671 = vector.shape_cast %get3A_670 : vector<1x16xf32> to vector<16xf32>
      %add3A_672 = arith.addf %get3A_667, %get3A_671 : vector<16xf32>
      %swap3A_673 = arith.index_cast %scan3A_132 : i32 to index
      %swap3A_674 = arith.constant 608 : index
      %swap3A_675 = tpu.vector_load %arg7[%swap3A_673, %swap3A_674] {strides = array<i32>} : memref<64x768xf32, #tpu.memory_space<vmem>>, vector<1x16xf32>,
      %swap3A_676 = vector.shape_cast %swap3A_675 : vector<1x16xf32> to vector<16xf32>
      %swap3A_677 = vector.shape_cast %add3A_672 : vector<16xf32> to vector<1x16xf32>
      tpu.vector_store %arg7[%swap3A_673, %swap3A_674], %swap3A_677 {strides = array<i32>} : memref<64x768xf32, #tpu.memory_space<vmem>>, vector<1x16xf32>,
      %get3A_678 = arith.index_cast %scan3A_132 : i32 to index
      %get3A_679 = arith.constant 624 : index
      %get3A_680 = tpu.vector_load %arg7[%get3A_678, %get3A_679] {strides = array<i32>} : memref<64x768xf32, #tpu.memory_space<vmem>>, vector<1x16xf32>,
      %get3A_681 = vector.shape_cast %get3A_680 : vector<1x16xf32> to vector<16xf32>
      %get3A_682 = arith.index_cast %scan3A_132 : i32 to index
      %get3A_683 = arith.constant 624 : index
      %get3A_684 = tpu.vector_load %arg8[%get3A_682, %get3A_683] {strides = array<i32>} : memref<64x768xf32, #tpu.memory_space<vmem>>, vector<1x16xf32>,
      %get3A_685 = vector.shape_cast %get3A_684 : vector<1x16xf32> to vector<16xf32>
      %add3A_686 = arith.addf %get3A_681, %get3A_685 : vector<16xf32>
      %swap3A_687 = arith.index_cast %scan3A_132 : i32 to index
      %swap3A_688 = arith.constant 624 : index
      %swap3A_689 = tpu.vector_load %arg7[%swap3A_687, %swap3A_688] {strides = array<i32>} : memref<64x768xf32, #tpu.memory_space<vmem>>, vector<1x16xf32>,
      %swap3A_690 = vector.shape_cast %swap3A_689 : vector<1x16xf32> to vector<16xf32>
      %swap3A_691 = vector.shape_cast %add3A_686 : vector<16xf32> to vector<1x16xf32>
      tpu.vector_store %arg7[%swap3A_687, %swap3A_688], %swap3A_691 {strides = array<i32>} : memref<64x768xf32, #tpu.memory_space<vmem>>, vector<1x16xf32>,
      %get3A_692 = arith.index_cast %scan3A_132 : i32 to index
      %get3A_693 = arith.constant 640 : index
      %get3A_694 = tpu.vector_load %arg7[%get3A_692, %get3A_693] {strides = array<i32>} : memref<64x768xf32, #tpu.memory_space<vmem>>, vector<1x16xf32>,
      %get3A_695 = vector.shape_cast %get3A_694 : vector<1x16xf32> to vector<16xf32>
      %get3A_696 = arith.index_cast %scan3A_132 : i32 to index
      %get3A_697 = arith.constant 640 : index
      %get3A_698 = tpu.vector_load %arg8[%get3A_696, %get3A_697] {strides = array<i32>} : memref<64x768xf32, #tpu.memory_space<vmem>>, vector<1x16xf32>,
      %get3A_699 = vector.shape_cast %get3A_698 : vector<1x16xf32> to vector<16xf32>
      %add3A_700 = arith.addf %get3A_695, %get3A_699 : vector<16xf32>
      %swap3A_701 = arith.index_cast %scan3A_132 : i32 to index
      %swap3A_702 = arith.constant 640 : index
      %swap3A_703 = tpu.vector_load %arg7[%swap3A_701, %swap3A_702] {strides = array<i32>} : memref<64x768xf32, #tpu.memory_space<vmem>>, vector<1x16xf32>,
      %swap3A_704 = vector.shape_cast %swap3A_703 : vector<1x16xf32> to vector<16xf32>
      %swap3A_705 = vector.shape_cast %add3A_700 : vector<16xf32> to vector<1x16xf32>
      tpu.vector_store %arg7[%swap3A_701, %swap3A_702], %swap3A_705 {strides = array<i32>} : memref<64x768xf32, #tpu.memory_space<vmem>>, vector<1x16xf32>,
      %get3A_706 = arith.index_cast %scan3A_132 : i32 to index
      %get3A_707 = arith.constant 656 : index
      %get3A_708 = tpu.vector_load %arg7[%get3A_706, %get3A_707] {strides = array<i32>} : memref<64x768xf32, #tpu.memory_space<vmem>>, vector<1x16xf32>,
      %get3A_709 = vector.shape_cast %get3A_708 : vector<1x16xf32> to vector<16xf32>
      %get3A_710 = arith.index_cast %scan3A_132 : i32 to index
      %get3A_711 = arith.constant 656 : index
      %get3A_712 = tpu.vector_load %arg8[%get3A_710, %get3A_711] {strides = array<i32>} : memref<64x768xf32, #tpu.memory_space<vmem>>, vector<1x16xf32>,
      %get3A_713 = vector.shape_cast %get3A_712 : vector<1x16xf32> to vector<16xf32>
      %add3A_714 = arith.addf %get3A_709, %get3A_713 : vector<16xf32>
      %swap3A_715 = arith.index_cast %scan3A_132 : i32 to index
      %swap3A_716 = arith.constant 656 : index
      %swap3A_717 = tpu.vector_load %arg7[%swap3A_715, %swap3A_716] {strides = array<i32>} : memref<64x768xf32, #tpu.memory_space<vmem>>, vector<1x16xf32>,
      %swap3A_718 = vector.shape_cast %swap3A_717 : vector<1x16xf32> to vector<16xf32>
      %swap3A_719 = vector.shape_cast %add3A_714 : vector<16xf32> to vector<1x16xf32>
      tpu.vector_store %arg7[%swap3A_715, %swap3A_716], %swap3A_719 {strides = array<i32>} : memref<64x768xf32, #tpu.memory_space<vmem>>, vector<1x16xf32>,
      %get3A_720 = arith.index_cast %scan3A_132 : i32 to index
      %get3A_721 = arith.constant 672 : index
      %get3A_722 = tpu.vector_load %arg7[%get3A_720, %get3A_721] {strides = array<i32>} : memref<64x768xf32, #tpu.memory_space<vmem>>, vector<1x16xf32>,
      %get3A_723 = vector.shape_cast %get3A_722 : vector<1x16xf32> to vector<16xf32>
      %get3A_724 = arith.index_cast %scan3A_132 : i32 to index
      %get3A_725 = arith.constant 672 : index
      %get3A_726 = tpu.vector_load %arg8[%get3A_724, %get3A_725] {strides = array<i32>} : memref<64x768xf32, #tpu.memory_space<vmem>>, vector<1x16xf32>,
      %get3A_727 = vector.shape_cast %get3A_726 : vector<1x16xf32> to vector<16xf32>
      %add3A_728 = arith.addf %get3A_723, %get3A_727 : vector<16xf32>
      %swap3A_729 = arith.index_cast %scan3A_132 : i32 to index
      %swap3A_730 = arith.constant 672 : index
      %swap3A_731 = tpu.vector_load %arg7[%swap3A_729, %swap3A_730] {strides = array<i32>} : memref<64x768xf32, #tpu.memory_space<vmem>>, vector<1x16xf32>,
      %swap3A_732 = vector.shape_cast %swap3A_731 : vector<1x16xf32> to vector<16xf32>
      %swap3A_733 = vector.shape_cast %add3A_728 : vector<16xf32> to vector<1x16xf32>
      tpu.vector_store %arg7[%swap3A_729, %swap3A_730], %swap3A_733 {strides = array<i32>} : memref<64x768xf32, #tpu.memory_space<vmem>>, vector<1x16xf32>,
      %get3A_734 = arith.index_cast %scan3A_132 : i32 to index
      %get3A_735 = arith.constant 688 : index
      %get3A_736 = tpu.vector_load %arg7[%get3A_734, %get3A_735] {strides = array<i32>} : memref<64x768xf32, #tpu.memory_space<vmem>>, vector<1x16xf32>,
      %get3A_737 = vector.shape_cast %get3A_736 : vector<1x16xf32> to vector<16xf32>
      %get3A_738 = arith.index_cast %scan3A_132 : i32 to index
      %get3A_739 = arith.constant 688 : index
      %get3A_740 = tpu.vector_load %arg8[%get3A_738, %get3A_739] {strides = array<i32>} : memref<64x768xf32, #tpu.memory_space<vmem>>, vector<1x16xf32>,
      %get3A_741 = vector.shape_cast %get3A_740 : vector<1x16xf32> to vector<16xf32>
      %add3A_742 = arith.addf %get3A_737, %get3A_741 : vector<16xf32>
      %swap3A_743 = arith.index_cast %scan3A_132 : i32 to index
      %swap3A_744 = arith.constant 688 : index
      %swap3A_745 = tpu.vector_load %arg7[%swap3A_743, %swap3A_744] {strides = array<i32>} : memref<64x768xf32, #tpu.memory_space<vmem>>, vector<1x16xf32>,
      %swap3A_746 = vector.shape_cast %swap3A_745 : vector<1x16xf32> to vector<16xf32>
      %swap3A_747 = vector.shape_cast %add3A_742 : vector<16xf32> to vector<1x16xf32>
      tpu.vector_store %arg7[%swap3A_743, %swap3A_744], %swap3A_747 {strides = array<i32>} : memref<64x768xf32, #tpu.memory_space<vmem>>, vector<1x16xf32>,
      %get3A_748 = arith.index_cast %scan3A_132 : i32 to index
      %get3A_749 = arith.constant 704 : index
      %get3A_750 = tpu.vector_load %arg7[%get3A_748, %get3A_749] {strides = array<i32>} : memref<64x768xf32, #tpu.memory_space<vmem>>, vector<1x16xf32>,
      %get3A_751 = vector.shape_cast %get3A_750 : vector<1x16xf32> to vector<16xf32>
      %get3A_752 = arith.index_cast %scan3A_132 : i32 to index
      %get3A_753 = arith.constant 704 : index
      %get3A_754 = tpu.vector_load %arg8[%get3A_752, %get3A_753] {strides = array<i32>} : memref<64x768xf32, #tpu.memory_space<vmem>>, vector<1x16xf32>,
      %get3A_755 = vector.shape_cast %get3A_754 : vector<1x16xf32> to vector<16xf32>
      %add3A_756 = arith.addf %get3A_751, %get3A_755 : vector<16xf32>
      %swap3A_757 = arith.index_cast %scan3A_132 : i32 to index
      %swap3A_758 = arith.constant 704 : index
      %swap3A_759 = tpu.vector_load %arg7[%swap3A_757, %swap3A_758] {strides = array<i32>} : memref<64x768xf32, #tpu.memory_space<vmem>>, vector<1x16xf32>,
      %swap3A_760 = vector.shape_cast %swap3A_759 : vector<1x16xf32> to vector<16xf32>
      %swap3A_761 = vector.shape_cast %add3A_756 : vector<16xf32> to vector<1x16xf32>
      tpu.vector_store %arg7[%swap3A_757, %swap3A_758], %swap3A_761 {strides = array<i32>} : memref<64x768xf32, #tpu.memory_space<vmem>>, vector<1x16xf32>,
      %get3A_762 = arith.index_cast %scan3A_132 : i32 to index
      %get3A_763 = arith.constant 720 : index
      %get3A_764 = tpu.vector_load %arg7[%get3A_762, %get3A_763] {strides = array<i32>} : memref<64x768xf32, #tpu.memory_space<vmem>>, vector<1x16xf32>,
      %get3A_765 = vector.shape_cast %get3A_764 : vector<1x16xf32> to vector<16xf32>
      %get3A_766 = arith.index_cast %scan3A_132 : i32 to index
      %get3A_767 = arith.constant 720 : index
      %get3A_768 = tpu.vector_load %arg8[%get3A_766, %get3A_767] {strides = array<i32>} : memref<64x768xf32, #tpu.memory_space<vmem>>, vector<1x16xf32>,
      %get3A_769 = vector.shape_cast %get3A_768 : vector<1x16xf32> to vector<16xf32>
      %add3A_770 = arith.addf %get3A_765, %get3A_769 : vector<16xf32>
      %swap3A_771 = arith.index_cast %scan3A_132 : i32 to index
      %swap3A_772 = arith.constant 720 : index
      %swap3A_773 = tpu.vector_load %arg7[%swap3A_771, %swap3A_772] {strides = array<i32>} : memref<64x768xf32, #tpu.memory_space<vmem>>, vector<1x16xf32>,
      %swap3A_774 = vector.shape_cast %swap3A_773 : vector<1x16xf32> to vector<16xf32>
      %swap3A_775 = vector.shape_cast %add3A_770 : vector<16xf32> to vector<1x16xf32>
      tpu.vector_store %arg7[%swap3A_771, %swap3A_772], %swap3A_775 {strides = array<i32>} : memref<64x768xf32, #tpu.memory_space<vmem>>, vector<1x16xf32>,
      %get3A_776 = arith.index_cast %scan3A_132 : i32 to index
      %get3A_777 = arith.constant 736 : index
      %get3A_778 = tpu.vector_load %arg7[%get3A_776, %get3A_777] {strides = array<i32>} : memref<64x768xf32, #tpu.memory_space<vmem>>, vector<1x16xf32>,
      %get3A_779 = vector.shape_cast %get3A_778 : vector<1x16xf32> to vector<16xf32>
      %get3A_780 = arith.index_cast %scan3A_132 : i32 to index
      %get3A_781 = arith.constant 736 : index
      %get3A_782 = tpu.vector_load %arg8[%get3A_780, %get3A_781] {strides = array<i32>} : memref<64x768xf32, #tpu.memory_space<vmem>>, vector<1x16xf32>,
      %get3A_783 = vector.shape_cast %get3A_782 : vector<1x16xf32> to vector<16xf32>
      %add3A_784 = arith.addf %get3A_779, %get3A_783 : vector<16xf32>
      %swap3A_785 = arith.index_cast %scan3A_132 : i32 to index
      %swap3A_786 = arith.constant 736 : index
      %swap3A_787 = tpu.vector_load %arg7[%swap3A_785, %swap3A_786] {strides = array<i32>} : memref<64x768xf32, #tpu.memory_space<vmem>>, vector<1x16xf32>,
      %swap3A_788 = vector.shape_cast %swap3A_787 : vector<1x16xf32> to vector<16xf32>
      %swap3A_789 = vector.shape_cast %add3A_784 : vector<16xf32> to vector<1x16xf32>
      tpu.vector_store %arg7[%swap3A_785, %swap3A_786], %swap3A_789 {strides = array<i32>} : memref<64x768xf32, #tpu.memory_space<vmem>>, vector<1x16xf32>,
      %get3A_790 = arith.index_cast %scan3A_132 : i32 to index
      %get3A_791 = arith.constant 752 : index
      %get3A_792 = tpu.vector_load %arg7[%get3A_790, %get3A_791] {strides = array<i32>} : memref<64x768xf32, #tpu.memory_space<vmem>>, vector<1x16xf32>,
      %get3A_793 = vector.shape_cast %get3A_792 : vector<1x16xf32> to vector<16xf32>
      %get3A_794 = arith.index_cast %scan3A_132 : i32 to index
      %get3A_795 = arith.constant 752 : index
      %get3A_796 = tpu.vector_load %arg8[%get3A_794, %get3A_795] {strides = array<i32>} : memref<64x768xf32, #tpu.memory_space<vmem>>, vector<1x16xf32>,
      %get3A_797 = vector.shape_cast %get3A_796 : vector<1x16xf32> to vector<16xf32>
      %add3A_798 = arith.addf %get3A_793, %get3A_797 : vector<16xf32>
      %swap3A_799 = arith.index_cast %scan3A_132 : i32 to index
      %swap3A_800 = arith.constant 752 : index
      %swap3A_801 = tpu.vector_load %arg7[%swap3A_799, %swap3A_800] {strides = array<i32>} : memref<64x768xf32, #tpu.memory_space<vmem>>, vector<1x16xf32>,
      %swap3A_802 = vector.shape_cast %swap3A_801 : vector<1x16xf32> to vector<16xf32>
      %swap3A_803 = vector.shape_cast %add3A_798 : vector<16xf32> to vector<1x16xf32>
      tpu.vector_store %arg7[%swap3A_799, %swap3A_800], %swap3A_803 {strides = array<i32>} : memref<64x768xf32, #tpu.memory_space<vmem>>, vector<1x16xf32>,
      %scan3A_804 = arith.constant 0 : i32
      scf.yield %scan3A_804 : i32
    }
    %scan3A_64 = arith.constant 32 : i32
    %add3A_65 = arith.constant 0 : i32
    %add3A_66 = arith.addi %mul3A_2, %add3A_65 : i32
    %dma_start3A_67 = arith.constant 0 : i32
    %dma_start3A_68 = arith.constant 0 : i32
    %dma_start3A_69 = tpu.memref_slice %arg7[%dma_start3A_67, %dma_start3A_68] : memref<64x768xf32, #tpu.memory_space<vmem>> -> memref<32x768xf32, #tpu.memory_space<vmem>>
    %dma_start3A_70 = arith.constant 0 : i32
    %dma_start3A_71 = tpu.memref_slice %arg4[%add3A_66, %dma_start3A_70] : memref<2048x768xf32, #tpu.memory_space<hbm>> -> memref<32x768xf32, #tpu.memory_space<hbm>>
    %dma_start3A_72 = arith.constant 0 : i32
    %dma_start3A_73 = tpu.memref_slice %arg4[%add3A_66, %dma_start3A_72] : memref<2048x768xf32, #tpu.memory_space<hbm>> -> memref<32x768xf32, #tpu.memory_space<hbm>>
    %dma_start3A_74 = arith.constant 0 : i32
    %dma_start3A_75 = arith.constant 0 : i32
    %dma_start3A_76 = tpu.memref_slice %arg7[%dma_start3A_74, %dma_start3A_75] : memref<64x768xf32, #tpu.memory_space<vmem>> -> memref<32x768xf32, #tpu.memory_space<vmem>>
    tpu.enqueue_dma source(%dma_start3A_76 : memref<32x768xf32, #tpu.memory_space<vmem>>) target(%dma_start3A_73 : memref<32x768xf32, #tpu.memory_space<hbm>>) target_semaphore(%arg11 : memref<!tpu.dma_semaphore, #tpu.memory_space<semaphore_mem>>)
    %dma_wait3A_77 = arith.constant 32 : i32
    %dma_wait3A_78 = arith.constant 0 : i32
    %dma_wait3A_79 = tpu.memref_slice %arg7[%dma_wait3A_77, %dma_wait3A_78] : memref<64x768xf32, #tpu.memory_space<vmem>> -> memref<32x768xf32, #tpu.memory_space<vmem>>
    %dma_wait3A_80 = arith.constant 32 : i32
    %dma_wait3A_81 = tpu.memref_slice %arg5[%dma_wait3A_80] : memref<64xi32, #tpu.memory_space<vmem>> -> memref<32xi32, #tpu.memory_space<vmem>>
    %dma_wait3A_82 = arith.constant 0 : i32
    %dma_wait3A_83 = arith.constant 0 : i32
    %dma_wait3A_84 = tpu.memref_slice %arg2[%dma_wait3A_82, %dma_wait3A_83] : memref<6144x768xf32, #tpu.memory_space<hbm>> -> memref<6144x768xf32, #tpu.memory_space<hbm>>
    tpu.wait_indirect_dma semaphore(%arg9 : memref<!tpu.dma_semaphore, #tpu.memory_space<semaphore_mem>>) src(%dma_wait3A_84 : memref<6144x768xf32, #tpu.memory_space<hbm>>) dst(%dma_wait3A_79 : memref<32x768xf32, #tpu.memory_space<vmem>>)
    %dma_wait3A_85 = arith.constant 32 : i32
    %dma_wait3A_86 = arith.constant 0 : i32
    %dma_wait3A_87 = tpu.memref_slice %arg8[%dma_wait3A_85, %dma_wait3A_86] : memref<64x768xf32, #tpu.memory_space<vmem>> -> memref<32x768xf32, #tpu.memory_space<vmem>>
    %dma_wait3A_88 = arith.constant 32 : i32
    %dma_wait3A_89 = tpu.memref_slice %arg6[%dma_wait3A_88] : memref<64xi32, #tpu.memory_space<vmem>> -> memref<32xi32, #tpu.memory_space<vmem>>
    %dma_wait3A_90 = arith.constant 0 : i32
    %dma_wait3A_91 = arith.constant 0 : i32
    %dma_wait3A_92 = tpu.memref_slice %arg2[%dma_wait3A_90, %dma_wait3A_91] : memref<6144x768xf32, #tpu.memory_space<hbm>> -> memref<6144x768xf32, #tpu.memory_space<hbm>>
    tpu.wait_indirect_dma semaphore(%arg10 : memref<!tpu.dma_semaphore, #tpu.memory_space<semaphore_mem>>) src(%dma_wait3A_92 : memref<6144x768xf32, #tpu.memory_space<hbm>>) dst(%dma_wait3A_87 : memref<32x768xf32, #tpu.memory_space<vmem>>)
    %scan3A_93 = arith.constant 0 : i32
    %scan3A_94 = arith.constant 32 : i32
    %scan3A_95 = arith.constant 32 : i32
    %scan3A_96 = arith.addi %scan3A_94, %scan3A_95 : i32
    %scan3A_97 = arith.constant 1 : i32
    %scan3A_98 = scf.for %scan3A_132 = %scan3A_94 to %scan3A_96 step %scan3A_97 iter_args(%scan3A_133 = %scan3A_93) -> (i32)  : i32 {
      %get3A = arith.index_cast %scan3A_132 : i32 to index
      %get3A_134 = arith.constant 0 : index
      %get3A_135 = tpu.vector_load %arg7[%get3A, %get3A_134] {strides = array<i32>} : memref<64x768xf32, #tpu.memory_space<vmem>>, vector<1x16xf32>,
      %get3A_136 = vector.shape_cast %get3A_135 : vector<1x16xf32> to vector<16xf32>
      %get3A_137 = arith.index_cast %scan3A_132 : i32 to index
      %get3A_138 = arith.constant 0 : index
      %get3A_139 = tpu.vector_load %arg8[%get3A_137, %get3A_138] {strides = array<i32>} : memref<64x768xf32, #tpu.memory_space<vmem>>, vector<1x16xf32>,
      %get3A_140 = vector.shape_cast %get3A_139 : vector<1x16xf32> to vector<16xf32>
      %add3A_141 = arith.addf %get3A_136, %get3A_140 : vector<16xf32>
      %swap3A = arith.index_cast %scan3A_132 : i32 to index
      %swap3A_142 = arith.constant 0 : index
      %swap3A_143 = tpu.vector_load %arg7[%swap3A, %swap3A_142] {strides = array<i32>} : memref<64x768xf32, #tpu.memory_space<vmem>>, vector<1x16xf32>,
      %swap3A_144 = vector.shape_cast %swap3A_143 : vector<1x16xf32> to vector<16xf32>
      %swap3A_145 = vector.shape_cast %add3A_141 : vector<16xf32> to vector<1x16xf32>
      tpu.vector_store %arg7[%swap3A, %swap3A_142], %swap3A_145 {strides = array<i32>} : memref<64x768xf32, #tpu.memory_space<vmem>>, vector<1x16xf32>,
      %get3A_146 = arith.index_cast %scan3A_132 : i32 to index
      %get3A_147 = arith.constant 16 : index
      %get3A_148 = tpu.vector_load %arg7[%get3A_146, %get3A_147] {strides = array<i32>} : memref<64x768xf32, #tpu.memory_space<vmem>>, vector<1x16xf32>,
      %get3A_149 = vector.shape_cast %get3A_148 : vector<1x16xf32> to vector<16xf32>
      %get3A_150 = arith.index_cast %scan3A_132 : i32 to index
      %get3A_151 = arith.constant 16 : index
      %get3A_152 = tpu.vector_load %arg8[%get3A_150, %get3A_151] {strides = array<i32>} : memref<64x768xf32, #tpu.memory_space<vmem>>, vector<1x16xf32>,
      %get3A_153 = vector.shape_cast %get3A_152 : vector<1x16xf32> to vector<16xf32>
      %add3A_154 = arith.addf %get3A_149, %get3A_153 : vector<16xf32>
      %swap3A_155 = arith.index_cast %scan3A_132 : i32 to index
      %swap3A_156 = arith.constant 16 : index
      %swap3A_157 = tpu.vector_load %arg7[%swap3A_155, %swap3A_156] {strides = array<i32>} : memref<64x768xf32, #tpu.memory_space<vmem>>, vector<1x16xf32>,
      %swap3A_158 = vector.shape_cast %swap3A_157 : vector<1x16xf32> to vector<16xf32>
      %swap3A_159 = vector.shape_cast %add3A_154 : vector<16xf32> to vector<1x16xf32>
      tpu.vector_store %arg7[%swap3A_155, %swap3A_156], %swap3A_159 {strides = array<i32>} : memref<64x768xf32, #tpu.memory_space<vmem>>, vector<1x16xf32>,
      %get3A_160 = arith.index_cast %scan3A_132 : i32 to index
      %get3A_161 = arith.constant 32 : index
      %get3A_162 = tpu.vector_load %arg7[%get3A_160, %get3A_161] {strides = array<i32>} : memref<64x768xf32, #tpu.memory_space<vmem>>, vector<1x16xf32>,
      %get3A_163 = vector.shape_cast %get3A_162 : vector<1x16xf32> to vector<16xf32>
      %get3A_164 = arith.index_cast %scan3A_132 : i32 to index
      %get3A_165 = arith.constant 32 : index
      %get3A_166 = tpu.vector_load %arg8[%get3A_164, %get3A_165] {strides = array<i32>} : memref<64x768xf32, #tpu.memory_space<vmem>>, vector<1x16xf32>,
      %get3A_167 = vector.shape_cast %get3A_166 : vector<1x16xf32> to vector<16xf32>
      %add3A_168 = arith.addf %get3A_163, %get3A_167 : vector<16xf32>
      %swap3A_169 = arith.index_cast %scan3A_132 : i32 to index
      %swap3A_170 = arith.constant 32 : index
      %swap3A_171 = tpu.vector_load %arg7[%swap3A_169, %swap3A_170] {strides = array<i32>} : memref<64x768xf32, #tpu.memory_space<vmem>>, vector<1x16xf32>,
      %swap3A_172 = vector.shape_cast %swap3A_171 : vector<1x16xf32> to vector<16xf32>
      %swap3A_173 = vector.shape_cast %add3A_168 : vector<16xf32> to vector<1x16xf32>
      tpu.vector_store %arg7[%swap3A_169, %swap3A_170], %swap3A_173 {strides = array<i32>} : memref<64x768xf32, #tpu.memory_space<vmem>>, vector<1x16xf32>,
      %get3A_174 = arith.index_cast %scan3A_132 : i32 to index
      %get3A_175 = arith.constant 48 : index
      %get3A_176 = tpu.vector_load %arg7[%get3A_174, %get3A_175] {strides = array<i32>} : memref<64x768xf32, #tpu.memory_space<vmem>>, vector<1x16xf32>,
      %get3A_177 = vector.shape_cast %get3A_176 : vector<1x16xf32> to vector<16xf32>
      %get3A_178 = arith.index_cast %scan3A_132 : i32 to index
      %get3A_179 = arith.constant 48 : index
      %get3A_180 = tpu.vector_load %arg8[%get3A_178, %get3A_179] {strides = array<i32>} : memref<64x768xf32, #tpu.memory_space<vmem>>, vector<1x16xf32>,
      %get3A_181 = vector.shape_cast %get3A_180 : vector<1x16xf32> to vector<16xf32>
      %add3A_182 = arith.addf %get3A_177, %get3A_181 : vector<16xf32>
      %swap3A_183 = arith.index_cast %scan3A_132 : i32 to index
      %swap3A_184 = arith.constant 48 : index
      %swap3A_185 = tpu.vector_load %arg7[%swap3A_183, %swap3A_184] {strides = array<i32>} : memref<64x768xf32, #tpu.memory_space<vmem>>, vector<1x16xf32>,
      %swap3A_186 = vector.shape_cast %swap3A_185 : vector<1x16xf32> to vector<16xf32>
      %swap3A_187 = vector.shape_cast %add3A_182 : vector<16xf32> to vector<1x16xf32>
      tpu.vector_store %arg7[%swap3A_183, %swap3A_184], %swap3A_187 {strides = array<i32>} : memref<64x768xf32, #tpu.memory_space<vmem>>, vector<1x16xf32>,
      %get3A_188 = arith.index_cast %scan3A_132 : i32 to index
      %get3A_189 = arith.constant 64 : index
      %get3A_190 = tpu.vector_load %arg7[%get3A_188, %get3A_189] {strides = array<i32>} : memref<64x768xf32, #tpu.memory_space<vmem>>, vector<1x16xf32>,
      %get3A_191 = vector.shape_cast %get3A_190 : vector<1x16xf32> to vector<16xf32>
      %get3A_192 = arith.index_cast %scan3A_132 : i32 to index
      %get3A_193 = arith.constant 64 : index
      %get3A_194 = tpu.vector_load %arg8[%get3A_192, %get3A_193] {strides = array<i32>} : memref<64x768xf32, #tpu.memory_space<vmem>>, vector<1x16xf32>,
      %get3A_195 = vector.shape_cast %get3A_194 : vector<1x16xf32> to vector<16xf32>
      %add3A_196 = arith.addf %get3A_191, %get3A_195 : vector<16xf32>
      %swap3A_197 = arith.index_cast %scan3A_132 : i32 to index
      %swap3A_198 = arith.constant 64 : index
      %swap3A_199 = tpu.vector_load %arg7[%swap3A_197, %swap3A_198] {strides = array<i32>} : memref<64x768xf32, #tpu.memory_space<vmem>>, vector<1x16xf32>,
      %swap3A_200 = vector.shape_cast %swap3A_199 : vector<1x16xf32> to vector<16xf32>
      %swap3A_201 = vector.shape_cast %add3A_196 : vector<16xf32> to vector<1x16xf32>
      tpu.vector_store %arg7[%swap3A_197, %swap3A_198], %swap3A_201 {strides = array<i32>} : memref<64x768xf32, #tpu.memory_space<vmem>>, vector<1x16xf32>,
      %get3A_202 = arith.index_cast %scan3A_132 : i32 to index
      %get3A_203 = arith.constant 80 : index
      %get3A_204 = tpu.vector_load %arg7[%get3A_202, %get3A_203] {strides = array<i32>} : memref<64x768xf32, #tpu.memory_space<vmem>>, vector<1x16xf32>,
      %get3A_205 = vector.shape_cast %get3A_204 : vector<1x16xf32> to vector<16xf32>
      %get3A_206 = arith.index_cast %scan3A_132 : i32 to index
      %get3A_207 = arith.constant 80 : index
      %get3A_208 = tpu.vector_load %arg8[%get3A_206, %get3A_207] {strides = array<i32>} : memref<64x768xf32, #tpu.memory_space<vmem>>, vector<1x16xf32>,
      %get3A_209 = vector.shape_cast %get3A_208 : vector<1x16xf32> to vector<16xf32>
      %add3A_210 = arith.addf %get3A_205, %get3A_209 : vector<16xf32>
      %swap3A_211 = arith.index_cast %scan3A_132 : i32 to index
      %swap3A_212 = arith.constant 80 : index
      %swap3A_213 = tpu.vector_load %arg7[%swap3A_211, %swap3A_212] {strides = array<i32>} : memref<64x768xf32, #tpu.memory_space<vmem>>, vector<1x16xf32>,
      %swap3A_214 = vector.shape_cast %swap3A_213 : vector<1x16xf32> to vector<16xf32>
      %swap3A_215 = vector.shape_cast %add3A_210 : vector<16xf32> to vector<1x16xf32>
      tpu.vector_store %arg7[%swap3A_211, %swap3A_212], %swap3A_215 {strides = array<i32>} : memref<64x768xf32, #tpu.memory_space<vmem>>, vector<1x16xf32>,
      %get3A_216 = arith.index_cast %scan3A_132 : i32 to index
      %get3A_217 = arith.constant 96 : index
      %get3A_218 = tpu.vector_load %arg7[%get3A_216, %get3A_217] {strides = array<i32>} : memref<64x768xf32, #tpu.memory_space<vmem>>, vector<1x16xf32>,
      %get3A_219 = vector.shape_cast %get3A_218 : vector<1x16xf32> to vector<16xf32>
      %get3A_220 = arith.index_cast %scan3A_132 : i32 to index
      %get3A_221 = arith.constant 96 : index
      %get3A_222 = tpu.vector_load %arg8[%get3A_220, %get3A_221] {strides = array<i32>} : memref<64x768xf32, #tpu.memory_space<vmem>>, vector<1x16xf32>,
      %get3A_223 = vector.shape_cast %get3A_222 : vector<1x16xf32> to vector<16xf32>
      %add3A_224 = arith.addf %get3A_219, %get3A_223 : vector<16xf32>
      %swap3A_225 = arith.index_cast %scan3A_132 : i32 to index
      %swap3A_226 = arith.constant 96 : index
      %swap3A_227 = tpu.vector_load %arg7[%swap3A_225, %swap3A_226] {strides = array<i32>} : memref<64x768xf32, #tpu.memory_space<vmem>>, vector<1x16xf32>,
      %swap3A_228 = vector.shape_cast %swap3A_227 : vector<1x16xf32> to vector<16xf32>
      %swap3A_229 = vector.shape_cast %add3A_224 : vector<16xf32> to vector<1x16xf32>
      tpu.vector_store %arg7[%swap3A_225, %swap3A_226], %swap3A_229 {strides = array<i32>} : memref<64x768xf32, #tpu.memory_space<vmem>>, vector<1x16xf32>,
      %get3A_230 = arith.index_cast %scan3A_132 : i32 to index
      %get3A_231 = arith.constant 112 : index
      %get3A_232 = tpu.vector_load %arg7[%get3A_230, %get3A_231] {strides = array<i32>} : memref<64x768xf32, #tpu.memory_space<vmem>>, vector<1x16xf32>,
      %get3A_233 = vector.shape_cast %get3A_232 : vector<1x16xf32> to vector<16xf32>
      %get3A_234 = arith.index_cast %scan3A_132 : i32 to index
      %get3A_235 = arith.constant 112 : index
      %get3A_236 = tpu.vector_load %arg8[%get3A_234, %get3A_235] {strides = array<i32>} : memref<64x768xf32, #tpu.memory_space<vmem>>, vector<1x16xf32>,
      %get3A_237 = vector.shape_cast %get3A_236 : vector<1x16xf32> to vector<16xf32>
      %add3A_238 = arith.addf %get3A_233, %get3A_237 : vector<16xf32>
      %swap3A_239 = arith.index_cast %scan3A_132 : i32 to index
      %swap3A_240 = arith.constant 112 : index
      %swap3A_241 = tpu.vector_load %arg7[%swap3A_239, %swap3A_240] {strides = array<i32>} : memref<64x768xf32, #tpu.memory_space<vmem>>, vector<1x16xf32>,
      %swap3A_242 = vector.shape_cast %swap3A_241 : vector<1x16xf32> to vector<16xf32>
      %swap3A_243 = vector.shape_cast %add3A_238 : vector<16xf32> to vector<1x16xf32>
      tpu.vector_store %arg7[%swap3A_239, %swap3A_240], %swap3A_243 {strides = array<i32>} : memref<64x768xf32, #tpu.memory_space<vmem>>, vector<1x16xf32>,
      %get3A_244 = arith.index_cast %scan3A_132 : i32 to index
      %get3A_245 = arith.constant 128 : index
      %get3A_246 = tpu.vector_load %arg7[%get3A_244, %get3A_245] {strides = array<i32>} : memref<64x768xf32, #tpu.memory_space<vmem>>, vector<1x16xf32>,
      %get3A_247 = vector.shape_cast %get3A_246 : vector<1x16xf32> to vector<16xf32>
      %get3A_248 = arith.index_cast %scan3A_132 : i32 to index
      %get3A_249 = arith.constant 128 : index
      %get3A_250 = tpu.vector_load %arg8[%get3A_248, %get3A_249] {strides = array<i32>} : memref<64x768xf32, #tpu.memory_space<vmem>>, vector<1x16xf32>,
      %get3A_251 = vector.shape_cast %get3A_250 : vector<1x16xf32> to vector<16xf32>
      %add3A_252 = arith.addf %get3A_247, %get3A_251 : vector<16xf32>
      %swap3A_253 = arith.index_cast %scan3A_132 : i32 to index
      %swap3A_254 = arith.constant 128 : index
      %swap3A_255 = tpu.vector_load %arg7[%swap3A_253, %swap3A_254] {strides = array<i32>} : memref<64x768xf32, #tpu.memory_space<vmem>>, vector<1x16xf32>,
      %swap3A_256 = vector.shape_cast %swap3A_255 : vector<1x16xf32> to vector<16xf32>
      %swap3A_257 = vector.shape_cast %add3A_252 : vector<16xf32> to vector<1x16xf32>
      tpu.vector_store %arg7[%swap3A_253, %swap3A_254], %swap3A_257 {strides = array<i32>} : memref<64x768xf32, #tpu.memory_space<vmem>>, vector<1x16xf32>,
      %get3A_258 = arith.index_cast %scan3A_132 : i32 to index
      %get3A_259 = arith.constant 144 : index
      %get3A_260 = tpu.vector_load %arg7[%get3A_258, %get3A_259] {strides = array<i32>} : memref<64x768xf32, #tpu.memory_space<vmem>>, vector<1x16xf32>,
      %get3A_261 = vector.shape_cast %get3A_260 : vector<1x16xf32> to vector<16xf32>
      %get3A_262 = arith.index_cast %scan3A_132 : i32 to index
      %get3A_263 = arith.constant 144 : index
      %get3A_264 = tpu.vector_load %arg8[%get3A_262, %get3A_263] {strides = array<i32>} : memref<64x768xf32, #tpu.memory_space<vmem>>, vector<1x16xf32>,
      %get3A_265 = vector.shape_cast %get3A_264 : vector<1x16xf32> to vector<16xf32>
      %add3A_266 = arith.addf %get3A_261, %get3A_265 : vector<16xf32>
      %swap3A_267 = arith.index_cast %scan3A_132 : i32 to index
      %swap3A_268 = arith.constant 144 : index
      %swap3A_269 = tpu.vector_load %arg7[%swap3A_267, %swap3A_268] {strides = array<i32>} : memref<64x768xf32, #tpu.memory_space<vmem>>, vector<1x16xf32>,
      %swap3A_270 = vector.shape_cast %swap3A_269 : vector<1x16xf32> to vector<16xf32>
      %swap3A_271 = vector.shape_cast %add3A_266 : vector<16xf32> to vector<1x16xf32>
      tpu.vector_store %arg7[%swap3A_267, %swap3A_268], %swap3A_271 {strides = array<i32>} : memref<64x768xf32, #tpu.memory_space<vmem>>, vector<1x16xf32>,
      %get3A_272 = arith.index_cast %scan3A_132 : i32 to index
      %get3A_273 = arith.constant 160 : index
      %get3A_274 = tpu.vector_load %arg7[%get3A_272, %get3A_273] {strides = array<i32>} : memref<64x768xf32, #tpu.memory_space<vmem>>, vector<1x16xf32>,
      %get3A_275 = vector.shape_cast %get3A_274 : vector<1x16xf32> to vector<16xf32>
      %get3A_276 = arith.index_cast %scan3A_132 : i32 to index
      %get3A_277 = arith.constant 160 : index
      %get3A_278 = tpu.vector_load %arg8[%get3A_276, %get3A_277] {strides = array<i32>} : memref<64x768xf32, #tpu.memory_space<vmem>>, vector<1x16xf32>,
      %get3A_279 = vector.shape_cast %get3A_278 : vector<1x16xf32> to vector<16xf32>
      %add3A_280 = arith.addf %get3A_275, %get3A_279 : vector<16xf32>
      %swap3A_281 = arith.index_cast %scan3A_132 : i32 to index
      %swap3A_282 = arith.constant 160 : index
      %swap3A_283 = tpu.vector_load %arg7[%swap3A_281, %swap3A_282] {strides = array<i32>} : memref<64x768xf32, #tpu.memory_space<vmem>>, vector<1x16xf32>,
      %swap3A_284 = vector.shape_cast %swap3A_283 : vector<1x16xf32> to vector<16xf32>
      %swap3A_285 = vector.shape_cast %add3A_280 : vector<16xf32> to vector<1x16xf32>
      tpu.vector_store %arg7[%swap3A_281, %swap3A_282], %swap3A_285 {strides = array<i32>} : memref<64x768xf32, #tpu.memory_space<vmem>>, vector<1x16xf32>,
      %get3A_286 = arith.index_cast %scan3A_132 : i32 to index
      %get3A_287 = arith.constant 176 : index
      %get3A_288 = tpu.vector_load %arg7[%get3A_286, %get3A_287] {strides = array<i32>} : memref<64x768xf32, #tpu.memory_space<vmem>>, vector<1x16xf32>,
      %get3A_289 = vector.shape_cast %get3A_288 : vector<1x16xf32> to vector<16xf32>
      %get3A_290 = arith.index_cast %scan3A_132 : i32 to index
      %get3A_291 = arith.constant 176 : index
      %get3A_292 = tpu.vector_load %arg8[%get3A_290, %get3A_291] {strides = array<i32>} : memref<64x768xf32, #tpu.memory_space<vmem>>, vector<1x16xf32>,
      %get3A_293 = vector.shape_cast %get3A_292 : vector<1x16xf32> to vector<16xf32>
      %add3A_294 = arith.addf %get3A_289, %get3A_293 : vector<16xf32>
      %swap3A_295 = arith.index_cast %scan3A_132 : i32 to index
      %swap3A_296 = arith.constant 176 : index
      %swap3A_297 = tpu.vector_load %arg7[%swap3A_295, %swap3A_296] {strides = array<i32>} : memref<64x768xf32, #tpu.memory_space<vmem>>, vector<1x16xf32>,
      %swap3A_298 = vector.shape_cast %swap3A_297 : vector<1x16xf32> to vector<16xf32>
      %swap3A_299 = vector.shape_cast %add3A_294 : vector<16xf32> to vector<1x16xf32>
      tpu.vector_store %arg7[%swap3A_295, %swap3A_296], %swap3A_299 {strides = array<i32>} : memref<64x768xf32, #tpu.memory_space<vmem>>, vector<1x16xf32>,
      %get3A_300 = arith.index_cast %scan3A_132 : i32 to index
      %get3A_301 = arith.constant 192 : index
      %get3A_302 = tpu.vector_load %arg7[%get3A_300, %get3A_301] {strides = array<i32>} : memref<64x768xf32, #tpu.memory_space<vmem>>, vector<1x16xf32>,
      %get3A_303 = vector.shape_cast %get3A_302 : vector<1x16xf32> to vector<16xf32>
      %get3A_304 = arith.index_cast %scan3A_132 : i32 to index
      %get3A_305 = arith.constant 192 : index
      %get3A_306 = tpu.vector_load %arg8[%get3A_304, %get3A_305] {strides = array<i32>} : memref<64x768xf32, #tpu.memory_space<vmem>>, vector<1x16xf32>,
      %get3A_307 = vector.shape_cast %get3A_306 : vector<1x16xf32> to vector<16xf32>
      %add3A_308 = arith.addf %get3A_303, %get3A_307 : vector<16xf32>
      %swap3A_309 = arith.index_cast %scan3A_132 : i32 to index
      %swap3A_310 = arith.constant 192 : index
      %swap3A_311 = tpu.vector_load %arg7[%swap3A_309, %swap3A_310] {strides = array<i32>} : memref<64x768xf32, #tpu.memory_space<vmem>>, vector<1x16xf32>,
      %swap3A_312 = vector.shape_cast %swap3A_311 : vector<1x16xf32> to vector<16xf32>
      %swap3A_313 = vector.shape_cast %add3A_308 : vector<16xf32> to vector<1x16xf32>
      tpu.vector_store %arg7[%swap3A_309, %swap3A_310], %swap3A_313 {strides = array<i32>} : memref<64x768xf32, #tpu.memory_space<vmem>>, vector<1x16xf32>,
      %get3A_314 = arith.index_cast %scan3A_132 : i32 to index
      %get3A_315 = arith.constant 208 : index
      %get3A_316 = tpu.vector_load %arg7[%get3A_314, %get3A_315] {strides = array<i32>} : memref<64x768xf32, #tpu.memory_space<vmem>>, vector<1x16xf32>,
      %get3A_317 = vector.shape_cast %get3A_316 : vector<1x16xf32> to vector<16xf32>
      %get3A_318 = arith.index_cast %scan3A_132 : i32 to index
      %get3A_319 = arith.constant 208 : index
      %get3A_320 = tpu.vector_load %arg8[%get3A_318, %get3A_319] {strides = array<i32>} : memref<64x768xf32, #tpu.memory_space<vmem>>, vector<1x16xf32>,
      %get3A_321 = vector.shape_cast %get3A_320 : vector<1x16xf32> to vector<16xf32>
      %add3A_322 = arith.addf %get3A_317, %get3A_321 : vector<16xf32>
      %swap3A_323 = arith.index_cast %scan3A_132 : i32 to index
      %swap3A_324 = arith.constant 208 : index
      %swap3A_325 = tpu.vector_load %arg7[%swap3A_323, %swap3A_324] {strides = array<i32>} : memref<64x768xf32, #tpu.memory_space<vmem>>, vector<1x16xf32>,
      %swap3A_326 = vector.shape_cast %swap3A_325 : vector<1x16xf32> to vector<16xf32>
      %swap3A_327 = vector.shape_cast %add3A_322 : vector<16xf32> to vector<1x16xf32>
      tpu.vector_store %arg7[%swap3A_323, %swap3A_324], %swap3A_327 {strides = array<i32>} : memref<64x768xf32, #tpu.memory_space<vmem>>, vector<1x16xf32>,
      %get3A_328 = arith.index_cast %scan3A_132 : i32 to index
      %get3A_329 = arith.constant 224 : index
      %get3A_330 = tpu.vector_load %arg7[%get3A_328, %get3A_329] {strides = array<i32>} : memref<64x768xf32, #tpu.memory_space<vmem>>, vector<1x16xf32>,
      %get3A_331 = vector.shape_cast %get3A_330 : vector<1x16xf32> to vector<16xf32>
      %get3A_332 = arith.index_cast %scan3A_132 : i32 to index
      %get3A_333 = arith.constant 224 : index
      %get3A_334 = tpu.vector_load %arg8[%get3A_332, %get3A_333] {strides = array<i32>} : memref<64x768xf32, #tpu.memory_space<vmem>>, vector<1x16xf32>,
      %get3A_335 = vector.shape_cast %get3A_334 : vector<1x16xf32> to vector<16xf32>
      %add3A_336 = arith.addf %get3A_331, %get3A_335 : vector<16xf32>
      %swap3A_337 = arith.index_cast %scan3A_132 : i32 to index
      %swap3A_338 = arith.constant 224 : index
      %swap3A_339 = tpu.vector_load %arg7[%swap3A_337, %swap3A_338] {strides = array<i32>} : memref<64x768xf32, #tpu.memory_space<vmem>>, vector<1x16xf32>,
      %swap3A_340 = vector.shape_cast %swap3A_339 : vector<1x16xf32> to vector<16xf32>
      %swap3A_341 = vector.shape_cast %add3A_336 : vector<16xf32> to vector<1x16xf32>
      tpu.vector_store %arg7[%swap3A_337, %swap3A_338], %swap3A_341 {strides = array<i32>} : memref<64x768xf32, #tpu.memory_space<vmem>>, vector<1x16xf32>,
      %get3A_342 = arith.index_cast %scan3A_132 : i32 to index
      %get3A_343 = arith.constant 240 : index
      %get3A_344 = tpu.vector_load %arg7[%get3A_342, %get3A_343] {strides = array<i32>} : memref<64x768xf32, #tpu.memory_space<vmem>>, vector<1x16xf32>,
      %get3A_345 = vector.shape_cast %get3A_344 : vector<1x16xf32> to vector<16xf32>
      %get3A_346 = arith.index_cast %scan3A_132 : i32 to index
      %get3A_347 = arith.constant 240 : index
      %get3A_348 = tpu.vector_load %arg8[%get3A_346, %get3A_347] {strides = array<i32>} : memref<64x768xf32, #tpu.memory_space<vmem>>, vector<1x16xf32>,
      %get3A_349 = vector.shape_cast %get3A_348 : vector<1x16xf32> to vector<16xf32>
      %add3A_350 = arith.addf %get3A_345, %get3A_349 : vector<16xf32>
      %swap3A_351 = arith.index_cast %scan3A_132 : i32 to index
      %swap3A_352 = arith.constant 240 : index
      %swap3A_353 = tpu.vector_load %arg7[%swap3A_351, %swap3A_352] {strides = array<i32>} : memref<64x768xf32, #tpu.memory_space<vmem>>, vector<1x16xf32>,
      %swap3A_354 = vector.shape_cast %swap3A_353 : vector<1x16xf32> to vector<16xf32>
      %swap3A_355 = vector.shape_cast %add3A_350 : vector<16xf32> to vector<1x16xf32>
      tpu.vector_store %arg7[%swap3A_351, %swap3A_352], %swap3A_355 {strides = array<i32>} : memref<64x768xf32, #tpu.memory_space<vmem>>, vector<1x16xf32>,
      %get3A_356 = arith.index_cast %scan3A_132 : i32 to index
      %get3A_357 = arith.constant 256 : index
      %get3A_358 = tpu.vector_load %arg7[%get3A_356, %get3A_357] {strides = array<i32>} : memref<64x768xf32, #tpu.memory_space<vmem>>, vector<1x16xf32>,
      %get3A_359 = vector.shape_cast %get3A_358 : vector<1x16xf32> to vector<16xf32>
      %get3A_360 = arith.index_cast %scan3A_132 : i32 to index
      %get3A_361 = arith.constant 256 : index
      %get3A_362 = tpu.vector_load %arg8[%get3A_360, %get3A_361] {strides = array<i32>} : memref<64x768xf32, #tpu.memory_space<vmem>>, vector<1x16xf32>,
      %get3A_363 = vector.shape_cast %get3A_362 : vector<1x16xf32> to vector<16xf32>
      %add3A_364 = arith.addf %get3A_359, %get3A_363 : vector<16xf32>
      %swap3A_365 = arith.index_cast %scan3A_132 : i32 to index
      %swap3A_366 = arith.constant 256 : index
      %swap3A_367 = tpu.vector_load %arg7[%swap3A_365, %swap3A_366] {strides = array<i32>} : memref<64x768xf32, #tpu.memory_space<vmem>>, vector<1x16xf32>,
      %swap3A_368 = vector.shape_cast %swap3A_367 : vector<1x16xf32> to vector<16xf32>
      %swap3A_369 = vector.shape_cast %add3A_364 : vector<16xf32> to vector<1x16xf32>
      tpu.vector_store %arg7[%swap3A_365, %swap3A_366], %swap3A_369 {strides = array<i32>} : memref<64x768xf32, #tpu.memory_space<vmem>>, vector<1x16xf32>,
      %get3A_370 = arith.index_cast %scan3A_132 : i32 to index
      %get3A_371 = arith.constant 272 : index
      %get3A_372 = tpu.vector_load %arg7[%get3A_370, %get3A_371] {strides = array<i32>} : memref<64x768xf32, #tpu.memory_space<vmem>>, vector<1x16xf32>,
      %get3A_373 = vector.shape_cast %get3A_372 : vector<1x16xf32> to vector<16xf32>
      %get3A_374 = arith.index_cast %scan3A_132 : i32 to index
      %get3A_375 = arith.constant 272 : index
      %get3A_376 = tpu.vector_load %arg8[%get3A_374, %get3A_375] {strides = array<i32>} : memref<64x768xf32, #tpu.memory_space<vmem>>, vector<1x16xf32>,
      %get3A_377 = vector.shape_cast %get3A_376 : vector<1x16xf32> to vector<16xf32>
      %add3A_378 = arith.addf %get3A_373, %get3A_377 : vector<16xf32>
      %swap3A_379 = arith.index_cast %scan3A_132 : i32 to index
      %swap3A_380 = arith.constant 272 : index
      %swap3A_381 = tpu.vector_load %arg7[%swap3A_379, %swap3A_380] {strides = array<i32>} : memref<64x768xf32, #tpu.memory_space<vmem>>, vector<1x16xf32>,
      %swap3A_382 = vector.shape_cast %swap3A_381 : vector<1x16xf32> to vector<16xf32>
      %swap3A_383 = vector.shape_cast %add3A_378 : vector<16xf32> to vector<1x16xf32>
      tpu.vector_store %arg7[%swap3A_379, %swap3A_380], %swap3A_383 {strides = array<i32>} : memref<64x768xf32, #tpu.memory_space<vmem>>, vector<1x16xf32>,
      %get3A_384 = arith.index_cast %scan3A_132 : i32 to index
      %get3A_385 = arith.constant 288 : index
      %get3A_386 = tpu.vector_load %arg7[%get3A_384, %get3A_385] {strides = array<i32>} : memref<64x768xf32, #tpu.memory_space<vmem>>, vector<1x16xf32>,
      %get3A_387 = vector.shape_cast %get3A_386 : vector<1x16xf32> to vector<16xf32>
      %get3A_388 = arith.index_cast %scan3A_132 : i32 to index
      %get3A_389 = arith.constant 288 : index
      %get3A_390 = tpu.vector_load %arg8[%get3A_388, %get3A_389] {strides = array<i32>} : memref<64x768xf32, #tpu.memory_space<vmem>>, vector<1x16xf32>,
      %get3A_391 = vector.shape_cast %get3A_390 : vector<1x16xf32> to vector<16xf32>
      %add3A_392 = arith.addf %get3A_387, %get3A_391 : vector<16xf32>
      %swap3A_393 = arith.index_cast %scan3A_132 : i32 to index
      %swap3A_394 = arith.constant 288 : index
      %swap3A_395 = tpu.vector_load %arg7[%swap3A_393, %swap3A_394] {strides = array<i32>} : memref<64x768xf32, #tpu.memory_space<vmem>>, vector<1x16xf32>,
      %swap3A_396 = vector.shape_cast %swap3A_395 : vector<1x16xf32> to vector<16xf32>
      %swap3A_397 = vector.shape_cast %add3A_392 : vector<16xf32> to vector<1x16xf32>
      tpu.vector_store %arg7[%swap3A_393, %swap3A_394], %swap3A_397 {strides = array<i32>} : memref<64x768xf32, #tpu.memory_space<vmem>>, vector<1x16xf32>,
      %get3A_398 = arith.index_cast %scan3A_132 : i32 to index
      %get3A_399 = arith.constant 304 : index
      %get3A_400 = tpu.vector_load %arg7[%get3A_398, %get3A_399] {strides = array<i32>} : memref<64x768xf32, #tpu.memory_space<vmem>>, vector<1x16xf32>,
      %get3A_401 = vector.shape_cast %get3A_400 : vector<1x16xf32> to vector<16xf32>
      %get3A_402 = arith.index_cast %scan3A_132 : i32 to index
      %get3A_403 = arith.constant 304 : index
      %get3A_404 = tpu.vector_load %arg8[%get3A_402, %get3A_403] {strides = array<i32>} : memref<64x768xf32, #tpu.memory_space<vmem>>, vector<1x16xf32>,
      %get3A_405 = vector.shape_cast %get3A_404 : vector<1x16xf32> to vector<16xf32>
      %add3A_406 = arith.addf %get3A_401, %get3A_405 : vector<16xf32>
      %swap3A_407 = arith.index_cast %scan3A_132 : i32 to index
      %swap3A_408 = arith.constant 304 : index
      %swap3A_409 = tpu.vector_load %arg7[%swap3A_407, %swap3A_408] {strides = array<i32>} : memref<64x768xf32, #tpu.memory_space<vmem>>, vector<1x16xf32>,
      %swap3A_410 = vector.shape_cast %swap3A_409 : vector<1x16xf32> to vector<16xf32>
      %swap3A_411 = vector.shape_cast %add3A_406 : vector<16xf32> to vector<1x16xf32>
      tpu.vector_store %arg7[%swap3A_407, %swap3A_408], %swap3A_411 {strides = array<i32>} : memref<64x768xf32, #tpu.memory_space<vmem>>, vector<1x16xf32>,
      %get3A_412 = arith.index_cast %scan3A_132 : i32 to index
      %get3A_413 = arith.constant 320 : index
      %get3A_414 = tpu.vector_load %arg7[%get3A_412, %get3A_413] {strides = array<i32>} : memref<64x768xf32, #tpu.memory_space<vmem>>, vector<1x16xf32>,
      %get3A_415 = vector.shape_cast %get3A_414 : vector<1x16xf32> to vector<16xf32>
      %get3A_416 = arith.index_cast %scan3A_132 : i32 to index
      %get3A_417 = arith.constant 320 : index
      %get3A_418 = tpu.vector_load %arg8[%get3A_416, %get3A_417] {strides = array<i32>} : memref<64x768xf32, #tpu.memory_space<vmem>>, vector<1x16xf32>,
      %get3A_419 = vector.shape_cast %get3A_418 : vector<1x16xf32> to vector<16xf32>
      %add3A_420 = arith.addf %get3A_415, %get3A_419 : vector<16xf32>
      %swap3A_421 = arith.index_cast %scan3A_132 : i32 to index
      %swap3A_422 = arith.constant 320 : index
      %swap3A_423 = tpu.vector_load %arg7[%swap3A_421, %swap3A_422] {strides = array<i32>} : memref<64x768xf32, #tpu.memory_space<vmem>>, vector<1x16xf32>,
      %swap3A_424 = vector.shape_cast %swap3A_423 : vector<1x16xf32> to vector<16xf32>
      %swap3A_425 = vector.shape_cast %add3A_420 : vector<16xf32> to vector<1x16xf32>
      tpu.vector_store %arg7[%swap3A_421, %swap3A_422], %swap3A_425 {strides = array<i32>} : memref<64x768xf32, #tpu.memory_space<vmem>>, vector<1x16xf32>,
      %get3A_426 = arith.index_cast %scan3A_132 : i32 to index
      %get3A_427 = arith.constant 336 : index
      %get3A_428 = tpu.vector_load %arg7[%get3A_426, %get3A_427] {strides = array<i32>} : memref<64x768xf32, #tpu.memory_space<vmem>>, vector<1x16xf32>,
      %get3A_429 = vector.shape_cast %get3A_428 : vector<1x16xf32> to vector<16xf32>
      %get3A_430 = arith.index_cast %scan3A_132 : i32 to index
      %get3A_431 = arith.constant 336 : index
      %get3A_432 = tpu.vector_load %arg8[%get3A_430, %get3A_431] {strides = array<i32>} : memref<64x768xf32, #tpu.memory_space<vmem>>, vector<1x16xf32>,
      %get3A_433 = vector.shape_cast %get3A_432 : vector<1x16xf32> to vector<16xf32>
      %add3A_434 = arith.addf %get3A_429, %get3A_433 : vector<16xf32>
      %swap3A_435 = arith.index_cast %scan3A_132 : i32 to index
      %swap3A_436 = arith.constant 336 : index
      %swap3A_437 = tpu.vector_load %arg7[%swap3A_435, %swap3A_436] {strides = array<i32>} : memref<64x768xf32, #tpu.memory_space<vmem>>, vector<1x16xf32>,
      %swap3A_438 = vector.shape_cast %swap3A_437 : vector<1x16xf32> to vector<16xf32>
      %swap3A_439 = vector.shape_cast %add3A_434 : vector<16xf32> to vector<1x16xf32>
      tpu.vector_store %arg7[%swap3A_435, %swap3A_436], %swap3A_439 {strides = array<i32>} : memref<64x768xf32, #tpu.memory_space<vmem>>, vector<1x16xf32>,
      %get3A_440 = arith.index_cast %scan3A_132 : i32 to index
      %get3A_441 = arith.constant 352 : index
      %get3A_442 = tpu.vector_load %arg7[%get3A_440, %get3A_441] {strides = array<i32>} : memref<64x768xf32, #tpu.memory_space<vmem>>, vector<1x16xf32>,
      %get3A_443 = vector.shape_cast %get3A_442 : vector<1x16xf32> to vector<16xf32>
      %get3A_444 = arith.index_cast %scan3A_132 : i32 to index
      %get3A_445 = arith.constant 352 : index
      %get3A_446 = tpu.vector_load %arg8[%get3A_444, %get3A_445] {strides = array<i32>} : memref<64x768xf32, #tpu.memory_space<vmem>>, vector<1x16xf32>,
      %get3A_447 = vector.shape_cast %get3A_446 : vector<1x16xf32> to vector<16xf32>
      %add3A_448 = arith.addf %get3A_443, %get3A_447 : vector<16xf32>
      %swap3A_449 = arith.index_cast %scan3A_132 : i32 to index
      %swap3A_450 = arith.constant 352 : index
      %swap3A_451 = tpu.vector_load %arg7[%swap3A_449, %swap3A_450] {strides = array<i32>} : memref<64x768xf32, #tpu.memory_space<vmem>>, vector<1x16xf32>,
      %swap3A_452 = vector.shape_cast %swap3A_451 : vector<1x16xf32> to vector<16xf32>
      %swap3A_453 = vector.shape_cast %add3A_448 : vector<16xf32> to vector<1x16xf32>
      tpu.vector_store %arg7[%swap3A_449, %swap3A_450], %swap3A_453 {strides = array<i32>} : memref<64x768xf32, #tpu.memory_space<vmem>>, vector<1x16xf32>,
      %get3A_454 = arith.index_cast %scan3A_132 : i32 to index
      %get3A_455 = arith.constant 368 : index
      %get3A_456 = tpu.vector_load %arg7[%get3A_454, %get3A_455] {strides = array<i32>} : memref<64x768xf32, #tpu.memory_space<vmem>>, vector<1x16xf32>,
      %get3A_457 = vector.shape_cast %get3A_456 : vector<1x16xf32> to vector<16xf32>
      %get3A_458 = arith.index_cast %scan3A_132 : i32 to index
      %get3A_459 = arith.constant 368 : index
      %get3A_460 = tpu.vector_load %arg8[%get3A_458, %get3A_459] {strides = array<i32>} : memref<64x768xf32, #tpu.memory_space<vmem>>, vector<1x16xf32>,
      %get3A_461 = vector.shape_cast %get3A_460 : vector<1x16xf32> to vector<16xf32>
      %add3A_462 = arith.addf %get3A_457, %get3A_461 : vector<16xf32>
      %swap3A_463 = arith.index_cast %scan3A_132 : i32 to index
      %swap3A_464 = arith.constant 368 : index
      %swap3A_465 = tpu.vector_load %arg7[%swap3A_463, %swap3A_464] {strides = array<i32>} : memref<64x768xf32, #tpu.memory_space<vmem>>, vector<1x16xf32>,
      %swap3A_466 = vector.shape_cast %swap3A_465 : vector<1x16xf32> to vector<16xf32>
      %swap3A_467 = vector.shape_cast %add3A_462 : vector<16xf32> to vector<1x16xf32>
      tpu.vector_store %arg7[%swap3A_463, %swap3A_464], %swap3A_467 {strides = array<i32>} : memref<64x768xf32, #tpu.memory_space<vmem>>, vector<1x16xf32>,
      %get3A_468 = arith.index_cast %scan3A_132 : i32 to index
      %get3A_469 = arith.constant 384 : index
      %get3A_470 = tpu.vector_load %arg7[%get3A_468, %get3A_469] {strides = array<i32>} : memref<64x768xf32, #tpu.memory_space<vmem>>, vector<1x16xf32>,
      %get3A_471 = vector.shape_cast %get3A_470 : vector<1x16xf32> to vector<16xf32>
      %get3A_472 = arith.index_cast %scan3A_132 : i32 to index
      %get3A_473 = arith.constant 384 : index
      %get3A_474 = tpu.vector_load %arg8[%get3A_472, %get3A_473] {strides = array<i32>} : memref<64x768xf32, #tpu.memory_space<vmem>>, vector<1x16xf32>,
      %get3A_475 = vector.shape_cast %get3A_474 : vector<1x16xf32> to vector<16xf32>
      %add3A_476 = arith.addf %get3A_471, %get3A_475 : vector<16xf32>
      %swap3A_477 = arith.index_cast %scan3A_132 : i32 to index
      %swap3A_478 = arith.constant 384 : index
      %swap3A_479 = tpu.vector_load %arg7[%swap3A_477, %swap3A_478] {strides = array<i32>} : memref<64x768xf32, #tpu.memory_space<vmem>>, vector<1x16xf32>,
      %swap3A_480 = vector.shape_cast %swap3A_479 : vector<1x16xf32> to vector<16xf32>
      %swap3A_481 = vector.shape_cast %add3A_476 : vector<16xf32> to vector<1x16xf32>
      tpu.vector_store %arg7[%swap3A_477, %swap3A_478], %swap3A_481 {strides = array<i32>} : memref<64x768xf32, #tpu.memory_space<vmem>>, vector<1x16xf32>,
      %get3A_482 = arith.index_cast %scan3A_132 : i32 to index
      %get3A_483 = arith.constant 400 : index
      %get3A_484 = tpu.vector_load %arg7[%get3A_482, %get3A_483] {strides = array<i32>} : memref<64x768xf32, #tpu.memory_space<vmem>>, vector<1x16xf32>,
      %get3A_485 = vector.shape_cast %get3A_484 : vector<1x16xf32> to vector<16xf32>
      %get3A_486 = arith.index_cast %scan3A_132 : i32 to index
      %get3A_487 = arith.constant 400 : index
      %get3A_488 = tpu.vector_load %arg8[%get3A_486, %get3A_487] {strides = array<i32>} : memref<64x768xf32, #tpu.memory_space<vmem>>, vector<1x16xf32>,
      %get3A_489 = vector.shape_cast %get3A_488 : vector<1x16xf32> to vector<16xf32>
      %add3A_490 = arith.addf %get3A_485, %get3A_489 : vector<16xf32>
      %swap3A_491 = arith.index_cast %scan3A_132 : i32 to index
      %swap3A_492 = arith.constant 400 : index
      %swap3A_493 = tpu.vector_load %arg7[%swap3A_491, %swap3A_492] {strides = array<i32>} : memref<64x768xf32, #tpu.memory_space<vmem>>, vector<1x16xf32>,
      %swap3A_494 = vector.shape_cast %swap3A_493 : vector<1x16xf32> to vector<16xf32>
      %swap3A_495 = vector.shape_cast %add3A_490 : vector<16xf32> to vector<1x16xf32>
      tpu.vector_store %arg7[%swap3A_491, %swap3A_492], %swap3A_495 {strides = array<i32>} : memref<64x768xf32, #tpu.memory_space<vmem>>, vector<1x16xf32>,
      %get3A_496 = arith.index_cast %scan3A_132 : i32 to index
      %get3A_497 = arith.constant 416 : index
      %get3A_498 = tpu.vector_load %arg7[%get3A_496, %get3A_497] {strides = array<i32>} : memref<64x768xf32, #tpu.memory_space<vmem>>, vector<1x16xf32>,
      %get3A_499 = vector.shape_cast %get3A_498 : vector<1x16xf32> to vector<16xf32>
      %get3A_500 = arith.index_cast %scan3A_132 : i32 to index
      %get3A_501 = arith.constant 416 : index
      %get3A_502 = tpu.vector_load %arg8[%get3A_500, %get3A_501] {strides = array<i32>} : memref<64x768xf32, #tpu.memory_space<vmem>>, vector<1x16xf32>,
      %get3A_503 = vector.shape_cast %get3A_502 : vector<1x16xf32> to vector<16xf32>
      %add3A_504 = arith.addf %get3A_499, %get3A_503 : vector<16xf32>
      %swap3A_505 = arith.index_cast %scan3A_132 : i32 to index
      %swap3A_506 = arith.constant 416 : index
      %swap3A_507 = tpu.vector_load %arg7[%swap3A_505, %swap3A_506] {strides = array<i32>} : memref<64x768xf32, #tpu.memory_space<vmem>>, vector<1x16xf32>,
      %swap3A_508 = vector.shape_cast %swap3A_507 : vector<1x16xf32> to vector<16xf32>
      %swap3A_509 = vector.shape_cast %add3A_504 : vector<16xf32> to vector<1x16xf32>
      tpu.vector_store %arg7[%swap3A_505, %swap3A_506], %swap3A_509 {strides = array<i32>} : memref<64x768xf32, #tpu.memory_space<vmem>>, vector<1x16xf32>,
      %get3A_510 = arith.index_cast %scan3A_132 : i32 to index
      %get3A_511 = arith.constant 432 : index
      %get3A_512 = tpu.vector_load %arg7[%get3A_510, %get3A_511] {strides = array<i32>} : memref<64x768xf32, #tpu.memory_space<vmem>>, vector<1x16xf32>,
      %get3A_513 = vector.shape_cast %get3A_512 : vector<1x16xf32> to vector<16xf32>
      %get3A_514 = arith.index_cast %scan3A_132 : i32 to index
      %get3A_515 = arith.constant 432 : index
      %get3A_516 = tpu.vector_load %arg8[%get3A_514, %get3A_515] {strides = array<i32>} : memref<64x768xf32, #tpu.memory_space<vmem>>, vector<1x16xf32>,
      %get3A_517 = vector.shape_cast %get3A_516 : vector<1x16xf32> to vector<16xf32>
      %add3A_518 = arith.addf %get3A_513, %get3A_517 : vector<16xf32>
      %swap3A_519 = arith.index_cast %scan3A_132 : i32 to index
      %swap3A_520 = arith.constant 432 : index
      %swap3A_521 = tpu.vector_load %arg7[%swap3A_519, %swap3A_520] {strides = array<i32>} : memref<64x768xf32, #tpu.memory_space<vmem>>, vector<1x16xf32>,
      %swap3A_522 = vector.shape_cast %swap3A_521 : vector<1x16xf32> to vector<16xf32>
      %swap3A_523 = vector.shape_cast %add3A_518 : vector<16xf32> to vector<1x16xf32>
      tpu.vector_store %arg7[%swap3A_519, %swap3A_520], %swap3A_523 {strides = array<i32>} : memref<64x768xf32, #tpu.memory_space<vmem>>, vector<1x16xf32>,
      %get3A_524 = arith.index_cast %scan3A_132 : i32 to index
      %get3A_525 = arith.constant 448 : index
      %get3A_526 = tpu.vector_load %arg7[%get3A_524, %get3A_525] {strides = array<i32>} : memref<64x768xf32, #tpu.memory_space<vmem>>, vector<1x16xf32>,
      %get3A_527 = vector.shape_cast %get3A_526 : vector<1x16xf32> to vector<16xf32>
      %get3A_528 = arith.index_cast %scan3A_132 : i32 to index
      %get3A_529 = arith.constant 448 : index
      %get3A_530 = tpu.vector_load %arg8[%get3A_528, %get3A_529] {strides = array<i32>} : memref<64x768xf32, #tpu.memory_space<vmem>>, vector<1x16xf32>,
      %get3A_531 = vector.shape_cast %get3A_530 : vector<1x16xf32> to vector<16xf32>
      %add3A_532 = arith.addf %get3A_527, %get3A_531 : vector<16xf32>
      %swap3A_533 = arith.index_cast %scan3A_132 : i32 to index
      %swap3A_534 = arith.constant 448 : index
      %swap3A_535 = tpu.vector_load %arg7[%swap3A_533, %swap3A_534] {strides = array<i32>} : memref<64x768xf32, #tpu.memory_space<vmem>>, vector<1x16xf32>,
      %swap3A_536 = vector.shape_cast %swap3A_535 : vector<1x16xf32> to vector<16xf32>
      %swap3A_537 = vector.shape_cast %add3A_532 : vector<16xf32> to vector<1x16xf32>
      tpu.vector_store %arg7[%swap3A_533, %swap3A_534], %swap3A_537 {strides = array<i32>} : memref<64x768xf32, #tpu.memory_space<vmem>>, vector<1x16xf32>,
      %get3A_538 = arith.index_cast %scan3A_132 : i32 to index
      %get3A_539 = arith.constant 464 : index
      %get3A_540 = tpu.vector_load %arg7[%get3A_538, %get3A_539] {strides = array<i32>} : memref<64x768xf32, #tpu.memory_space<vmem>>, vector<1x16xf32>,
      %get3A_541 = vector.shape_cast %get3A_540 : vector<1x16xf32> to vector<16xf32>
      %get3A_542 = arith.index_cast %scan3A_132 : i32 to index
      %get3A_543 = arith.constant 464 : index
      %get3A_544 = tpu.vector_load %arg8[%get3A_542, %get3A_543] {strides = array<i32>} : memref<64x768xf32, #tpu.memory_space<vmem>>, vector<1x16xf32>,
      %get3A_545 = vector.shape_cast %get3A_544 : vector<1x16xf32> to vector<16xf32>
      %add3A_546 = arith.addf %get3A_541, %get3A_545 : vector<16xf32>
      %swap3A_547 = arith.index_cast %scan3A_132 : i32 to index
      %swap3A_548 = arith.constant 464 : index
      %swap3A_549 = tpu.vector_load %arg7[%swap3A_547, %swap3A_548] {strides = array<i32>} : memref<64x768xf32, #tpu.memory_space<vmem>>, vector<1x16xf32>,
      %swap3A_550 = vector.shape_cast %swap3A_549 : vector<1x16xf32> to vector<16xf32>
      %swap3A_551 = vector.shape_cast %add3A_546 : vector<16xf32> to vector<1x16xf32>
      tpu.vector_store %arg7[%swap3A_547, %swap3A_548], %swap3A_551 {strides = array<i32>} : memref<64x768xf32, #tpu.memory_space<vmem>>, vector<1x16xf32>,
      %get3A_552 = arith.index_cast %scan3A_132 : i32 to index
      %get3A_553 = arith.constant 480 : index
      %get3A_554 = tpu.vector_load %arg7[%get3A_552, %get3A_553] {strides = array<i32>} : memref<64x768xf32, #tpu.memory_space<vmem>>, vector<1x16xf32>,
      %get3A_555 = vector.shape_cast %get3A_554 : vector<1x16xf32> to vector<16xf32>
      %get3A_556 = arith.index_cast %scan3A_132 : i32 to index
      %get3A_557 = arith.constant 480 : index
      %get3A_558 = tpu.vector_load %arg8[%get3A_556, %get3A_557] {strides = array<i32>} : memref<64x768xf32, #tpu.memory_space<vmem>>, vector<1x16xf32>,
      %get3A_559 = vector.shape_cast %get3A_558 : vector<1x16xf32> to vector<16xf32>
      %add3A_560 = arith.addf %get3A_555, %get3A_559 : vector<16xf32>
      %swap3A_561 = arith.index_cast %scan3A_132 : i32 to index
      %swap3A_562 = arith.constant 480 : index
      %swap3A_563 = tpu.vector_load %arg7[%swap3A_561, %swap3A_562] {strides = array<i32>} : memref<64x768xf32, #tpu.memory_space<vmem>>, vector<1x16xf32>,
      %swap3A_564 = vector.shape_cast %swap3A_563 : vector<1x16xf32> to vector<16xf32>
      %swap3A_565 = vector.shape_cast %add3A_560 : vector<16xf32> to vector<1x16xf32>
      tpu.vector_store %arg7[%swap3A_561, %swap3A_562], %swap3A_565 {strides = array<i32>} : memref<64x768xf32, #tpu.memory_space<vmem>>, vector<1x16xf32>,
      %get3A_566 = arith.index_cast %scan3A_132 : i32 to index
      %get3A_567 = arith.constant 496 : index
      %get3A_568 = tpu.vector_load %arg7[%get3A_566, %get3A_567] {strides = array<i32>} : memref<64x768xf32, #tpu.memory_space<vmem>>, vector<1x16xf32>,
      %get3A_569 = vector.shape_cast %get3A_568 : vector<1x16xf32> to vector<16xf32>
      %get3A_570 = arith.index_cast %scan3A_132 : i32 to index
      %get3A_571 = arith.constant 496 : index
      %get3A_572 = tpu.vector_load %arg8[%get3A_570, %get3A_571] {strides = array<i32>} : memref<64x768xf32, #tpu.memory_space<vmem>>, vector<1x16xf32>,
      %get3A_573 = vector.shape_cast %get3A_572 : vector<1x16xf32> to vector<16xf32>
      %add3A_574 = arith.addf %get3A_569, %get3A_573 : vector<16xf32>
      %swap3A_575 = arith.index_cast %scan3A_132 : i32 to index
      %swap3A_576 = arith.constant 496 : index
      %swap3A_577 = tpu.vector_load %arg7[%swap3A_575, %swap3A_576] {strides = array<i32>} : memref<64x768xf32, #tpu.memory_space<vmem>>, vector<1x16xf32>,
      %swap3A_578 = vector.shape_cast %swap3A_577 : vector<1x16xf32> to vector<16xf32>
      %swap3A_579 = vector.shape_cast %add3A_574 : vector<16xf32> to vector<1x16xf32>
      tpu.vector_store %arg7[%swap3A_575, %swap3A_576], %swap3A_579 {strides = array<i32>} : memref<64x768xf32, #tpu.memory_space<vmem>>, vector<1x16xf32>,
      %get3A_580 = arith.index_cast %scan3A_132 : i32 to index
      %get3A_581 = arith.constant 512 : index
      %get3A_582 = tpu.vector_load %arg7[%get3A_580, %get3A_581] {strides = array<i32>} : memref<64x768xf32, #tpu.memory_space<vmem>>, vector<1x16xf32>,
      %get3A_583 = vector.shape_cast %get3A_582 : vector<1x16xf32> to vector<16xf32>
      %get3A_584 = arith.index_cast %scan3A_132 : i32 to index
      %get3A_585 = arith.constant 512 : index
      %get3A_586 = tpu.vector_load %arg8[%get3A_584, %get3A_585] {strides = array<i32>} : memref<64x768xf32, #tpu.memory_space<vmem>>, vector<1x16xf32>,
      %get3A_587 = vector.shape_cast %get3A_586 : vector<1x16xf32> to vector<16xf32>
      %add3A_588 = arith.addf %get3A_583, %get3A_587 : vector<16xf32>
      %swap3A_589 = arith.index_cast %scan3A_132 : i32 to index
      %swap3A_590 = arith.constant 512 : index
      %swap3A_591 = tpu.vector_load %arg7[%swap3A_589, %swap3A_590] {strides = array<i32>} : memref<64x768xf32, #tpu.memory_space<vmem>>, vector<1x16xf32>,
      %swap3A_592 = vector.shape_cast %swap3A_591 : vector<1x16xf32> to vector<16xf32>
      %swap3A_593 = vector.shape_cast %add3A_588 : vector<16xf32> to vector<1x16xf32>
      tpu.vector_store %arg7[%swap3A_589, %swap3A_590], %swap3A_593 {strides = array<i32>} : memref<64x768xf32, #tpu.memory_space<vmem>>, vector<1x16xf32>,
      %get3A_594 = arith.index_cast %scan3A_132 : i32 to index
      %get3A_595 = arith.constant 528 : index
      %get3A_596 = tpu.vector_load %arg7[%get3A_594, %get3A_595] {strides = array<i32>} : memref<64x768xf32, #tpu.memory_space<vmem>>, vector<1x16xf32>,
      %get3A_597 = vector.shape_cast %get3A_596 : vector<1x16xf32> to vector<16xf32>
      %get3A_598 = arith.index_cast %scan3A_132 : i32 to index
      %get3A_599 = arith.constant 528 : index
      %get3A_600 = tpu.vector_load %arg8[%get3A_598, %get3A_599] {strides = array<i32>} : memref<64x768xf32, #tpu.memory_space<vmem>>, vector<1x16xf32>,
      %get3A_601 = vector.shape_cast %get3A_600 : vector<1x16xf32> to vector<16xf32>
      %add3A_602 = arith.addf %get3A_597, %get3A_601 : vector<16xf32>
      %swap3A_603 = arith.index_cast %scan3A_132 : i32 to index
      %swap3A_604 = arith.constant 528 : index
      %swap3A_605 = tpu.vector_load %arg7[%swap3A_603, %swap3A_604] {strides = array<i32>} : memref<64x768xf32, #tpu.memory_space<vmem>>, vector<1x16xf32>,
      %swap3A_606 = vector.shape_cast %swap3A_605 : vector<1x16xf32> to vector<16xf32>
      %swap3A_607 = vector.shape_cast %add3A_602 : vector<16xf32> to vector<1x16xf32>
      tpu.vector_store %arg7[%swap3A_603, %swap3A_604], %swap3A_607 {strides = array<i32>} : memref<64x768xf32, #tpu.memory_space<vmem>>, vector<1x16xf32>,
      %get3A_608 = arith.index_cast %scan3A_132 : i32 to index
      %get3A_609 = arith.constant 544 : index
      %get3A_610 = tpu.vector_load %arg7[%get3A_608, %get3A_609] {strides = array<i32>} : memref<64x768xf32, #tpu.memory_space<vmem>>, vector<1x16xf32>,
      %get3A_611 = vector.shape_cast %get3A_610 : vector<1x16xf32> to vector<16xf32>
      %get3A_612 = arith.index_cast %scan3A_132 : i32 to index
      %get3A_613 = arith.constant 544 : index
      %get3A_614 = tpu.vector_load %arg8[%get3A_612, %get3A_613] {strides = array<i32>} : memref<64x768xf32, #tpu.memory_space<vmem>>, vector<1x16xf32>,
      %get3A_615 = vector.shape_cast %get3A_614 : vector<1x16xf32> to vector<16xf32>
      %add3A_616 = arith.addf %get3A_611, %get3A_615 : vector<16xf32>
      %swap3A_617 = arith.index_cast %scan3A_132 : i32 to index
      %swap3A_618 = arith.constant 544 : index
      %swap3A_619 = tpu.vector_load %arg7[%swap3A_617, %swap3A_618] {strides = array<i32>} : memref<64x768xf32, #tpu.memory_space<vmem>>, vector<1x16xf32>,
      %swap3A_620 = vector.shape_cast %swap3A_619 : vector<1x16xf32> to vector<16xf32>
      %swap3A_621 = vector.shape_cast %add3A_616 : vector<16xf32> to vector<1x16xf32>
      tpu.vector_store %arg7[%swap3A_617, %swap3A_618], %swap3A_621 {strides = array<i32>} : memref<64x768xf32, #tpu.memory_space<vmem>>, vector<1x16xf32>,
      %get3A_622 = arith.index_cast %scan3A_132 : i32 to index
      %get3A_623 = arith.constant 560 : index
      %get3A_624 = tpu.vector_load %arg7[%get3A_622, %get3A_623] {strides = array<i32>} : memref<64x768xf32, #tpu.memory_space<vmem>>, vector<1x16xf32>,
      %get3A_625 = vector.shape_cast %get3A_624 : vector<1x16xf32> to vector<16xf32>
      %get3A_626 = arith.index_cast %scan3A_132 : i32 to index
      %get3A_627 = arith.constant 560 : index
      %get3A_628 = tpu.vector_load %arg8[%get3A_626, %get3A_627] {strides = array<i32>} : memref<64x768xf32, #tpu.memory_space<vmem>>, vector<1x16xf32>,
      %get3A_629 = vector.shape_cast %get3A_628 : vector<1x16xf32> to vector<16xf32>
      %add3A_630 = arith.addf %get3A_625, %get3A_629 : vector<16xf32>
      %swap3A_631 = arith.index_cast %scan3A_132 : i32 to index
      %swap3A_632 = arith.constant 560 : index
      %swap3A_633 = tpu.vector_load %arg7[%swap3A_631, %swap3A_632] {strides = array<i32>} : memref<64x768xf32, #tpu.memory_space<vmem>>, vector<1x16xf32>,
      %swap3A_634 = vector.shape_cast %swap3A_633 : vector<1x16xf32> to vector<16xf32>
      %swap3A_635 = vector.shape_cast %add3A_630 : vector<16xf32> to vector<1x16xf32>
      tpu.vector_store %arg7[%swap3A_631, %swap3A_632], %swap3A_635 {strides = array<i32>} : memref<64x768xf32, #tpu.memory_space<vmem>>, vector<1x16xf32>,
      %get3A_636 = arith.index_cast %scan3A_132 : i32 to index
      %get3A_637 = arith.constant 576 : index
      %get3A_638 = tpu.vector_load %arg7[%get3A_636, %get3A_637] {strides = array<i32>} : memref<64x768xf32, #tpu.memory_space<vmem>>, vector<1x16xf32>,
      %get3A_639 = vector.shape_cast %get3A_638 : vector<1x16xf32> to vector<16xf32>
      %get3A_640 = arith.index_cast %scan3A_132 : i32 to index
      %get3A_641 = arith.constant 576 : index
      %get3A_642 = tpu.vector_load %arg8[%get3A_640, %get3A_641] {strides = array<i32>} : memref<64x768xf32, #tpu.memory_space<vmem>>, vector<1x16xf32>,
      %get3A_643 = vector.shape_cast %get3A_642 : vector<1x16xf32> to vector<16xf32>
      %add3A_644 = arith.addf %get3A_639, %get3A_643 : vector<16xf32>
      %swap3A_645 = arith.index_cast %scan3A_132 : i32 to index
      %swap3A_646 = arith.constant 576 : index
      %swap3A_647 = tpu.vector_load %arg7[%swap3A_645, %swap3A_646] {strides = array<i32>} : memref<64x768xf32, #tpu.memory_space<vmem>>, vector<1x16xf32>,
      %swap3A_648 = vector.shape_cast %swap3A_647 : vector<1x16xf32> to vector<16xf32>
      %swap3A_649 = vector.shape_cast %add3A_644 : vector<16xf32> to vector<1x16xf32>
      tpu.vector_store %arg7[%swap3A_645, %swap3A_646], %swap3A_649 {strides = array<i32>} : memref<64x768xf32, #tpu.memory_space<vmem>>, vector<1x16xf32>,
      %get3A_650 = arith.index_cast %scan3A_132 : i32 to index
      %get3A_651 = arith.constant 592 : index
      %get3A_652 = tpu.vector_load %arg7[%get3A_650, %get3A_651] {strides = array<i32>} : memref<64x768xf32, #tpu.memory_space<vmem>>, vector<1x16xf32>,
      %get3A_653 = vector.shape_cast %get3A_652 : vector<1x16xf32> to vector<16xf32>
      %get3A_654 = arith.index_cast %scan3A_132 : i32 to index
      %get3A_655 = arith.constant 592 : index
      %get3A_656 = tpu.vector_load %arg8[%get3A_654, %get3A_655] {strides = array<i32>} : memref<64x768xf32, #tpu.memory_space<vmem>>, vector<1x16xf32>,
      %get3A_657 = vector.shape_cast %get3A_656 : vector<1x16xf32> to vector<16xf32>
      %add3A_658 = arith.addf %get3A_653, %get3A_657 : vector<16xf32>
      %swap3A_659 = arith.index_cast %scan3A_132 : i32 to index
      %swap3A_660 = arith.constant 592 : index
      %swap3A_661 = tpu.vector_load %arg7[%swap3A_659, %swap3A_660] {strides = array<i32>} : memref<64x768xf32, #tpu.memory_space<vmem>>, vector<1x16xf32>,
      %swap3A_662 = vector.shape_cast %swap3A_661 : vector<1x16xf32> to vector<16xf32>
      %swap3A_663 = vector.shape_cast %add3A_658 : vector<16xf32> to vector<1x16xf32>
      tpu.vector_store %arg7[%swap3A_659, %swap3A_660], %swap3A_663 {strides = array<i32>} : memref<64x768xf32, #tpu.memory_space<vmem>>, vector<1x16xf32>,
      %get3A_664 = arith.index_cast %scan3A_132 : i32 to index
      %get3A_665 = arith.constant 608 : index
      %get3A_666 = tpu.vector_load %arg7[%get3A_664, %get3A_665] {strides = array<i32>} : memref<64x768xf32, #tpu.memory_space<vmem>>, vector<1x16xf32>,
      %get3A_667 = vector.shape_cast %get3A_666 : vector<1x16xf32> to vector<16xf32>
      %get3A_668 = arith.index_cast %scan3A_132 : i32 to index
      %get3A_669 = arith.constant 608 : index
      %get3A_670 = tpu.vector_load %arg8[%get3A_668, %get3A_669] {strides = array<i32>} : memref<64x768xf32, #tpu.memory_space<vmem>>, vector<1x16xf32>,
      %get3A_671 = vector.shape_cast %get3A_670 : vector<1x16xf32> to vector<16xf32>
      %add3A_672 = arith.addf %get3A_667, %get3A_671 : vector<16xf32>
      %swap3A_673 = arith.index_cast %scan3A_132 : i32 to index
      %swap3A_674 = arith.constant 608 : index
      %swap3A_675 = tpu.vector_load %arg7[%swap3A_673, %swap3A_674] {strides = array<i32>} : memref<64x768xf32, #tpu.memory_space<vmem>>, vector<1x16xf32>,
      %swap3A_676 = vector.shape_cast %swap3A_675 : vector<1x16xf32> to vector<16xf32>
      %swap3A_677 = vector.shape_cast %add3A_672 : vector<16xf32> to vector<1x16xf32>
      tpu.vector_store %arg7[%swap3A_673, %swap3A_674], %swap3A_677 {strides = array<i32>} : memref<64x768xf32, #tpu.memory_space<vmem>>, vector<1x16xf32>,
      %get3A_678 = arith.index_cast %scan3A_132 : i32 to index
      %get3A_679 = arith.constant 624 : index
      %get3A_680 = tpu.vector_load %arg7[%get3A_678, %get3A_679] {strides = array<i32>} : memref<64x768xf32, #tpu.memory_space<vmem>>, vector<1x16xf32>,
      %get3A_681 = vector.shape_cast %get3A_680 : vector<1x16xf32> to vector<16xf32>
      %get3A_682 = arith.index_cast %scan3A_132 : i32 to index
      %get3A_683 = arith.constant 624 : index
      %get3A_684 = tpu.vector_load %arg8[%get3A_682, %get3A_683] {strides = array<i32>} : memref<64x768xf32, #tpu.memory_space<vmem>>, vector<1x16xf32>,
      %get3A_685 = vector.shape_cast %get3A_684 : vector<1x16xf32> to vector<16xf32>
      %add3A_686 = arith.addf %get3A_681, %get3A_685 : vector<16xf32>
      %swap3A_687 = arith.index_cast %scan3A_132 : i32 to index
      %swap3A_688 = arith.constant 624 : index
      %swap3A_689 = tpu.vector_load %arg7[%swap3A_687, %swap3A_688] {strides = array<i32>} : memref<64x768xf32, #tpu.memory_space<vmem>>, vector<1x16xf32>,
      %swap3A_690 = vector.shape_cast %swap3A_689 : vector<1x16xf32> to vector<16xf32>
      %swap3A_691 = vector.shape_cast %add3A_686 : vector<16xf32> to vector<1x16xf32>
      tpu.vector_store %arg7[%swap3A_687, %swap3A_688], %swap3A_691 {strides = array<i32>} : memref<64x768xf32, #tpu.memory_space<vmem>>, vector<1x16xf32>,
      %get3A_692 = arith.index_cast %scan3A_132 : i32 to index
      %get3A_693 = arith.constant 640 : index
      %get3A_694 = tpu.vector_load %arg7[%get3A_692, %get3A_693] {strides = array<i32>} : memref<64x768xf32, #tpu.memory_space<vmem>>, vector<1x16xf32>,
      %get3A_695 = vector.shape_cast %get3A_694 : vector<1x16xf32> to vector<16xf32>
      %get3A_696 = arith.index_cast %scan3A_132 : i32 to index
      %get3A_697 = arith.constant 640 : index
      %get3A_698 = tpu.vector_load %arg8[%get3A_696, %get3A_697] {strides = array<i32>} : memref<64x768xf32, #tpu.memory_space<vmem>>, vector<1x16xf32>,
      %get3A_699 = vector.shape_cast %get3A_698 : vector<1x16xf32> to vector<16xf32>
      %add3A_700 = arith.addf %get3A_695, %get3A_699 : vector<16xf32>
      %swap3A_701 = arith.index_cast %scan3A_132 : i32 to index
      %swap3A_702 = arith.constant 640 : index
      %swap3A_703 = tpu.vector_load %arg7[%swap3A_701, %swap3A_702] {strides = array<i32>} : memref<64x768xf32, #tpu.memory_space<vmem>>, vector<1x16xf32>,
      %swap3A_704 = vector.shape_cast %swap3A_703 : vector<1x16xf32> to vector<16xf32>
      %swap3A_705 = vector.shape_cast %add3A_700 : vector<16xf32> to vector<1x16xf32>
      tpu.vector_store %arg7[%swap3A_701, %swap3A_702], %swap3A_705 {strides = array<i32>} : memref<64x768xf32, #tpu.memory_space<vmem>>, vector<1x16xf32>,
      %get3A_706 = arith.index_cast %scan3A_132 : i32 to index
      %get3A_707 = arith.constant 656 : index
      %get3A_708 = tpu.vector_load %arg7[%get3A_706, %get3A_707] {strides = array<i32>} : memref<64x768xf32, #tpu.memory_space<vmem>>, vector<1x16xf32>,
      %get3A_709 = vector.shape_cast %get3A_708 : vector<1x16xf32> to vector<16xf32>
      %get3A_710 = arith.index_cast %scan3A_132 : i32 to index
      %get3A_711 = arith.constant 656 : index
      %get3A_712 = tpu.vector_load %arg8[%get3A_710, %get3A_711] {strides = array<i32>} : memref<64x768xf32, #tpu.memory_space<vmem>>, vector<1x16xf32>,
      %get3A_713 = vector.shape_cast %get3A_712 : vector<1x16xf32> to vector<16xf32>
      %add3A_714 = arith.addf %get3A_709, %get3A_713 : vector<16xf32>
      %swap3A_715 = arith.index_cast %scan3A_132 : i32 to index
      %swap3A_716 = arith.constant 656 : index
      %swap3A_717 = tpu.vector_load %arg7[%swap3A_715, %swap3A_716] {strides = array<i32>} : memref<64x768xf32, #tpu.memory_space<vmem>>, vector<1x16xf32>,
      %swap3A_718 = vector.shape_cast %swap3A_717 : vector<1x16xf32> to vector<16xf32>
      %swap3A_719 = vector.shape_cast %add3A_714 : vector<16xf32> to vector<1x16xf32>
      tpu.vector_store %arg7[%swap3A_715, %swap3A_716], %swap3A_719 {strides = array<i32>} : memref<64x768xf32, #tpu.memory_space<vmem>>, vector<1x16xf32>,
      %get3A_720 = arith.index_cast %scan3A_132 : i32 to index
      %get3A_721 = arith.constant 672 : index
      %get3A_722 = tpu.vector_load %arg7[%get3A_720, %get3A_721] {strides = array<i32>} : memref<64x768xf32, #tpu.memory_space<vmem>>, vector<1x16xf32>,
      %get3A_723 = vector.shape_cast %get3A_722 : vector<1x16xf32> to vector<16xf32>
      %get3A_724 = arith.index_cast %scan3A_132 : i32 to index
      %get3A_725 = arith.constant 672 : index
      %get3A_726 = tpu.vector_load %arg8[%get3A_724, %get3A_725] {strides = array<i32>} : memref<64x768xf32, #tpu.memory_space<vmem>>, vector<1x16xf32>,
      %get3A_727 = vector.shape_cast %get3A_726 : vector<1x16xf32> to vector<16xf32>
      %add3A_728 = arith.addf %get3A_723, %get3A_727 : vector<16xf32>
      %swap3A_729 = arith.index_cast %scan3A_132 : i32 to index
      %swap3A_730 = arith.constant 672 : index
      %swap3A_731 = tpu.vector_load %arg7[%swap3A_729, %swap3A_730] {strides = array<i32>} : memref<64x768xf32, #tpu.memory_space<vmem>>, vector<1x16xf32>,
      %swap3A_732 = vector.shape_cast %swap3A_731 : vector<1x16xf32> to vector<16xf32>
      %swap3A_733 = vector.shape_cast %add3A_728 : vector<16xf32> to vector<1x16xf32>
      tpu.vector_store %arg7[%swap3A_729, %swap3A_730], %swap3A_733 {strides = array<i32>} : memref<64x768xf32, #tpu.memory_space<vmem>>, vector<1x16xf32>,
      %get3A_734 = arith.index_cast %scan3A_132 : i32 to index
      %get3A_735 = arith.constant 688 : index
      %get3A_736 = tpu.vector_load %arg7[%get3A_734, %get3A_735] {strides = array<i32>} : memref<64x768xf32, #tpu.memory_space<vmem>>, vector<1x16xf32>,
      %get3A_737 = vector.shape_cast %get3A_736 : vector<1x16xf32> to vector<16xf32>
      %get3A_738 = arith.index_cast %scan3A_132 : i32 to index
      %get3A_739 = arith.constant 688 : index
      %get3A_740 = tpu.vector_load %arg8[%get3A_738, %get3A_739] {strides = array<i32>} : memref<64x768xf32, #tpu.memory_space<vmem>>, vector<1x16xf32>,
      %get3A_741 = vector.shape_cast %get3A_740 : vector<1x16xf32> to vector<16xf32>
      %add3A_742 = arith.addf %get3A_737, %get3A_741 : vector<16xf32>
      %swap3A_743 = arith.index_cast %scan3A_132 : i32 to index
      %swap3A_744 = arith.constant 688 : index
      %swap3A_745 = tpu.vector_load %arg7[%swap3A_743, %swap3A_744] {strides = array<i32>} : memref<64x768xf32, #tpu.memory_space<vmem>>, vector<1x16xf32>,
      %swap3A_746 = vector.shape_cast %swap3A_745 : vector<1x16xf32> to vector<16xf32>
      %swap3A_747 = vector.shape_cast %add3A_742 : vector<16xf32> to vector<1x16xf32>
      tpu.vector_store %arg7[%swap3A_743, %swap3A_744], %swap3A_747 {strides = array<i32>} : memref<64x768xf32, #tpu.memory_space<vmem>>, vector<1x16xf32>,
      %get3A_748 = arith.index_cast %scan3A_132 : i32 to index
      %get3A_749 = arith.constant 704 : index
      %get3A_750 = tpu.vector_load %arg7[%get3A_748, %get3A_749] {strides = array<i32>} : memref<64x768xf32, #tpu.memory_space<vmem>>, vector<1x16xf32>,
      %get3A_751 = vector.shape_cast %get3A_750 : vector<1x16xf32> to vector<16xf32>
      %get3A_752 = arith.index_cast %scan3A_132 : i32 to index
      %get3A_753 = arith.constant 704 : index
      %get3A_754 = tpu.vector_load %arg8[%get3A_752, %get3A_753] {strides = array<i32>} : memref<64x768xf32, #tpu.memory_space<vmem>>, vector<1x16xf32>,
      %get3A_755 = vector.shape_cast %get3A_754 : vector<1x16xf32> to vector<16xf32>
      %add3A_756 = arith.addf %get3A_751, %get3A_755 : vector<16xf32>
      %swap3A_757 = arith.index_cast %scan3A_132 : i32 to index
      %swap3A_758 = arith.constant 704 : index
      %swap3A_759 = tpu.vector_load %arg7[%swap3A_757, %swap3A_758] {strides = array<i32>} : memref<64x768xf32, #tpu.memory_space<vmem>>, vector<1x16xf32>,
      %swap3A_760 = vector.shape_cast %swap3A_759 : vector<1x16xf32> to vector<16xf32>
      %swap3A_761 = vector.shape_cast %add3A_756 : vector<16xf32> to vector<1x16xf32>
      tpu.vector_store %arg7[%swap3A_757, %swap3A_758], %swap3A_761 {strides = array<i32>} : memref<64x768xf32, #tpu.memory_space<vmem>>, vector<1x16xf32>,
      %get3A_762 = arith.index_cast %scan3A_132 : i32 to index
      %get3A_763 = arith.constant 720 : index
      %get3A_764 = tpu.vector_load %arg7[%get3A_762, %get3A_763] {strides = array<i32>} : memref<64x768xf32, #tpu.memory_space<vmem>>, vector<1x16xf32>,
      %get3A_765 = vector.shape_cast %get3A_764 : vector<1x16xf32> to vector<16xf32>
      %get3A_766 = arith.index_cast %scan3A_132 : i32 to index
      %get3A_767 = arith.constant 720 : index
      %get3A_768 = tpu.vector_load %arg8[%get3A_766, %get3A_767] {strides = array<i32>} : memref<64x768xf32, #tpu.memory_space<vmem>>, vector<1x16xf32>,
      %get3A_769 = vector.shape_cast %get3A_768 : vector<1x16xf32> to vector<16xf32>
      %add3A_770 = arith.addf %get3A_765, %get3A_769 : vector<16xf32>
      %swap3A_771 = arith.index_cast %scan3A_132 : i32 to index
      %swap3A_772 = arith.constant 720 : index
      %swap3A_773 = tpu.vector_load %arg7[%swap3A_771, %swap3A_772] {strides = array<i32>} : memref<64x768xf32, #tpu.memory_space<vmem>>, vector<1x16xf32>,
      %swap3A_774 = vector.shape_cast %swap3A_773 : vector<1x16xf32> to vector<16xf32>
      %swap3A_775 = vector.shape_cast %add3A_770 : vector<16xf32> to vector<1x16xf32>
      tpu.vector_store %arg7[%swap3A_771, %swap3A_772], %swap3A_775 {strides = array<i32>} : memref<64x768xf32, #tpu.memory_space<vmem>>, vector<1x16xf32>,
      %get3A_776 = arith.index_cast %scan3A_132 : i32 to index
      %get3A_777 = arith.constant 736 : index
      %get3A_778 = tpu.vector_load %arg7[%get3A_776, %get3A_777] {strides = array<i32>} : memref<64x768xf32, #tpu.memory_space<vmem>>, vector<1x16xf32>,
      %get3A_779 = vector.shape_cast %get3A_778 : vector<1x16xf32> to vector<16xf32>
      %get3A_780 = arith.index_cast %scan3A_132 : i32 to index
      %get3A_781 = arith.constant 736 : index
      %get3A_782 = tpu.vector_load %arg8[%get3A_780, %get3A_781] {strides = array<i32>} : memref<64x768xf32, #tpu.memory_space<vmem>>, vector<1x16xf32>,
      %get3A_783 = vector.shape_cast %get3A_782 : vector<1x16xf32> to vector<16xf32>
      %add3A_784 = arith.addf %get3A_779, %get3A_783 : vector<16xf32>
      %swap3A_785 = arith.index_cast %scan3A_132 : i32 to index
      %swap3A_786 = arith.constant 736 : index
      %swap3A_787 = tpu.vector_load %arg7[%swap3A_785, %swap3A_786] {strides = array<i32>} : memref<64x768xf32, #tpu.memory_space<vmem>>, vector<1x16xf32>,
      %swap3A_788 = vector.shape_cast %swap3A_787 : vector<1x16xf32> to vector<16xf32>
      %swap3A_789 = vector.shape_cast %add3A_784 : vector<16xf32> to vector<1x16xf32>
      tpu.vector_store %arg7[%swap3A_785, %swap3A_786], %swap3A_789 {strides = array<i32>} : memref<64x768xf32, #tpu.memory_space<vmem>>, vector<1x16xf32>,
      %get3A_790 = arith.index_cast %scan3A_132 : i32 to index
      %get3A_791 = arith.constant 752 : index
      %get3A_792 = tpu.vector_load %arg7[%get3A_790, %get3A_791] {strides = array<i32>} : memref<64x768xf32, #tpu.memory_space<vmem>>, vector<1x16xf32>,
      %get3A_793 = vector.shape_cast %get3A_792 : vector<1x16xf32> to vector<16xf32>
      %get3A_794 = arith.index_cast %scan3A_132 : i32 to index
      %get3A_795 = arith.constant 752 : index
      %get3A_796 = tpu.vector_load %arg8[%get3A_794, %get3A_795] {strides = array<i32>} : memref<64x768xf32, #tpu.memory_space<vmem>>, vector<1x16xf32>,
      %get3A_797 = vector.shape_cast %get3A_796 : vector<1x16xf32> to vector<16xf32>
      %add3A_798 = arith.addf %get3A_793, %get3A_797 : vector<16xf32>
      %swap3A_799 = arith.index_cast %scan3A_132 : i32 to index
      %swap3A_800 = arith.constant 752 : index
      %swap3A_801 = tpu.vector_load %arg7[%swap3A_799, %swap3A_800] {strides = array<i32>} : memref<64x768xf32, #tpu.memory_space<vmem>>, vector<1x16xf32>,
      %swap3A_802 = vector.shape_cast %swap3A_801 : vector<1x16xf32> to vector<16xf32>
      %swap3A_803 = vector.shape_cast %add3A_798 : vector<16xf32> to vector<1x16xf32>
      tpu.vector_store %arg7[%swap3A_799, %swap3A_800], %swap3A_803 {strides = array<i32>} : memref<64x768xf32, #tpu.memory_space<vmem>>, vector<1x16xf32>,
      %scan3A_804 = arith.constant 0 : i32
      scf.yield %scan3A_804 : i32
    }
    %scan3A_99 = arith.constant 32 : i32
    %add3A_100 = arith.constant 32 : i32
    %add3A_101 = arith.addi %mul3A_2, %add3A_100 : i32
    %dma_start3A_102 = arith.constant 32 : i32
    %dma_start3A_103 = arith.constant 0 : i32
    %dma_start3A_104 = tpu.memref_slice %arg7[%dma_start3A_102, %dma_start3A_103] : memref<64x768xf32, #tpu.memory_space<vmem>> -> memref<32x768xf32, #tpu.memory_space<vmem>>
    %dma_start3A_105 = arith.constant 0 : i32
    %dma_start3A_106 = tpu.memref_slice %arg4[%add3A_101, %dma_start3A_105] : memref<2048x768xf32, #tpu.memory_space<hbm>> -> memref<32x768xf32, #tpu.memory_space<hbm>>
    %dma_start3A_107 = arith.constant 0 : i32
    %dma_start3A_108 = tpu.memref_slice %arg4[%add3A_101, %dma_start3A_107] : memref<2048x768xf32, #tpu.memory_space<hbm>> -> memref<32x768xf32, #tpu.memory_space<hbm>>
    %dma_start3A_109 = arith.constant 32 : i32
    %dma_start3A_110 = arith.constant 0 : i32
    %dma_start3A_111 = tpu.memref_slice %arg7[%dma_start3A_109, %dma_start3A_110] : memref<64x768xf32, #tpu.memory_space<vmem>> -> memref<32x768xf32, #tpu.memory_space<vmem>>
    tpu.enqueue_dma source(%dma_start3A_111 : memref<32x768xf32, #tpu.memory_space<vmem>>) target(%dma_start3A_108 : memref<32x768xf32, #tpu.memory_space<hbm>>) target_semaphore(%arg11 : memref<!tpu.dma_semaphore, #tpu.memory_space<semaphore_mem>>)
    %dma_wait3A_112 = arith.constant 0 : i32
    %dma_wait3A_113 = arith.constant 0 : i32
    %dma_wait3A_114 = tpu.memref_slice %arg7[%dma_wait3A_112, %dma_wait3A_113] : memref<64x768xf32, #tpu.memory_space<vmem>> -> memref<32x768xf32, #tpu.memory_space<vmem>>
    %dma_wait3A_115 = arith.constant 0 : i32
    %dma_wait3A_116 = tpu.memref_slice %arg4[%add3A_66, %dma_wait3A_115] : memref<2048x768xf32, #tpu.memory_space<hbm>> -> memref<32x768xf32, #tpu.memory_space<hbm>>
    %dma_wait3A_117 = arith.constant 0 : i32
    %dma_wait3A_118 = tpu.memref_slice %arg4[%add3A_66, %dma_wait3A_117] : memref<2048x768xf32, #tpu.memory_space<hbm>> -> memref<32x768xf32, #tpu.memory_space<hbm>>
    %dma_wait3A_119 = arith.constant 0 : i32
    %dma_wait3A_120 = arith.constant 0 : i32
    %dma_wait3A_121 = tpu.memref_slice %arg7[%dma_wait3A_119, %dma_wait3A_120] : memref<64x768xf32, #tpu.memory_space<vmem>> -> memref<32x768xf32, #tpu.memory_space<vmem>>
    tpu.wait_dma2 semaphore(%arg11 : memref<!tpu.dma_semaphore, #tpu.memory_space<semaphore_mem>>) src(%dma_wait3A_121 : memref<32x768xf32, #tpu.memory_space<vmem>>) dst(%dma_wait3A_118 : memref<32x768xf32, #tpu.memory_space<hbm>>)
    %dma_wait3A_122 = arith.constant 32 : i32
    %dma_wait3A_123 = arith.constant 0 : i32
    %dma_wait3A_124 = tpu.memref_slice %arg7[%dma_wait3A_122, %dma_wait3A_123] : memref<64x768xf32, #tpu.memory_space<vmem>> -> memref<32x768xf32, #tpu.memory_space<vmem>>
    %dma_wait3A_125 = arith.constant 0 : i32
    %dma_wait3A_126 = tpu.memref_slice %arg4[%add3A_101, %dma_wait3A_125] : memref<2048x768xf32, #tpu.memory_space<hbm>> -> memref<32x768xf32, #tpu.memory_space<hbm>>
    %dma_wait3A_127 = arith.constant 0 : i32
    %dma_wait3A_128 = tpu.memref_slice %arg4[%add3A_101, %dma_wait3A_127] : memref<2048x768xf32, #tpu.memory_space<hbm>> -> memref<32x768xf32, #tpu.memory_space<hbm>>
    %dma_wait3A_129 = arith.constant 32 : i32
    %dma_wait3A_130 = arith.constant 0 : i32
    %dma_wait3A_131 = tpu.memref_slice %arg7[%dma_wait3A_129, %dma_wait3A_130] : memref<64x768xf32, #tpu.memory_space<vmem>> -> memref<32x768xf32, #tpu.memory_space<vmem>>
    tpu.wait_dma2 semaphore(%arg11 : memref<!tpu.dma_semaphore, #tpu.memory_space<semaphore_mem>>) src(%dma_wait3A_131 : memref<32x768xf32, #tpu.memory_space<vmem>>) dst(%dma_wait3A_128 : memref<32x768xf32, #tpu.memory_space<hbm>>)
    return
  }
}

module attributes {stable_mosaic.version = 14 : i64} {
  func.func @_gmm_body(%arg0: i32, %arg1: memref<24xi32, #tpu.memory_space<smem>>, %arg2: memref<24xi32, #tpu.memory_space<smem>>, %arg3: memref<256x768xf32, #tpu.memory_space<vmem>>, %arg4: memref<1x3072x768xf32, #tpu.memory_space<vmem>>, %arg5: memref<1x3072x768xf32, #tpu.memory_space<vmem>>, %arg6: memref<1x768x3072xf32, #tpu.memory_space<vmem>>, %arg7: memref<256x128xf32, #tpu.memory_space<vmem>>, %arg8: memref<256x768xf32, #tpu.memory_space<vmem>>) attributes {dimension_semantics = [#tpu.dimension_semantics<arbitrary>], iteration_bounds = array<i64: 24>, scalar_prefetch = 2 : i64, scratch_operands = 0 : i64, tpu.core_type = #tpu.core_type<tc>, window_params = [{transform_indices = @transform_0, window_bounds = array<i64: 256, 768>}, {transform_indices = @transform_1, window_bounds = array<i64: 1, 3072, 768>}, {transform_indices = @transform_2, window_bounds = array<i64: 1, 3072, 768>}, {transform_indices = @transform_3, window_bounds = array<i64: 1, 768, 3072>}, {transform_indices = @transform_4, window_bounds = array<i64: 256, 128>}, {transform_indices = @transform_5, window_bounds = array<i64: 256, 768>}]} {
    %get3A = arith.index_cast %arg0 : i32 to index
    %get3A_0 = memref.load %arg2[%get3A] : memref<24xi32, #tpu.memory_space<smem>>
    %eq3A = arith.constant 1 : i32
    %eq3A_1 = arith.cmpi eq, %get3A_0, %eq3A : i32
    %convert_element_type3A = arith.extui %eq3A_1 : i1 to i32
    %cond3A = arith.constant 0 : i32
    %cond3A_2 = arith.cmpi ne, %convert_element_type3A, %cond3A : i32
    scf.if %cond3A_2 {
      %get3A_3 = arith.constant 0 : index
      %get3A_4 = arith.constant 0 : index
      %get3A_5 = vector.load %arg3[%get3A_3, %get3A_4] : memref<256x768xf32, #tpu.memory_space<vmem>>, vector<256x768xf32>
      %get3A_6 = arith.constant 0 : index
      %get3A_7 = arith.constant 0 : index
      %get3A_8 = arith.constant 0 : index
      %get3A_9 = vector.load %arg4[%get3A_6, %get3A_7, %get3A_8] : memref<1x3072x768xf32, #tpu.memory_space<vmem>>, vector<1x3072x768xf32>
      %get3A_10 = vector.shape_cast %get3A_9 : vector<1x3072x768xf32> to vector<3072x768xf32>
      %dot_general3A = arith.constant dense<0.000000e+00> : vector<256x3072xf32>
      %dot_general3A_11 = tpu.matmul %get3A_5, %get3A_10, %dot_general3A {dimension_numbers = #tpu.dot_dimension_numbers<[1], [1], [0], [0], [0, 0, 1, 0], [], []>, transpose_lhs_hint = false} : vector<256x768xf32>, vector<3072x768xf32>, vector<256x3072xf32> -> vector<256x3072xf32>
      %get3A_12 = arith.constant 0 : index
      %get3A_13 = arith.constant 0 : index
      %get3A_14 = arith.constant 0 : index
      %get3A_15 = vector.load %arg5[%get3A_12, %get3A_13, %get3A_14] : memref<1x3072x768xf32, #tpu.memory_space<vmem>>, vector<1x3072x768xf32>
      %get3A_16 = vector.shape_cast %get3A_15 : vector<1x3072x768xf32> to vector<3072x768xf32>
      %dot_general3A_17 = arith.constant dense<0.000000e+00> : vector<256x3072xf32>
      %dot_general3A_18 = tpu.matmul %get3A_5, %get3A_16, %dot_general3A_17 {dimension_numbers = #tpu.dot_dimension_numbers<[1], [1], [0], [0], [0, 0, 1, 0], [], []>, transpose_lhs_hint = false} : vector<256x768xf32>, vector<3072x768xf32>, vector<256x3072xf32> -> vector<256x3072xf32>
      %logistic3A = arith.negf %dot_general3A_11 : vector<256x3072xf32>
      %logistic3A_19 = math.exp %logistic3A : vector<256x3072xf32>
      %logistic3A_20 = arith.constant 1.000000e+00 : f32
      %logistic3A_21 = vector.broadcast %logistic3A_20 : f32 to vector<256x3072xf32>
      %logistic3A_22 = arith.addf %logistic3A_21, %logistic3A_19 : vector<256x3072xf32>
      %logistic3A_23 = arith.divf %logistic3A_21, %logistic3A_22 : vector<256x3072xf32>
      %mul3A = arith.mulf %dot_general3A_11, %logistic3A_23 : vector<256x3072xf32>
      %mul3A_24 = arith.mulf %mul3A, %dot_general3A_18 : vector<256x3072xf32>
      %get3A_25 = arith.constant 0 : index
      %get3A_26 = arith.constant 0 : index
      %get3A_27 = arith.constant 0 : index
      %get3A_28 = vector.load %arg6[%get3A_25, %get3A_26, %get3A_27] : memref<1x768x3072xf32, #tpu.memory_space<vmem>>, vector<1x768x3072xf32>
      %get3A_29 = vector.shape_cast %get3A_28 : vector<1x768x3072xf32> to vector<768x3072xf32>
      %dot_general3A_30 = arith.constant dense<0.000000e+00> : vector<256x768xf32>
      %dot_general3A_31 = tpu.matmul %mul3A_24, %get3A_29, %dot_general3A_30 {dimension_numbers = #tpu.dot_dimension_numbers<[1], [1], [0], [0], [0, 0, 1, 0], [], []>, transpose_lhs_hint = false} : vector<256x3072xf32>, vector<768x3072xf32>, vector<256x768xf32> -> vector<256x768xf32>
      %get3A_32 = arith.constant 0 : index
      %get3A_33 = arith.constant 0 : index
      %get3A_34 = vector.load %arg7[%get3A_32, %get3A_33] : memref<256x128xf32, #tpu.memory_space<vmem>>, vector<256x128xf32>
      %slice3A = vector.extract_strided_slice %get3A_34 {offsets = [0, 0], sizes = [256, 1], strides = [1, 1]} : vector<256x128xf32> to vector<256x1xf32>
      %mul3A_35 = vector.broadcast %slice3A : vector<256x1xf32> to vector<256x768xf32>
      %mul3A_36 = arith.mulf %dot_general3A_31, %mul3A_35 : vector<256x768xf32>
      %swap3A = arith.constant 0 : index
      %swap3A_37 = arith.constant 0 : index
      %swap3A_38 = vector.load %arg8[%swap3A, %swap3A_37] : memref<256x768xf32, #tpu.memory_space<vmem>>, vector<256x768xf32>
      tpu.vector_store %arg8[%swap3A, %swap3A_37], %mul3A_36 {strides = array<i32>} : memref<256x768xf32, #tpu.memory_space<vmem>>, vector<256x768xf32>,
    } else {
    }
    return
  }
  func.func @transform_0(%arg0: i32, %arg1: memref<24xi32, #tpu.memory_space<smem>>, %arg2: memref<24xi32, #tpu.memory_space<smem>>) -> (i32, i32) {
    %c0_i32 = arith.constant 0 : i32
    %c0_i32_0 = arith.constant 0 : i32
    return %arg0, %c0_i32 : i32, i32
  }
  func.func @transform_1(%arg0: i32, %arg1: memref<24xi32, #tpu.memory_space<smem>>, %arg2: memref<24xi32, #tpu.memory_space<smem>>) -> (i32, i32, i32) {
    %get3A = arith.index_cast %arg0 : i32 to index
    %get3A_0 = memref.load %arg1[%get3A] : memref<24xi32, #tpu.memory_space<smem>>
    %c0_i32 = arith.constant 0 : i32
    %c0_i32_1 = arith.constant 0 : i32
    %c0_i32_2 = arith.constant 0 : i32
    return %get3A_0, %c0_i32, %c0_i32_1 : i32, i32, i32
  }
  func.func @transform_2(%arg0: i32, %arg1: memref<24xi32, #tpu.memory_space<smem>>, %arg2: memref<24xi32, #tpu.memory_space<smem>>) -> (i32, i32, i32) {
    %get3A = arith.index_cast %arg0 : i32 to index
    %get3A_0 = memref.load %arg1[%get3A] : memref<24xi32, #tpu.memory_space<smem>>
    %c0_i32 = arith.constant 0 : i32
    %c0_i32_1 = arith.constant 0 : i32
    %c0_i32_2 = arith.constant 0 : i32
    return %get3A_0, %c0_i32, %c0_i32_1 : i32, i32, i32
  }
  func.func @transform_3(%arg0: i32, %arg1: memref<24xi32, #tpu.memory_space<smem>>, %arg2: memref<24xi32, #tpu.memory_space<smem>>) -> (i32, i32, i32) {
    %get3A = arith.index_cast %arg0 : i32 to index
    %get3A_0 = memref.load %arg1[%get3A] : memref<24xi32, #tpu.memory_space<smem>>
    %c0_i32 = arith.constant 0 : i32
    %c0_i32_1 = arith.constant 0 : i32
    %c0_i32_2 = arith.constant 0 : i32
    return %get3A_0, %c0_i32, %c0_i32_1 : i32, i32, i32
  }
  func.func @transform_4(%arg0: i32, %arg1: memref<24xi32, #tpu.memory_space<smem>>, %arg2: memref<24xi32, #tpu.memory_space<smem>>) -> (i32, i32) {
    %c0_i32 = arith.constant 0 : i32
    %c0_i32_0 = arith.constant 0 : i32
    return %arg0, %c0_i32 : i32, i32
  }
  func.func @transform_5(%arg0: i32, %arg1: memref<24xi32, #tpu.memory_space<smem>>, %arg2: memref<24xi32, #tpu.memory_space<smem>>) -> (i32, i32) {
    %c0_i32 = arith.constant 0 : i32
    %c0_i32_0 = arith.constant 0 : i32
    return %arg0, %c0_i32 : i32, i32
  }
}

module attributes {stable_mosaic.version = 14 : i64} {
  func.func @_router_body(%arg0: memref<2048x768xf32, #tpu.memory_space<vmem>>, %arg1: memref<8x768xf32, #tpu.memory_space<vmem>>, %arg2: memref<4096x1xi32, #tpu.memory_space<vmem>>, %arg3: memref<4096x128xf32, #tpu.memory_space<vmem>>, %arg4: memref<24x1xi32, #tpu.memory_space<vmem>>, %arg5: memref<24x1xi32, #tpu.memory_space<vmem>>, %arg6: memref<1x1xf32, #tpu.memory_space<vmem>>) attributes {dimension_semantics = [], scalar_prefetch = 0 : i64, scratch_operands = 0 : i64, tpu.core_type = #tpu.core_type<tc>} {
    %get3A = arith.constant 0 : index
    %get3A_0 = arith.constant 0 : index
    %get3A_1 = vector.load %arg0[%get3A, %get3A_0] : memref<2048x768xf32, #tpu.memory_space<vmem>>, vector<2048x768xf32>
    %get3A_2 = arith.constant 0 : index
    %get3A_3 = arith.constant 0 : index
    %get3A_4 = vector.load %arg1[%get3A_2, %get3A_3] : memref<8x768xf32, #tpu.memory_space<vmem>>, vector<8x768xf32>
    %dot_general3A = arith.constant dense<0.000000e+00> : vector<2048x8xf32>
    %dot_general3A_5 = tpu.matmul %get3A_1, %get3A_4, %dot_general3A {dimension_numbers = #tpu.dot_dimension_numbers<[1], [1], [0], [0], [0, 0, 1, 0], [], []>, transpose_lhs_hint = false} : vector<2048x768xf32>, vector<8x768xf32>, vector<2048x8xf32> -> vector<2048x8xf32>
    %reduce_max3A = arith.constant dense<0xFF800000> : vector<2048xf32>
    %reduce_max3A_6 = vector.multi_reduction <maximumf>, %dot_general3A_5, %reduce_max3A [1] : vector<2048x8xf32> to vector<2048xf32>
    %broadcast_in_dim3A = vector.shape_cast %reduce_max3A_6 : vector<2048xf32> to vector<2048x1xf32>
    %sub3A = vector.broadcast %broadcast_in_dim3A : vector<2048x1xf32> to vector<2048x8xf32>
    %sub3A_7 = arith.subf %dot_general3A_5, %sub3A : vector<2048x8xf32>
    %exp3A = math.exp %sub3A_7 : vector<2048x8xf32>
    %reduce_sum3A = arith.constant dense<0.000000e+00> : vector<2048xf32>
    %reduce_sum3A_8 = vector.multi_reduction <add>, %exp3A, %reduce_sum3A [1] : vector<2048x8xf32> to vector<2048xf32>
    %broadcast_in_dim3A_9 = vector.shape_cast %reduce_sum3A_8 : vector<2048xf32> to vector<2048x1xf32>
    %div3A = vector.broadcast %broadcast_in_dim3A_9 : vector<2048x1xf32> to vector<2048x8xf32>
    %div3A_10 = arith.divf %exp3A, %div3A : vector<2048x8xf32>
    %reduce_sum3A_11 = arith.constant dense<0.000000e+00> : vector<8xf32>
    %reduce_sum3A_12 = vector.multi_reduction <add>, %div3A_10, %reduce_sum3A_11 [0] : vector<2048x8xf32> to vector<8xf32>
    %broadcast_in_dim3A_13 = vector.shape_cast %reduce_sum3A_12 : vector<8xf32> to vector<1x8xf32>
    %div3A_14 = arith.constant 2.048000e+03 : f32
    %div3A_15 = vector.broadcast %div3A_14 : f32 to vector<1x8xf32>
    %div3A_16 = arith.divf %broadcast_in_dim3A_13, %div3A_15 : vector<1x8xf32>
    %mul3A = arith.mulf %div3A_16, %div3A_16 : vector<1x8xf32>
    %reduce_sum3A_17 = arith.constant dense<0.000000e+00> : vector<1xf32>
    %reduce_sum3A_18 = vector.multi_reduction <add>, %mul3A, %reduce_sum3A_17 [1] : vector<1x8xf32> to vector<1xf32>
    %broadcast_in_dim3A_19 = vector.shape_cast %reduce_sum3A_18 : vector<1xf32> to vector<1x1xf32>
    %mul3A_20 = arith.constant 8.000000e+00 : f32
    %mul3A_21 = vector.broadcast %mul3A_20 : f32 to vector<1x1xf32>
    %mul3A_22 = arith.mulf %mul3A_21, %broadcast_in_dim3A_19 : vector<1x1xf32>
    %swap3A = arith.constant 0 : index
    %swap3A_23 = arith.constant 0 : index
    %swap3A_24 = vector.load %arg6[%swap3A, %swap3A_23] : memref<1x1xf32, #tpu.memory_space<vmem>>, vector<1x1xf32>
    tpu.vector_store %arg6[%swap3A, %swap3A_23], %mul3A_22 {strides = array<i32>} : memref<1x1xf32, #tpu.memory_space<vmem>>, vector<1x1xf32>,
    %iota3A = tpu.iota {dimensions = array<i32: 1>} : vector<2048x8xi32>
    %eq3A = vector.broadcast %broadcast_in_dim3A : vector<2048x1xf32> to vector<2048x8xf32>
    %eq3A_25 = arith.cmpf oeq, %dot_general3A_5, %eq3A : vector<2048x8xf32>
    %jit3A = arith.constant 8 : i32
    %broadcast_in_dim3A_26 = vector.broadcast %jit3A : i32 to vector<2048x8xi32>
    %select_n3A = arith.select %eq3A_25, %iota3A, %broadcast_in_dim3A_26 : vector<2048x8xi1>, vector<2048x8xi32>
    %reduce_min3A = arith.constant dense<2147483647> : vector<2048xi32>
    %reduce_min3A_27 = vector.multi_reduction <minsi>, %select_n3A, %reduce_min3A [1] : vector<2048x8xi32> to vector<2048xi32>
    %broadcast_in_dim3A_28 = vector.shape_cast %reduce_min3A_27 : vector<2048xi32> to vector<2048x1xi32>
    %eq3A_29 = vector.broadcast %broadcast_in_dim3A_28 : vector<2048x1xi32> to vector<2048x8xi32>
    %eq3A_30 = arith.cmpi eq, %iota3A, %eq3A_29 : vector<2048x8xi32>
    %jit3A_31 = arith.constant 0xFF800000 : f32
    %broadcast_in_dim3A_32 = vector.broadcast %jit3A_31 : f32 to vector<2048x8xf32>
    %select_n3A_33 = arith.select %eq3A_30, %broadcast_in_dim3A_32, %dot_general3A_5 : vector<2048x8xi1>, vector<2048x8xf32>
    %reduce_max3A_34 = arith.constant dense<0xFF800000> : vector<2048xf32>
    %reduce_max3A_35 = vector.multi_reduction <maximumf>, %select_n3A_33, %reduce_max3A_34 [1] : vector<2048x8xf32> to vector<2048xf32>
    %broadcast_in_dim3A_36 = vector.shape_cast %reduce_max3A_35 : vector<2048xf32> to vector<2048x1xf32>
    %eq3A_37 = vector.broadcast %broadcast_in_dim3A_36 : vector<2048x1xf32> to vector<2048x8xf32>
    %eq3A_38 = arith.cmpf oeq, %select_n3A_33, %eq3A_37 : vector<2048x8xf32>
    %jit3A_39 = arith.constant 8 : i32
    %broadcast_in_dim3A_40 = vector.broadcast %jit3A_39 : i32 to vector<2048x8xi32>
    %select_n3A_41 = arith.select %eq3A_38, %iota3A, %broadcast_in_dim3A_40 : vector<2048x8xi1>, vector<2048x8xi32>
    %reduce_min3A_42 = arith.constant dense<2147483647> : vector<2048xi32>
    %reduce_min3A_43 = vector.multi_reduction <minsi>, %select_n3A_41, %reduce_min3A_42 [1] : vector<2048x8xi32> to vector<2048xi32>
    %broadcast_in_dim3A_44 = vector.shape_cast %reduce_min3A_43 : vector<2048xi32> to vector<2048x1xi32>
    %sub3A_45 = arith.subf %broadcast_in_dim3A_36, %broadcast_in_dim3A : vector<2048x1xf32>
    %exp3A_46 = math.exp %sub3A_45 : vector<2048x1xf32>
    %add3A = arith.constant 1.000000e+00 : f32
    %add3A_47 = vector.broadcast %add3A : f32 to vector<2048x1xf32>
    %add3A_48 = arith.addf %add3A_47, %exp3A_46 : vector<2048x1xf32>
    %div3A_49 = arith.constant 1.000000e+00 : f32
    %div3A_50 = vector.broadcast %div3A_49 : f32 to vector<2048x1xf32>
    %div3A_51 = arith.divf %div3A_50, %add3A_48 : vector<2048x1xf32>
    %add3A_52 = arith.constant 1.000000e+00 : f32
    %add3A_53 = vector.broadcast %add3A_52 : f32 to vector<2048x1xf32>
    %add3A_54 = arith.addf %add3A_53, %exp3A_46 : vector<2048x1xf32>
    %div3A_55 = arith.divf %exp3A_46, %add3A_54 : vector<2048x1xf32>
    %concatenate3A = tpu.concatenate %div3A_51, %div3A_55 in 0 : vector<2048x1xf32>, vector<2048x1xf32> -> vector<4096x1xf32>
    %broadcast_in_dim3A_56 = vector.shape_cast %concatenate3A : vector<4096x1xf32> to vector<4096x1xf32>
    %broadcast_in_dim3A_57 = vector.broadcast %broadcast_in_dim3A_56 : vector<4096x1xf32> to vector<4096x128xf32>
    %swap3A_58 = arith.constant 0 : index
    %swap3A_59 = arith.constant 0 : index
    %swap3A_60 = vector.load %arg3[%swap3A_58, %swap3A_59] : memref<4096x128xf32, #tpu.memory_space<vmem>>, vector<4096x128xf32>
    tpu.vector_store %arg3[%swap3A_58, %swap3A_59], %broadcast_in_dim3A_57 {strides = array<i32>} : memref<4096x128xf32, #tpu.memory_space<vmem>>, vector<4096x128xf32>,
    %concatenate3A_61 = tpu.concatenate %broadcast_in_dim3A_28, %broadcast_in_dim3A_44 in 0 : vector<2048x1xi32>, vector<2048x1xi32> -> vector<4096x1xi32>
    %iota3A_62 = tpu.iota {dimensions = array<i32: 1>} : vector<4096x8xi32>
    %eq3A_63 = vector.broadcast %concatenate3A_61 : vector<4096x1xi32> to vector<4096x8xi32>
    %eq3A_64 = arith.cmpi eq, %eq3A_63, %iota3A_62 : vector<4096x8xi32>
    %convert_element_type3A = arith.extui %eq3A_64 : vector<4096x8xi1> to vector<4096x8xi32>
    %convert_element_type3A_65 = arith.sitofp %convert_element_type3A : vector<4096x8xi32> to vector<4096x8xf32>
    %iota3A_66 = tpu.iota {dimensions = array<i32: 0>} : vector<256x256xi32>
    %iota3A_67 = tpu.iota {dimensions = array<i32: 1>} : vector<256x256xi32>
    %ge3A = arith.cmpi sge, %iota3A_66, %iota3A_67 : vector<256x256xi32>
    %convert_element_type3A_68 = arith.extui %ge3A : vector<256x256xi1> to vector<256x256xi32>
    %convert_element_type3A_69 = arith.sitofp %convert_element_type3A_68 : vector<256x256xi32> to vector<256x256xf32>
    %broadcast_in_dim3A_70 = arith.constant 0.000000e+00 : f32
    %broadcast_in_dim3A_71 = vector.broadcast %broadcast_in_dim3A_70 : f32 to vector<1x8xf32>
    %slice3A = vector.extract_strided_slice %convert_element_type3A_65 {offsets = [0, 0], sizes = [256, 8], strides = [1, 1]} : vector<4096x8xf32> to vector<256x8xf32>
    %dot_general3A_72 = arith.constant dense<0.000000e+00> : vector<256x8xf32>
    %dot_general3A_73 = tpu.matmul %convert_element_type3A_69, %slice3A, %dot_general3A_72 {dimension_numbers = #tpu.dot_dimension_numbers<[1], [0], [0], [1], [0, 0, 1, 1], [], []>, transpose_lhs_hint = false} : vector<256x256xf32>, vector<256x8xf32>, vector<256x8xf32> -> vector<256x8xf32>
    %add3A_74 = vector.broadcast %broadcast_in_dim3A_71 : vector<1x8xf32> to vector<256x8xf32>
    %add3A_75 = arith.addf %dot_general3A_73, %add3A_74 : vector<256x8xf32>
    %slice3A_76 = vector.extract_strided_slice %add3A_75 {offsets = [255, 0], sizes = [1, 8], strides = [1, 1]} : vector<256x8xf32> to vector<1x8xf32>
    %slice3A_77 = vector.extract_strided_slice %convert_element_type3A_65 {offsets = [256, 0], sizes = [256, 8], strides = [1, 1]} : vector<4096x8xf32> to vector<256x8xf32>
    %dot_general3A_78 = arith.constant dense<0.000000e+00> : vector<256x8xf32>
    %dot_general3A_79 = tpu.matmul %convert_element_type3A_69, %slice3A_77, %dot_general3A_78 {dimension_numbers = #tpu.dot_dimension_numbers<[1], [0], [0], [1], [0, 0, 1, 1], [], []>, transpose_lhs_hint = false} : vector<256x256xf32>, vector<256x8xf32>, vector<256x8xf32> -> vector<256x8xf32>
    %add3A_80 = vector.broadcast %slice3A_76 : vector<1x8xf32> to vector<256x8xf32>
    %add3A_81 = arith.addf %dot_general3A_79, %add3A_80 : vector<256x8xf32>
    %slice3A_82 = vector.extract_strided_slice %add3A_81 {offsets = [255, 0], sizes = [1, 8], strides = [1, 1]} : vector<256x8xf32> to vector<1x8xf32>
    %slice3A_83 = vector.extract_strided_slice %convert_element_type3A_65 {offsets = [512, 0], sizes = [256, 8], strides = [1, 1]} : vector<4096x8xf32> to vector<256x8xf32>
    %dot_general3A_84 = arith.constant dense<0.000000e+00> : vector<256x8xf32>
    %dot_general3A_85 = tpu.matmul %convert_element_type3A_69, %slice3A_83, %dot_general3A_84 {dimension_numbers = #tpu.dot_dimension_numbers<[1], [0], [0], [1], [0, 0, 1, 1], [], []>, transpose_lhs_hint = false} : vector<256x256xf32>, vector<256x8xf32>, vector<256x8xf32> -> vector<256x8xf32>
    %add3A_86 = vector.broadcast %slice3A_82 : vector<1x8xf32> to vector<256x8xf32>
    %add3A_87 = arith.addf %dot_general3A_85, %add3A_86 : vector<256x8xf32>
    %slice3A_88 = vector.extract_strided_slice %add3A_87 {offsets = [255, 0], sizes = [1, 8], strides = [1, 1]} : vector<256x8xf32> to vector<1x8xf32>
    %slice3A_89 = vector.extract_strided_slice %convert_element_type3A_65 {offsets = [768, 0], sizes = [256, 8], strides = [1, 1]} : vector<4096x8xf32> to vector<256x8xf32>
    %dot_general3A_90 = arith.constant dense<0.000000e+00> : vector<256x8xf32>
    %dot_general3A_91 = tpu.matmul %convert_element_type3A_69, %slice3A_89, %dot_general3A_90 {dimension_numbers = #tpu.dot_dimension_numbers<[1], [0], [0], [1], [0, 0, 1, 1], [], []>, transpose_lhs_hint = false} : vector<256x256xf32>, vector<256x8xf32>, vector<256x8xf32> -> vector<256x8xf32>
    %add3A_92 = vector.broadcast %slice3A_88 : vector<1x8xf32> to vector<256x8xf32>
    %add3A_93 = arith.addf %dot_general3A_91, %add3A_92 : vector<256x8xf32>
    %slice3A_94 = vector.extract_strided_slice %add3A_93 {offsets = [255, 0], sizes = [1, 8], strides = [1, 1]} : vector<256x8xf32> to vector<1x8xf32>
    %slice3A_95 = vector.extract_strided_slice %convert_element_type3A_65 {offsets = [1024, 0], sizes = [256, 8], strides = [1, 1]} : vector<4096x8xf32> to vector<256x8xf32>
    %dot_general3A_96 = arith.constant dense<0.000000e+00> : vector<256x8xf32>
    %dot_general3A_97 = tpu.matmul %convert_element_type3A_69, %slice3A_95, %dot_general3A_96 {dimension_numbers = #tpu.dot_dimension_numbers<[1], [0], [0], [1], [0, 0, 1, 1], [], []>, transpose_lhs_hint = false} : vector<256x256xf32>, vector<256x8xf32>, vector<256x8xf32> -> vector<256x8xf32>
    %add3A_98 = vector.broadcast %slice3A_94 : vector<1x8xf32> to vector<256x8xf32>
    %add3A_99 = arith.addf %dot_general3A_97, %add3A_98 : vector<256x8xf32>
    %slice3A_100 = vector.extract_strided_slice %add3A_99 {offsets = [255, 0], sizes = [1, 8], strides = [1, 1]} : vector<256x8xf32> to vector<1x8xf32>
    %slice3A_101 = vector.extract_strided_slice %convert_element_type3A_65 {offsets = [1280, 0], sizes = [256, 8], strides = [1, 1]} : vector<4096x8xf32> to vector<256x8xf32>
    %dot_general3A_102 = arith.constant dense<0.000000e+00> : vector<256x8xf32>
    %dot_general3A_103 = tpu.matmul %convert_element_type3A_69, %slice3A_101, %dot_general3A_102 {dimension_numbers = #tpu.dot_dimension_numbers<[1], [0], [0], [1], [0, 0, 1, 1], [], []>, transpose_lhs_hint = false} : vector<256x256xf32>, vector<256x8xf32>, vector<256x8xf32> -> vector<256x8xf32>
    %add3A_104 = vector.broadcast %slice3A_100 : vector<1x8xf32> to vector<256x8xf32>
    %add3A_105 = arith.addf %dot_general3A_103, %add3A_104 : vector<256x8xf32>
    %slice3A_106 = vector.extract_strided_slice %add3A_105 {offsets = [255, 0], sizes = [1, 8], strides = [1, 1]} : vector<256x8xf32> to vector<1x8xf32>
    %slice3A_107 = vector.extract_strided_slice %convert_element_type3A_65 {offsets = [1536, 0], sizes = [256, 8], strides = [1, 1]} : vector<4096x8xf32> to vector<256x8xf32>
    %dot_general3A_108 = arith.constant dense<0.000000e+00> : vector<256x8xf32>
    %dot_general3A_109 = tpu.matmul %convert_element_type3A_69, %slice3A_107, %dot_general3A_108 {dimension_numbers = #tpu.dot_dimension_numbers<[1], [0], [0], [1], [0, 0, 1, 1], [], []>, transpose_lhs_hint = false} : vector<256x256xf32>, vector<256x8xf32>, vector<256x8xf32> -> vector<256x8xf32>
    %add3A_110 = vector.broadcast %slice3A_106 : vector<1x8xf32> to vector<256x8xf32>
    %add3A_111 = arith.addf %dot_general3A_109, %add3A_110 : vector<256x8xf32>
    %slice3A_112 = vector.extract_strided_slice %add3A_111 {offsets = [255, 0], sizes = [1, 8], strides = [1, 1]} : vector<256x8xf32> to vector<1x8xf32>
    %slice3A_113 = vector.extract_strided_slice %convert_element_type3A_65 {offsets = [1792, 0], sizes = [256, 8], strides = [1, 1]} : vector<4096x8xf32> to vector<256x8xf32>
    %dot_general3A_114 = arith.constant dense<0.000000e+00> : vector<256x8xf32>
    %dot_general3A_115 = tpu.matmul %convert_element_type3A_69, %slice3A_113, %dot_general3A_114 {dimension_numbers = #tpu.dot_dimension_numbers<[1], [0], [0], [1], [0, 0, 1, 1], [], []>, transpose_lhs_hint = false} : vector<256x256xf32>, vector<256x8xf32>, vector<256x8xf32> -> vector<256x8xf32>
    %add3A_116 = vector.broadcast %slice3A_112 : vector<1x8xf32> to vector<256x8xf32>
    %add3A_117 = arith.addf %dot_general3A_115, %add3A_116 : vector<256x8xf32>
    %slice3A_118 = vector.extract_strided_slice %add3A_117 {offsets = [255, 0], sizes = [1, 8], strides = [1, 1]} : vector<256x8xf32> to vector<1x8xf32>
    %slice3A_119 = vector.extract_strided_slice %convert_element_type3A_65 {offsets = [2048, 0], sizes = [256, 8], strides = [1, 1]} : vector<4096x8xf32> to vector<256x8xf32>
    %dot_general3A_120 = arith.constant dense<0.000000e+00> : vector<256x8xf32>
    %dot_general3A_121 = tpu.matmul %convert_element_type3A_69, %slice3A_119, %dot_general3A_120 {dimension_numbers = #tpu.dot_dimension_numbers<[1], [0], [0], [1], [0, 0, 1, 1], [], []>, transpose_lhs_hint = false} : vector<256x256xf32>, vector<256x8xf32>, vector<256x8xf32> -> vector<256x8xf32>
    %add3A_122 = vector.broadcast %slice3A_118 : vector<1x8xf32> to vector<256x8xf32>
    %add3A_123 = arith.addf %dot_general3A_121, %add3A_122 : vector<256x8xf32>
    %slice3A_124 = vector.extract_strided_slice %add3A_123 {offsets = [255, 0], sizes = [1, 8], strides = [1, 1]} : vector<256x8xf32> to vector<1x8xf32>
    %slice3A_125 = vector.extract_strided_slice %convert_element_type3A_65 {offsets = [2304, 0], sizes = [256, 8], strides = [1, 1]} : vector<4096x8xf32> to vector<256x8xf32>
    %dot_general3A_126 = arith.constant dense<0.000000e+00> : vector<256x8xf32>
    %dot_general3A_127 = tpu.matmul %convert_element_type3A_69, %slice3A_125, %dot_general3A_126 {dimension_numbers = #tpu.dot_dimension_numbers<[1], [0], [0], [1], [0, 0, 1, 1], [], []>, transpose_lhs_hint = false} : vector<256x256xf32>, vector<256x8xf32>, vector<256x8xf32> -> vector<256x8xf32>
    %add3A_128 = vector.broadcast %slice3A_124 : vector<1x8xf32> to vector<256x8xf32>
    %add3A_129 = arith.addf %dot_general3A_127, %add3A_128 : vector<256x8xf32>
    %slice3A_130 = vector.extract_strided_slice %add3A_129 {offsets = [255, 0], sizes = [1, 8], strides = [1, 1]} : vector<256x8xf32> to vector<1x8xf32>
    %slice3A_131 = vector.extract_strided_slice %convert_element_type3A_65 {offsets = [2560, 0], sizes = [256, 8], strides = [1, 1]} : vector<4096x8xf32> to vector<256x8xf32>
    %dot_general3A_132 = arith.constant dense<0.000000e+00> : vector<256x8xf32>
    %dot_general3A_133 = tpu.matmul %convert_element_type3A_69, %slice3A_131, %dot_general3A_132 {dimension_numbers = #tpu.dot_dimension_numbers<[1], [0], [0], [1], [0, 0, 1, 1], [], []>, transpose_lhs_hint = false} : vector<256x256xf32>, vector<256x8xf32>, vector<256x8xf32> -> vector<256x8xf32>
    %add3A_134 = vector.broadcast %slice3A_130 : vector<1x8xf32> to vector<256x8xf32>
    %add3A_135 = arith.addf %dot_general3A_133, %add3A_134 : vector<256x8xf32>
    %slice3A_136 = vector.extract_strided_slice %add3A_135 {offsets = [255, 0], sizes = [1, 8], strides = [1, 1]} : vector<256x8xf32> to vector<1x8xf32>
    %slice3A_137 = vector.extract_strided_slice %convert_element_type3A_65 {offsets = [2816, 0], sizes = [256, 8], strides = [1, 1]} : vector<4096x8xf32> to vector<256x8xf32>
    %dot_general3A_138 = arith.constant dense<0.000000e+00> : vector<256x8xf32>
    %dot_general3A_139 = tpu.matmul %convert_element_type3A_69, %slice3A_137, %dot_general3A_138 {dimension_numbers = #tpu.dot_dimension_numbers<[1], [0], [0], [1], [0, 0, 1, 1], [], []>, transpose_lhs_hint = false} : vector<256x256xf32>, vector<256x8xf32>, vector<256x8xf32> -> vector<256x8xf32>
    %add3A_140 = vector.broadcast %slice3A_136 : vector<1x8xf32> to vector<256x8xf32>
    %add3A_141 = arith.addf %dot_general3A_139, %add3A_140 : vector<256x8xf32>
    %slice3A_142 = vector.extract_strided_slice %add3A_141 {offsets = [255, 0], sizes = [1, 8], strides = [1, 1]} : vector<256x8xf32> to vector<1x8xf32>
    %slice3A_143 = vector.extract_strided_slice %convert_element_type3A_65 {offsets = [3072, 0], sizes = [256, 8], strides = [1, 1]} : vector<4096x8xf32> to vector<256x8xf32>
    %dot_general3A_144 = arith.constant dense<0.000000e+00> : vector<256x8xf32>
    %dot_general3A_145 = tpu.matmul %convert_element_type3A_69, %slice3A_143, %dot_general3A_144 {dimension_numbers = #tpu.dot_dimension_numbers<[1], [0], [0], [1], [0, 0, 1, 1], [], []>, transpose_lhs_hint = false} : vector<256x256xf32>, vector<256x8xf32>, vector<256x8xf32> -> vector<256x8xf32>
    %add3A_146 = vector.broadcast %slice3A_142 : vector<1x8xf32> to vector<256x8xf32>
    %add3A_147 = arith.addf %dot_general3A_145, %add3A_146 : vector<256x8xf32>
    %slice3A_148 = vector.extract_strided_slice %add3A_147 {offsets = [255, 0], sizes = [1, 8], strides = [1, 1]} : vector<256x8xf32> to vector<1x8xf32>
    %slice3A_149 = vector.extract_strided_slice %convert_element_type3A_65 {offsets = [3328, 0], sizes = [256, 8], strides = [1, 1]} : vector<4096x8xf32> to vector<256x8xf32>
    %dot_general3A_150 = arith.constant dense<0.000000e+00> : vector<256x8xf32>
    %dot_general3A_151 = tpu.matmul %convert_element_type3A_69, %slice3A_149, %dot_general3A_150 {dimension_numbers = #tpu.dot_dimension_numbers<[1], [0], [0], [1], [0, 0, 1, 1], [], []>, transpose_lhs_hint = false} : vector<256x256xf32>, vector<256x8xf32>, vector<256x8xf32> -> vector<256x8xf32>
    %add3A_152 = vector.broadcast %slice3A_148 : vector<1x8xf32> to vector<256x8xf32>
    %add3A_153 = arith.addf %dot_general3A_151, %add3A_152 : vector<256x8xf32>
    %slice3A_154 = vector.extract_strided_slice %add3A_153 {offsets = [255, 0], sizes = [1, 8], strides = [1, 1]} : vector<256x8xf32> to vector<1x8xf32>
    %slice3A_155 = vector.extract_strided_slice %convert_element_type3A_65 {offsets = [3584, 0], sizes = [256, 8], strides = [1, 1]} : vector<4096x8xf32> to vector<256x8xf32>
    %dot_general3A_156 = arith.constant dense<0.000000e+00> : vector<256x8xf32>
    %dot_general3A_157 = tpu.matmul %convert_element_type3A_69, %slice3A_155, %dot_general3A_156 {dimension_numbers = #tpu.dot_dimension_numbers<[1], [0], [0], [1], [0, 0, 1, 1], [], []>, transpose_lhs_hint = false} : vector<256x256xf32>, vector<256x8xf32>, vector<256x8xf32> -> vector<256x8xf32>
    %add3A_158 = vector.broadcast %slice3A_154 : vector<1x8xf32> to vector<256x8xf32>
    %add3A_159 = arith.addf %dot_general3A_157, %add3A_158 : vector<256x8xf32>
    %slice3A_160 = vector.extract_strided_slice %add3A_159 {offsets = [255, 0], sizes = [1, 8], strides = [1, 1]} : vector<256x8xf32> to vector<1x8xf32>
    %slice3A_161 = vector.extract_strided_slice %convert_element_type3A_65 {offsets = [3840, 0], sizes = [256, 8], strides = [1, 1]} : vector<4096x8xf32> to vector<256x8xf32>
    %dot_general3A_162 = arith.constant dense<0.000000e+00> : vector<256x8xf32>
    %dot_general3A_163 = tpu.matmul %convert_element_type3A_69, %slice3A_161, %dot_general3A_162 {dimension_numbers = #tpu.dot_dimension_numbers<[1], [0], [0], [1], [0, 0, 1, 1], [], []>, transpose_lhs_hint = false} : vector<256x256xf32>, vector<256x8xf32>, vector<256x8xf32> -> vector<256x8xf32>
    %add3A_164 = vector.broadcast %slice3A_160 : vector<1x8xf32> to vector<256x8xf32>
    %add3A_165 = arith.addf %dot_general3A_163, %add3A_164 : vector<256x8xf32>
    %slice3A_166 = vector.extract_strided_slice %add3A_165 {offsets = [255, 0], sizes = [1, 8], strides = [1, 1]} : vector<256x8xf32> to vector<1x8xf32>
    %concatenate3A_167 = tpu.concatenate %add3A_75, %add3A_81, %add3A_87, %add3A_93, %add3A_99, %add3A_105, %add3A_111, %add3A_117, %add3A_123, %add3A_129, %add3A_135, %add3A_141, %add3A_147, %add3A_153, %add3A_159, %add3A_165 in 0 : vector<256x8xf32>, vector<256x8xf32>, vector<256x8xf32>, vector<256x8xf32>, vector<256x8xf32>, vector<256x8xf32>, vector<256x8xf32>, vector<256x8xf32>, vector<256x8xf32>, vector<256x8xf32>, vector<256x8xf32>, vector<256x8xf32>, vector<256x8xf32>, vector<256x8xf32>, vector<256x8xf32>, vector<256x8xf32> -> vector<4096x8xf32>
    %add3A_168 = arith.constant 2.550000e+02 : f32
    %add3A_169 = vector.broadcast %add3A_168 : f32 to vector<1x8xf32>
    %add3A_170 = arith.addf %slice3A_166, %add3A_169 : vector<1x8xf32>
    %mul3A_171 = arith.constant 3.906250e-03 : f32
    %mul3A_172 = vector.broadcast %mul3A_171 : f32 to vector<1x8xf32>
    %mul3A_173 = arith.mulf %add3A_170, %mul3A_172 : vector<1x8xf32>
    %floor3A = math.floor %mul3A_173 : vector<1x8xf32>
    %mul3A_174 = arith.constant 2.560000e+02 : f32
    %mul3A_175 = vector.broadcast %mul3A_174 : f32 to vector<1x8xf32>
    %mul3A_176 = arith.mulf %floor3A, %mul3A_175 : vector<1x8xf32>
    %iota3A_177 = tpu.iota {dimensions = array<i32: 0>} : vector<8x8xi32>
    %iota3A_178 = tpu.iota {dimensions = array<i32: 1>} : vector<8x8xi32>
    %lt3A = arith.cmpi slt, %iota3A_177, %iota3A_178 : vector<8x8xi32>
    %convert_element_type3A_179 = arith.extui %lt3A : vector<8x8xi1> to vector<8x8xi32>
    %convert_element_type3A_180 = arith.sitofp %convert_element_type3A_179 : vector<8x8xi32> to vector<8x8xf32>
    %dot_general3A_181 = arith.constant dense<0.000000e+00> : vector<1x8xf32>
    %dot_general3A_182 = tpu.matmul %mul3A_176, %convert_element_type3A_180, %dot_general3A_181 {dimension_numbers = #tpu.dot_dimension_numbers<[1], [0], [0], [1], [0, 0, 1, 1], [], []>, transpose_lhs_hint = false} : vector<1x8xf32>, vector<8x8xf32>, vector<1x8xf32> -> vector<1x8xf32>
    %add3A_183 = vector.broadcast %dot_general3A_182 : vector<1x8xf32> to vector<4096x8xf32>
    %add3A_184 = arith.addf %add3A_183, %concatenate3A_167 : vector<4096x8xf32>
    %sub3A_185 = arith.constant 1.000000e+00 : f32
    %sub3A_186 = vector.broadcast %sub3A_185 : f32 to vector<4096x8xf32>
    %sub3A_187 = arith.subf %add3A_184, %sub3A_186 : vector<4096x8xf32>
    %mul3A_188 = arith.mulf %convert_element_type3A_65, %sub3A_187 : vector<4096x8xf32>
    %reduce_sum3A_189 = arith.constant dense<0.000000e+00> : vector<4096xf32>
    %reduce_sum3A_190 = vector.multi_reduction <add>, %mul3A_188, %reduce_sum3A_189 [1] : vector<4096x8xf32> to vector<4096xf32>
    %broadcast_in_dim3A_191 = vector.shape_cast %reduce_sum3A_190 : vector<4096xf32> to vector<4096x1xf32>
    %convert_element_type3A_192 = arith.fptosi %broadcast_in_dim3A_191 : vector<4096x1xf32> to vector<4096x1xi32>
    %swap3A_193 = arith.constant 0 : index
    %swap3A_194 = arith.constant 0 : index
    %swap3A_195 = vector.load %arg2[%swap3A_193, %swap3A_194] : memref<4096x1xi32, #tpu.memory_space<vmem>>, vector<4096x1xi32>
    tpu.vector_store %arg2[%swap3A_193, %swap3A_194], %convert_element_type3A_192 {strides = array<i32>} : memref<4096x1xi32, #tpu.memory_space<vmem>>, vector<4096x1xi32>,
    %iota3A_196 = tpu.iota {dimensions = array<i32: 0>} : vector<24x8xi32>
    %convert_element_type3A_197 = arith.sitofp %iota3A_196 : vector<24x8xi32> to vector<24x8xf32>
    %mul3A_198 = arith.constant 2.560000e+02 : f32
    %mul3A_199 = vector.broadcast %mul3A_198 : f32 to vector<24x8xf32>
    %mul3A_200 = arith.mulf %convert_element_type3A_197, %mul3A_199 : vector<24x8xf32>
    %ge3A_201 = vector.broadcast %dot_general3A_182 : vector<1x8xf32> to vector<24x8xf32>
    %ge3A_202 = arith.cmpf oge, %mul3A_200, %ge3A_201 : vector<24x8xf32>
    %convert_element_type3A_203 = arith.extui %ge3A_202 : vector<24x8xi1> to vector<24x8xi32>
    %reduce_sum3A_204 = arith.constant dense<0> : vector<24xi32>
    %reduce_sum3A_205 = vector.multi_reduction <add>, %convert_element_type3A_203, %reduce_sum3A_204 [1] : vector<24x8xi32> to vector<24xi32>
    %broadcast_in_dim3A_206 = vector.shape_cast %reduce_sum3A_205 : vector<24xi32> to vector<24x1xi32>
    %sub3A_207 = arith.constant 1 : i32
    %sub3A_208 = vector.broadcast %sub3A_207 : i32 to vector<24x1xi32>
    %sub3A_209 = arith.subi %broadcast_in_dim3A_206, %sub3A_208 : vector<24x1xi32>
    %swap3A_210 = arith.constant 0 : index
    %swap3A_211 = arith.constant 0 : index
    %swap3A_212 = vector.load %arg4[%swap3A_210, %swap3A_211] : memref<24x1xi32, #tpu.memory_space<vmem>>, vector<24x1xi32>
    tpu.vector_store %arg4[%swap3A_210, %swap3A_211], %sub3A_209 {strides = array<i32>} : memref<24x1xi32, #tpu.memory_space<vmem>>, vector<24x1xi32>,
    %iota3A_213 = tpu.iota {dimensions = array<i32: 1>} : vector<24x8xi32>
    %eq3A_214 = vector.broadcast %sub3A_209 : vector<24x1xi32> to vector<24x8xi32>
    %eq3A_215 = arith.cmpi eq, %eq3A_214, %iota3A_213 : vector<24x8xi32>
    %convert_element_type3A_216 = arith.extui %eq3A_215 : vector<24x8xi1> to vector<24x8xi32>
    %convert_element_type3A_217 = arith.sitofp %convert_element_type3A_216 : vector<24x8xi32> to vector<24x8xf32>
    %add3A_218 = arith.addf %dot_general3A_182, %slice3A_166 : vector<1x8xf32>
    %lt3A_219 = vector.broadcast %add3A_218 : vector<1x8xf32> to vector<24x8xf32>
    %lt3A_220 = arith.cmpf olt, %mul3A_200, %lt3A_219 : vector<24x8xf32>
    %convert_element_type3A_221 = arith.extui %lt3A_220 : vector<24x8xi1> to vector<24x8xi32>
    %convert_element_type3A_222 = arith.sitofp %convert_element_type3A_221 : vector<24x8xi32> to vector<24x8xf32>
    %mul3A_223 = arith.mulf %convert_element_type3A_217, %convert_element_type3A_222 : vector<24x8xf32>
    %reduce_sum3A_224 = arith.constant dense<0.000000e+00> : vector<24xf32>
    %reduce_sum3A_225 = vector.multi_reduction <add>, %mul3A_223, %reduce_sum3A_224 [1] : vector<24x8xf32> to vector<24xf32>
    %broadcast_in_dim3A_226 = vector.shape_cast %reduce_sum3A_225 : vector<24xf32> to vector<24x1xf32>
    %convert_element_type3A_227 = arith.fptosi %broadcast_in_dim3A_226 : vector<24x1xf32> to vector<24x1xi32>
    %swap3A_228 = arith.constant 0 : index
    %swap3A_229 = arith.constant 0 : index
    %swap3A_230 = vector.load %arg5[%swap3A_228, %swap3A_229] : memref<24x1xi32, #tpu.memory_space<vmem>>, vector<24x1xi32>
    tpu.vector_store %arg5[%swap3A_228, %swap3A_229], %convert_element_type3A_227 {strides = array<i32>} : memref<24x1xi32, #tpu.memory_space<vmem>>, vector<24x1xi32>,
    return
  }
}

</mosaic_0001>

<sc_bundles>
// kernel: kernel.6.cloned.1.call-start
scs
__scs_entry_jumppad:
0x0: {  	(pc) =	sbr.rel $0x88, $3  }
0x1: {  	(tag) =	ssettag $0x0;
	lr =	simm.s32 $0x1  }
0x2: {  	[smem:$0x3F9C] =	sst lr;
	_ =	strace $0xD0000000  }
0x3: {  	_ = 	snop  }
0x4: {  	_ = 	snop  }
0x5: {  	_ = 	snop  }
0x6: {  	_ = 	snop  }
0x7: {  	_ = 	snop  }
__scs_overlays_trampoline_lowered:
0x8: {  	[smem:$0x3FAB] =	sst s0  }
0x9: {  	[smem:$0x3FAC] =	sst s1  }
0xa: {  	[smem:$0x3FAD] =	sst s2  }
0xb: {  	[smem:$0x3FAE] =	sst s3  }
0xc: {  	[smem:$0x3FAF] =	sst s4  }
0xd: {  	[smem:$0x3FB0] =	sst s5  }
0xe: {  	[smem:$0x3FB1] =	sst s6  }
0xf: {  	[smem:$0x3FB2] =	sst s7  }
0x10: {  	[smem:$0x3FB3] =	sst s8  }
0x11: {  	[smem:$0x3FB4] =	sst s9;
	s0 =	simm.s32 @!p0 $0x0  }
0x12: {  	s1 =	sld [smem:$0x3F9A];
	s0 =	simm.s32 @p0 $0x1  }
0x13: {  	[smem:$0x3FB5] =	sst s0;
	s0 =	simm.s32 @!p1 $0x0  }
0x14: {  	s2 =	sld [smem:$0x3F99];
	s0 =	simm.s32 @p1 $0x1  }
0x15: {  	[smem:$0x3FB6] =	sst s0;
	s0 =	simm.s32 @!p2 $0x0  }
0x16: {  	s3 =	sld [smem:$0x3FDB];
	s0 =	simm.s32 @p2 $0x1  }
0x17: {  	s4 =	simm.s32 $0x1BF5;
	[smem:$0x3FB8] =	sst s0  }
0x18: {  	s0 =	sld [smem:$0x3F9B];
	_ =	swait.ge [sflag:s4], $0x0  }
0x19: {  	s7 =	sld [smem:$0x3F9C]  }
0x1a: {  	s8 =	sadd.s32 $0xFFFFE003, lr  }
0x1b: {  	s9 =	sadd.s32 $0xFFFFFEF7, lr;
	s5 =	simm.s32 $0xFFFFFFFF;
	p2 =	slt.u32 s8, $0xFFFFF086  }
0x1c: {  	p1 =	slt.u32 s9, $0xF7A;
	s5 =	simm.s32 @!p2 $0x0  }
0x1d: {  	s5 =	simm.s32 @p1 $0x1;
	p0 =	seq.s32 s7, s2  }
0x1e: {  	s7 =	smul.u32 @!p0 $0xF7A, s2;
	p2 =	seq.s32 @!p0 s5, $0x0  }
0x1f: {  	s9 =	smul.u32 $0xF7A, s1;
	s8 =	simm.s32 @!p0 $0x1BF5;
	p2 =	por !p2, p0  }
0x20: {  	[sflag:s8] =	ssyncset.s32 @!p0 $0xFFFFF086;
	s6 =	sadd.s32 @!p0 s3, s7;
	s7 =	simm.s32 @!p0 $0x108  }
0x21: {  	s3 =	sadd.s32 s3, s9;
	s6 =	sadd.s32 @!p0 $0x88, s6;
	s7 =	simm.s32 @p2 $0x1082  }
0x22: {  	[simem:s7], [sflag:s8] =	dma.local @!p0 [hbm:s6], $0xF7A  }
0x23: {  	s9 =	sor.u32 $0xD0000000, s2;
	s6 =	simm.s32 $0x108;
	_ =	swait.ge @!p0 [sflag:s8], $0x0  }
0x24: {  	s3 =	sadd.s32 $0x88, s3;
	s6 =	simm.s32 @!p1 $0x1082;
	[sflag:s4] =	ssyncset.s32 $0xFFFFF086  }
0x25: {  	[simem:s6], [sflag:s4] =	dma.local [hbm:s3], $0xF7A  }
0x26: {  	[smem:$0x3F9C] =	sst s1;
	(tag) =	ssettag s2;
	_ =	strace s9  }
0x27: {  	s1 =	sld [smem:$0x3FAC]  }
0x28: {  	s2 =	sld [smem:$0x3FAD]  }
0x29: {  	s4 =	sld [smem:$0x3FAF]  }
0x2a: {  	p0 =	seq.s32 s5, $0x0;
	s5 =	sld [smem:$0x3FB0]  }
0x2b: {  	s6 =	sld [smem:$0x3FB1]  }
0x2c: {  	s7 =	sld [smem:$0x3FB2]  }
0x2d: {  	s3 =	simm.s32 $0x108;
	s8 =	sld [smem:$0x3FB3]  }
0x2e: {  	s3 =	simm.s32 @!p0 $0x1082;
	s9 =	sld [smem:$0x3FB4]  }
0x2f: {  	lr =	sadd.s32 s0, s3;
	s0 =	sld [smem:$0x3FAB]  }
0x30: {  	s3 =	sld [smem:$0x3FAE]  }
0x31: {  	[smem:$0x3FB7] =	sst s10  }
0x32: {  	s10 =	sld [smem:$0x3FB5];
	_ =	sdelay $0x3  }
0x33: {  	p0 =	seq.s32 s10, $0x1;
	s10 =	sld [smem:$0x3FB7];
	_ =	sdelay $0x3  }
0x34: {  	[smem:$0x3FB7] =	sst s10  }
0x35: {  	s10 =	sld [smem:$0x3FB6];
	_ =	sdelay $0x3  }
0x36: {  	p1 =	seq.s32 s10, $0x1;
	s10 =	sld [smem:$0x3FB7];
	_ =	sdelay $0x3  }
0x37: {  	[smem:$0x3FB7] =	sst s10  }
0x38: {  	s10 =	sld [smem:$0x3FB8]  }
0x39: {  	_ = 	snop;
	(pc) =	sbr.ind lr, $3  }
0x3a: {  	_ = 	snop  }
0x3b: {  	_ = 	snop  }
0x3c: {  	p2 =	seq.s32 s10, $0x1;
	s10 =	sld [smem:$0x3FB7]  }
0x3d: {  	_ =	shalt  }
0x3e: {  	_ =	shalt  }
0x3f: {  	_ =	shalt  }
0x40: {  	_ =	shalt  }
0x41: {  	_ =	shalt  }
0x42: {  	_ =	shalt  }
0x43: {  	_ =	shalt  }
0x44: {  	_ =	shalt  }
0x45: {  	_ =	shalt  }
0x46: {  	_ =	shalt  }
0x47: {  	_ =	shalt  }
0x48: {  	_ =	shalt  }
0x49: {  	_ =	shalt  }
0x4a: {  	_ =	shalt  }
0x4b: {  	_ =	shalt  }
0x4c: {  	_ =	shalt  }
0x4d: {  	_ =	shalt  }
0x4e: {  	_ =	shalt  }
0x4f: {  	_ =	shalt  }
0x50: {  	_ =	shalt  }
0x51: {  	_ =	shalt  }
0x52: {  	_ =	shalt  }
0x53: {  	_ =	shalt  }
0x54: {  	_ =	shalt  }
0x55: {  	_ =	shalt  }
0x56: {  	_ =	shalt  }
0x57: {  	_ =	shalt  }
0x58: {  	_ =	shalt  }
0x59: {  	_ =	shalt  }
0x5a: {  	_ =	shalt  }
0x5b: {  	_ =	shalt  }
0x5c: {  	_ =	shalt  }
0x5d: {  	_ =	shalt  }
0x5e: {  	_ =	shalt  }
0x5f: {  	_ =	shalt  }
0x60: {  	_ =	shalt  }
0x61: {  	_ =	shalt  }
0x62: {  	_ =	shalt  }
0x63: {  	_ =	shalt  }
0x64: {  	_ =	shalt  }
0x65: {  	_ =	shalt  }
0x66: {  	_ =	shalt  }
0x67: {  	_ =	shalt  }
0x68: {  	_ =	shalt  }
0x69: {  	_ =	shalt  }
0x6a: {  	_ =	shalt  }
0x6b: {  	_ =	shalt  }
0x6c: {  	_ =	shalt  }
0x6d: {  	_ =	shalt  }
0x6e: {  	_ =	shalt  }
0x6f: {  	_ =	shalt  }
0x70: {  	_ =	shalt  }
0x71: {  	_ =	shalt  }
0x72: {  	_ =	shalt  }
0x73: {  	_ =	shalt  }
0x74: {  	_ =	shalt  }
0x75: {  	_ =	shalt  }
0x76: {  	_ =	shalt  }
0x77: {  	_ =	shalt  }
0x78: {  	_ =	shalt  }
0x79: {  	_ =	shalt  }
0x7a: {  	_ =	shalt  }
0x7b: {  	_ =	shalt  }
0x7c: {  	_ =	shalt  }
0x7d: {  	_ =	shalt  }
0x7e: {  	_ =	shalt  }
0x7f: {  	_ =	shalt  }
0x80: {  	_ =	shalt  }
0x81: {  	_ =	shalt  }
0x82: {  	_ =	shalt  }
0x83: {  	_ =	shalt  }
0x84: {  	_ =	shalt  }
0x85: {  	_ =	shalt  }
0x86: {  	_ =	shalt  }
0x87: {  	_ =	shalt  }
.Lfunc_end0:
.L_simem_size_0:
called_computation_lowered:
.L_overlay_start_0:
0x88: {  	s2 =	sld [smem:$0x3FD9]  }
0x89: {  	s3 =	sld [smem:$0x3FFE];
	_ =	sdelay $0x1  }
0x8a: {  	s1 =	srdreg.scid  }
0x8b: {  	s0 =	sand.u32 $0x1, s1  }
0x8c: {  	s14 =	sshll.u32 s0, $0xA;
	s2 =	sadd.s32 s3, s2  }
0x8d: {  	s2 =	sadd.s32 s2, s14  }
0x8e: {  	[smem:$0x3FC3] =	sst s2  }
0x8f: {  	_ = 	snop  }
0x90: {  	s2 =	sld [smem:$0x3FD0];
	_ =	sdelay $0x2  }
0x91: {  	s4 =	simm.s32 $0xA;
	s5 =	simm.s32 $0x10;
	s15 =	sld [smem:$0x3FC9]  }
0x92: {  	[smem:s5], [sflag:s4] =	dma.local [hbm:s2], $0x1  }
0x93: {  	_ =	swait.eq [sflag:s4], $0x1  }
0x94: {  	[sflag:s4] =	ssyncset.done $0x0  }
0x95: {  	[sflag:s4] =	ssyncadd.s32 $0xFFFFFFFF  }
0x96: {  	s16 =	sld [smem:$0x10];
	(tm) =	ssettm $0x1  }
0x97: {  	s17 =	sld [smem:$0x3FFB];
	_ =	sdelay $0x3  }
0x98: {  	_ =	strace s17  }
0x99: {  	s4 =	sld [smem:$0x3FFC];
	_ =	sdelay $0x3  }
0x9a: {  	_ =	strace s4  }
0x9b: {  	s4 =	sld [smem:$0x3FFD];
	_ =	sdelay $0x3  }
0x9c: {  	_ =	strace s4  }
0x9d: {  	_ =	strace $0x8FFFFFFF  }
0x9e: {  	s18 =	sld [smem:$0x3FDB];
	_ =	sdelay $0x1  }
0x9f: {  	s19 =	simm.s32 $_scs_section_size  }
0xa0: {  	s6 =	simm.s32 $_size__tile_overlayer_lowered;
	s7 =	simm.s32 $_tile_overlayer_lowered  }
0xa1: {  	s22 =	simm.s32 $0x1BFF;
	s21 =	sshll.u32 s7, $0x1;
	s4 =	sadd.s32 s19, s18  }
0xa2: {  	s8 =	simm.s32 $0x0;
	s20 =	sshll.u32 s6, $0x1;
	s6 =	sadd.s32 s21, s4  }
0xa3: {  	[timem:s8], [sflag:s22] =	dma.local [hbm:s6], s20  }
0xa4: {  	_ =	swait.ge [sflag:s22], s20  }
0xa5: {  	s5 =	ssub.s32 $0x0, s20;
	[sflag:s22] =	ssyncset.done $0x0  }
0xa6: {  	[sflag:s22] =	ssyncadd.s32 s5;
	_ =	sdelay $0x1  }
0xa7: {  	s23 =	simm.s32 $0x1B8B  }
0xa8: {  	_ =	swait.ge [sflag:s23], $0x1  }
0xa9: {  	[sflag:s23] =	ssyncset.done $0x0  }
0xaa: {  	s25 =	simm.s32 $0x1B8E;
	s24 =	sld [smem:$0x3FFE];
	[sflag:s23] =	ssyncadd.s32 $0xFFFFFFFF  }
0xab: {  	s26 =	simm.s32 $execute0_lowered;
	[smem:$0x3FD2] =	sst s25  }
0xac: {  	s6 =	sshll.u32 s26, $0x1;
	_ =	strace $0x80000046;
	[dreg:$0x1] =	wrdreg $0xFFFFFFFF  }
0xad: {  	s28 =	simm.s32 $_size_execute0_lowered;
	s4 =	sadd.s32 s4, s6;
	[dreg:$0x0] =	wrdreg $0x0  }
0xae: {  	s6 =	sshll.u32 s28, $0x1;
	[dreg:$0x2] =	wrdreg s4  }
0xaf: {  	[dreg:$0x3] =	wrdreg s6  }
0xb0: {  	[dreg:$0x4] =	wrdreg $0xC0  }
0xb1: {  	_ =	task [dreg:s8], $0x5FFFF  }
0xb2: {  	[dreg:$0x1] =	wrdreg $0xFFFFFFFF  }
0xb3: {  	[dreg:$0x0] =	wrdreg $0x60  }
0xb4: {  	[dreg:$0x2] =	wrdreg s15  }
0xb5: {  	[dreg:$0x3] =	wrdreg s24  }
0xb6: {  	[dreg:$0x4] =	wrdreg s16  }
0xb7: {  	[dreg:$0x5] =	wrdreg $0x9  }
0xb8: {  	_ =	task.clear_ibuf [dreg:s8], $0x6FFFF;
	_ =	strace $0x90000046  }
0xb9: {  	s29 =	simm.s32 $0x9;
	_ =	strace $0x80000048  }
0xba: {  	_ =	swait.ge [sflag:s29], $0x1  }
0xbb: {  	[sflag:s29] =	ssyncadd.s32 $0xFFFFFFFF  }
0xbc: {  	_ =	strace $0x90000048  }
0xbd: {  	_ =	sfence  }
0xbe: {  	s30 =	sld [smem:$0x0];
	_ =	sdelay $0x2  }
0xbf: {  	s31 =	sshll.u32 s1, $0xD;
	s1 =	sshrl.u32 s1, $0x2  }
0xc0: {  	s3 =	sand.u32 $0x4000, s31;
	s1 =	sadd.s32 s1, s30  }
0xc1: {  	s0 =	sor.u32 s3, s0;
	s1 =	sshll.u32 s1, $0x11  }
0xc2: {  	s0 =	sor.u32 s1, s0  }
0xc3: {  	s0 =	sadd.s32 $0x8F2B, s0  }
0xc4: {  	[sflag:s0] =	ssyncadd.remote.s32 $0x1  }
0xc5: {  	_ =	sfence.sel $0xFFFF  }
0xc6: {  	[dreg:$0x0] =	wrdreg $0xFFFFFFFF;
	(pc) =	sbr.abs _section_cstart, $3  }
0xc7: {  	[dreg:$0x1] =	wrdreg $0xFFFFFFFF  }
0xc8: {  	_ =	task.clear_ibuf [dreg:s8], $0x2FFFF;
	_ =	strace $0x9FFFFFFF  }
0xc9: {  	(tm) =	ssettm $0x7FFFFFFF  }
tec
execute0_lowered:
.L_overlay_start_1:
0x0: {  	(tag) =	ssettag $0x1  }
0x1: {  	s0 =	rddreg [dreg:$0x0]  }
0x2: {  	s1 =	rddreg [dreg:$0x1];
	s3 =	simm.s32 $0x0;
	s2 =	srdreg.scid  }
0x3: {  	s4 =	stileid.u32;
	s12 =	simm.s32 $0x1;
	s14 =	simm.s32 $0x3  }
0x4: {  	s21 =	simm.s32 $0x1100;
	s22 =	simm.s32 $0x1900;
	s28 =	simm.s32 $0x4100  }
0x5: {  	s29 =	simm.s32 $0x4900;
	s30 =	simm.s32 $0x5100;
	s31 =	simm.s32 $0x5900  }
0x6: {  	s15 =	simm.s32 $0x9100;
	s16 =	simm.s32 $0x9900;
	s19 =	simm.s32 $0xB100  }
0x7: {  	s20 =	simm.s32 $0xB900;
	[smem:$0x7FF] =	sst s3;
	s2 =	sand.u32 $0x1, s2  }
0x8: {  	s4 =	sshll.u32 s4, $0x7;
	s6 =	sadd.s32 $0x10400, s1;
	s7 =	sadd.s32 $0x400, s1  }
0x9: {  	_ =	strace $0x80000047;
	s5 =	sshll.u32 s2, $0x6;
	s2 =	ssub.s32 $0x2, s2  }
0xa: {  	s5 =	sor.u32 s5, s4;
	s4 =	sadd.s32 $0x10600, s1;
	s25 =	sshrl.u32 s2, $0x1  }
0xb: {  	s8 =	sshrl.u32 s5, $0x3;
	s9 =	sor.u32 $0x800, s5;
	s5 =	sshll.u32 s5, $0x4  }
0xc: {  	s2 =	ssub.s32 s2, s25;
	s25 =	simm.s32 $0x3100;
	s10 =	sadd.s32 s6, s8  }
0xd: {  	s11 =	sshrl.u32 s9, $0x3;
	s8 =	smul.u32 $0x300, s8;
	s23 =	sadd.s32 s7, s5  }
0xe: {  	s24 =	sshll.u32 s9, $0x4;
	s5 =	sadd.s32 $0x10700, s1;
	[dreg:$0x4] =	wrdreg s10  }
0xf: {  	s9 =	simm.s32 $0xA100;
	s6 =	sadd.s32 s6, s11;
	[dreg:$0x7] =	wrdreg s23  }
0x10: {  	s26 =	sadd.s32 s7, s24;
	s7 =	smax.u32 s2, $0x1;
	s23 =	simm.s32 $0x2100  }
0x11: {  	v2 =	vlaneseq.u32;
	s24 =	simm.s32 $0x2900;
	s10 =	simm.s32 $0x8100;
	[dreg:$0x5] =	wrdreg s6  }
0x12: {  	vm0 =	vmmov $0xffff;
	v1 =	vshrl.u32 v2, $0x3;
	s11 =	simm.s32 $0x8900;
	s0 =	sadd.s32 s0, s8;
	[dreg:$0x8] =	wrdreg s26  }
0x13: {  	v0 =	vand.u32 $0x7, v2;
	v2 =	vor.u32 $0x8, v2;
	v1 =	vmul.u32 $0x8, v1;
	s6 =	sadd.s32 $0x10800, s1;
	s26 =	simm.s32 $0x3900;
	[dreg:$0x6] =	wrdreg s0  }
.LBB2_1:
0x14: {  	s17 =	rddreg [dreg:$0x4]  }
0x15: {  	[tilespmem:s3], [sflag:$0x1] =	stream.linear.gather [hbm4b:s17+s3], $0x40, $0x38;
	[tilespmem:$0x10100] =	vst v63  }
0x16: {  	s18 =	rddreg [dreg:$0x5];
	s0 =	simm.s32 $0x80  }
0x17: {  	[tilespmem:s0], [sflag:$0x1] =	stream.linear.gather [hbm4b:s18+s3], $0x40, $0x38;
	[tilespmem:$0x10100] =	vst v63  }
0x18: {  	s8 =	rddreg [dreg:$0x6];
	s13 =	simm.s32 $0x100  }
0x19: {  	[tilespmem:s13], [sflag:$0x2] =	stream.linear.gather [hbm4b:s8+s3], $0xC000, $0x38;
	[tilespmem:$0x10100] =	vst v63  }
0x1a: {  	s2 =	simm.s32 $0xC100;
	s0 =	rddreg [dreg:$0x7]  }
0x1b: {  	[tilespmem:s2], [sflag:$0x3] =	stream.linear.gather [hbm4b:s0+s3], $0x2000, $0x38;
	[tilespmem:$0x10100] =	vst v63  }
0x1c: {  	s1 =	rddreg [dreg:$0x8];
	s8 =	simm.s32 $0xE100  }
0x1d: {  	[tilespmem:s8], [sflag:$0x3] =	stream.linear.gather [hbm4b:s1+s3], $0x2000, $0x38;
	[tilespmem:$0x10100] =	vst v63  }
0x1e: {  	_ =	swait.ge [sflag:s12], $0x40  }
0x1f: {  	[sflag:s12] =	ssyncset.done $0x0  }
0x20: {  	[sflag:s12] =	ssyncadd.s32 $0xFFFFFFC0  }
0x21: {  	_ =	swait.ge [sflag:s12], $0x40  }
0x22: {  	[sflag:s12] =	ssyncset.done $0x0  }
0x23: {  	s0 =	simm.s32 $0x2;
	[sflag:s12] =	ssyncadd.s32 $0xFFFFFFC0  }
0x24: {  	_ =	swait.ge [sflag:s0], $0xC000  }
0x25: {  	[sflag:s0] =	ssyncset.done $0x0  }
0x26: {  	[sflag:s0] =	ssyncadd.s32 $0xFFFF4000  }
0x27: {  	_ =	swait.ge [sflag:s14], $0x2000  }
0x28: {  	[sflag:s14] =	ssyncset.done $0x0  }
0x29: {  	[sflag:s14] =	ssyncadd.s32 $0xFFFFE000  }
0x2a: {  	_ =	swait.ge [sflag:s14], $0x2000  }
0x2b: {  	[sflag:s14] =	ssyncset.done $0x0  }
0x2c: {  	[sflag:s14] =	ssyncadd.s32 $0xFFFFE000  }
0x2d: {  	v3 =	vld [tilespmem:$0x0];
	_ =	sdelay $0x4  }
0x2e: {  	v4 =	vshrl.u32 v3, $0x3  }
0x2f: {  	v4 =	vmul.u32 $0x30, v4  }
0x30: {  	v3 =	vand.u32 $0x7, v3  }
0x31: {  	v3 =	vor.u32 v3, v4  }
0x32: {  	v4 =	vperm.xlane v3, v0;
	_ =	sdelay $0x1  }
0x33: {  	v4 =	vadd.s32 v1, v4;
	_ =	sdelay $0x3  }
0x34: {  	v3 =	vperm.xlane v3, v2  }
0x35: {  	[hbm4b:s4+s3] =	stream.indirect_vreg.scatter [tilespmem:s13], [sflag:$0x1], $0x80, v4, vm0, $0xb8;
	[tilespmem:$0x10100] =	vst v63  }
0x36: {  	s17 =	simm.s32 $0x900;
	v3 =	vadd.s32 v1, v3  }
0x37: {  	[hbm4b:s5+s3] =	stream.indirect_vreg.scatter [tilespmem:s17], [sflag:$0x1], $0x80, v4, vm0, $0xb8;
	[tilespmem:$0x10100] =	vst v63  }
0x38: {  	_ = 	snop  }
0x39: {  	[hbm4b:s6+s3] =	stream.indirect_vreg.scatter [tilespmem:s21], [sflag:$0x1], $0x80, v4, vm0, $0xb8;
	[tilespmem:$0x10100] =	vst v63  }
0x3a: {  	_ = 	snop  }
0x3b: {  	[hbm4b:s4+s3] =	stream.indirect_vreg.scatter [tilespmem:s22], [sflag:$0x1], $0x80, v3, vm0, $0xb8;
	[tilespmem:$0x10100] =	vst v63  }
0x3c: {  	_ = 	snop  }
0x3d: {  	[hbm4b:s5+s3] =	stream.indirect_vreg.scatter [tilespmem:s23], [sflag:$0x1], $0x80, v3, vm0, $0xb8;
	[tilespmem:$0x10100] =	vst v63  }
0x3e: {  	_ = 	snop  }
0x3f: {  	[hbm4b:s6+s3] =	stream.indirect_vreg.scatter [tilespmem:s24], [sflag:$0x1], $0x80, v3, vm0, $0xb8;
	[tilespmem:$0x10100] =	vst v63  }
0x40: {  	v3 =	vld [tilespmem:$0x10];
	_ =	sdelay $0x4  }
0x41: {  	v57 =	vshrl.u32 v3, $0x3  }
0x42: {  	v4 =	vmul.u32 $0x30, v57  }
0x43: {  	v3 =	vand.u32 $0x7, v3  }
0x44: {  	v3 =	vor.u32 v3, v4  }
0x45: {  	v4 =	vperm.xlane v3, v0;
	_ =	sdelay $0x1  }
0x46: {  	v4 =	vadd.s32 v1, v4;
	_ =	sdelay $0x3  }
0x47: {  	v3 =	vperm.xlane v3, v2  }
0x48: {  	[hbm4b:s4+s3] =	stream.indirect_vreg.scatter [tilespmem:s25], [sflag:$0x1], $0x80, v4, vm0, $0xb8;
	[tilespmem:$0x10100] =	vst v63  }
0x49: {  	v3 =	vadd.s32 v1, v3  }
0x4a: {  	[hbm4b:s5+s3] =	stream.indirect_vreg.scatter [tilespmem:s26], [sflag:$0x1], $0x80, v4, vm0, $0xb8;
	[tilespmem:$0x10100] =	vst v63  }
0x4b: {  	_ = 	snop  }
0x4c: {  	[hbm4b:s6+s3] =	stream.indirect_vreg.scatter [tilespmem:s28], [sflag:$0x1], $0x80, v4, vm0, $0xb8;
	[tilespmem:$0x10100] =	vst v63  }
0x4d: {  	_ = 	snop  }
0x4e: {  	[hbm4b:s4+s3] =	stream.indirect_vreg.scatter [tilespmem:s29], [sflag:$0x1], $0x80, v3, vm0, $0xb8;
	[tilespmem:$0x10100] =	vst v63  }
0x4f: {  	_ = 	snop  }
0x50: {  	[hbm4b:s5+s3] =	stream.indirect_vreg.scatter [tilespmem:s30], [sflag:$0x1], $0x80, v3, vm0, $0xb8;
	[tilespmem:$0x10100] =	vst v63  }
0x51: {  	_ = 	snop  }
0x52: {  	[hbm4b:s6+s3] =	stream.indirect_vreg.scatter [tilespmem:s31], [sflag:$0x1], $0x80, v3, vm0, $0xb8;
	[tilespmem:$0x10100] =	vst v63  }
0x53: {  	v3 =	vld [tilespmem:$0x20];
	_ =	sdelay $0x4  }
0x54: {  	v58 =	vshrl.u32 v3, $0x3  }
0x55: {  	v4 =	vmul.u32 $0x30, v58  }
0x56: {  	v3 =	vand.u32 $0x7, v3  }
0x57: {  	v3 =	vor.u32 v3, v4  }
0x58: {  	v4 =	vperm.xlane v3, v0;
	_ =	sdelay $0x1  }
0x59: {  	v4 =	vadd.s32 v1, v4;
	_ =	sdelay $0x3  }
0x5a: {  	s1 =	simm.s32 $0x6100;
	v3 =	vperm.xlane v3, v2  }
0x5b: {  	[hbm4b:s4+s3] =	stream.indirect_vreg.scatter [tilespmem:s1], [sflag:$0x1], $0x80, v4, vm0, $0xb8;
	[tilespmem:$0x10100] =	vst v63  }
0x5c: {  	s2 =	simm.s32 $0x6900;
	v3 =	vadd.s32 v1, v3  }
0x5d: {  	[hbm4b:s5+s3] =	stream.indirect_vreg.scatter [tilespmem:s2], [sflag:$0x1], $0x80, v4, vm0, $0xb8;
	[tilespmem:$0x10100] =	vst v63  }
0x5e: {  	s1 =	simm.s32 $0x7100  }
0x5f: {  	[hbm4b:s6+s3] =	stream.indirect_vreg.scatter [tilespmem:s1], [sflag:$0x1], $0x80, v4, vm0, $0xb8;
	[tilespmem:$0x10100] =	vst v63  }
0x60: {  	s8 =	simm.s32 $0x7900  }
0x61: {  	[hbm4b:s4+s3] =	stream.indirect_vreg.scatter [tilespmem:s8], [sflag:$0x1], $0x80, v3, vm0, $0xb8;
	[tilespmem:$0x10100] =	vst v63  }
0x62: {  	_ = 	snop  }
0x63: {  	[hbm4b:s5+s3] =	stream.indirect_vreg.scatter [tilespmem:s10], [sflag:$0x1], $0x80, v3, vm0, $0xb8;
	[tilespmem:$0x10100] =	vst v63  }
0x64: {  	_ = 	snop  }
0x65: {  	[hbm4b:s6+s3] =	stream.indirect_vreg.scatter [tilespmem:s11], [sflag:$0x1], $0x80, v3, vm0, $0xb8;
	[tilespmem:$0x10100] =	vst v63  }
0x66: {  	v3 =	vld [tilespmem:$0x30];
	_ =	sdelay $0x4  }
0x67: {  	v59 =	vshrl.u32 v3, $0x3  }
0x68: {  	v4 =	vmul.u32 $0x30, v59  }
0x69: {  	v3 =	vand.u32 $0x7, v3  }
0x6a: {  	v3 =	vor.u32 v3, v4  }
0x6b: {  	v4 =	vperm.xlane v3, v0;
	_ =	sdelay $0x1  }
0x6c: {  	v4 =	vadd.s32 v1, v4;
	_ =	sdelay $0x3  }
0x6d: {  	v3 =	vperm.xlane v3, v2  }
0x6e: {  	[hbm4b:s4+s3] =	stream.indirect_vreg.scatter [tilespmem:s15], [sflag:$0x1], $0x80, v4, vm0, $0xb8;
	[tilespmem:$0x10100] =	vst v63  }
0x6f: {  	v3 =	vadd.s32 v1, v3  }
0x70: {  	[hbm4b:s5+s3] =	stream.indirect_vreg.scatter [tilespmem:s16], [sflag:$0x1], $0x80, v4, vm0, $0xb8;
	[tilespmem:$0x10100] =	vst v63  }
0x71: {  	_ = 	snop  }
0x72: {  	[hbm4b:s6+s3] =	stream.indirect_vreg.scatter [tilespmem:s9], [sflag:$0x1], $0x80, v4, vm0, $0xb8;
	[tilespmem:$0x10100] =	vst v63  }
0x73: {  	s18 =	simm.s32 $0xA900  }
0x74: {  	[hbm4b:s4+s3] =	stream.indirect_vreg.scatter [tilespmem:s18], [sflag:$0x1], $0x80, v3, vm0, $0xb8;
	[tilespmem:$0x10100] =	vst v63  }
0x75: {  	_ = 	snop  }
0x76: {  	[hbm4b:s5+s3] =	stream.indirect_vreg.scatter [tilespmem:s19], [sflag:$0x1], $0x80, v3, vm0, $0xb8;
	[tilespmem:$0x10100] =	vst v63  }
0x77: {  	_ = 	snop  }
0x78: {  	[hbm4b:s6+s3] =	stream.indirect_vreg.scatter [tilespmem:s20], [sflag:$0x1], $0x80, v3, vm0, $0xb8;
	[tilespmem:$0x10100] =	vst v63  }
0x79: {  	v3 =	vld [tilespmem:$0x80];
	_ =	sdelay $0x4  }
0x7a: {  	v60 =	vshrl.u32 v3, $0x3  }
0x7b: {  	v4 =	vmul.u32 $0x30, v60  }
0x7c: {  	v3 =	vand.u32 $0x7, v3  }
0x7d: {  	v3 =	vor.u32 v3, v4  }
0x7e: {  	v4 =	vperm.xlane v3, v0;
	_ =	sdelay $0x1  }
0x7f: {  	v4 =	vadd.s32 v1, v4;
	_ =	sdelay $0x3  }
0x80: {  	v3 =	vperm.xlane v3, v2  }
0x81: {  	[hbm4b:s4+s3] =	stream.indirect_vreg.scatter [tilespmem:s13], [sflag:$0x2], $0x80, v4, vm0, $0xb8;
	[tilespmem:$0x10100] =	vst v63  }
0x82: {  	v3 =	vadd.s32 v1, v3  }
0x83: {  	[hbm4b:s5+s3] =	stream.indirect_vreg.scatter [tilespmem:s17], [sflag:$0x2], $0x80, v4, vm0, $0xb8;
	[tilespmem:$0x10100] =	vst v63  }
0x84: {  	_ = 	snop  }
0x85: {  	[hbm4b:s6+s3] =	stream.indirect_vreg.scatter [tilespmem:s21], [sflag:$0x2], $0x80, v4, vm0, $0xb8;
	[tilespmem:$0x10100] =	vst v63  }
0x86: {  	_ = 	snop  }
0x87: {  	[hbm4b:s4+s3] =	stream.indirect_vreg.scatter [tilespmem:s22], [sflag:$0x2], $0x80, v3, vm0, $0xb8;
	[tilespmem:$0x10100] =	vst v63  }
0x88: {  	_ = 	snop  }
0x89: {  	[hbm4b:s5+s3] =	stream.indirect_vreg.scatter [tilespmem:s23], [sflag:$0x2], $0x80, v3, vm0, $0xb8;
	[tilespmem:$0x10100] =	vst v63  }
0x8a: {  	_ = 	snop  }
0x8b: {  	[hbm4b:s6+s3] =	stream.indirect_vreg.scatter [tilespmem:s24], [sflag:$0x2], $0x80, v3, vm0, $0xb8;
	[tilespmem:$0x10100] =	vst v63  }
0x8c: {  	v3 =	vld [tilespmem:$0x90];
	_ =	sdelay $0x4  }
0x8d: {  	v61 =	vshrl.u32 v3, $0x3  }
0x8e: {  	v4 =	vmul.u32 $0x30, v61  }
0x8f: {  	v3 =	vand.u32 $0x7, v3  }
0x90: {  	v3 =	vor.u32 v3, v4  }
0x91: {  	v4 =	vperm.xlane v3, v0;
	_ =	sdelay $0x1  }
0x92: {  	v4 =	vadd.s32 v1, v4;
	_ =	sdelay $0x3  }
0x93: {  	v3 =	vperm.xlane v3, v2  }
0x94: {  	[hbm4b:s4+s3] =	stream.indirect_vreg.scatter [tilespmem:s25], [sflag:$0x2], $0x80, v4, vm0, $0xb8;
	[tilespmem:$0x10100] =	vst v63  }
0x95: {  	v3 =	vadd.s32 v1, v3  }
0x96: {  	[hbm4b:s5+s3] =	stream.indirect_vreg.scatter [tilespmem:s26], [sflag:$0x2], $0x80, v4, vm0, $0xb8;
	[tilespmem:$0x10100] =	vst v63  }
0x97: {  	_ = 	snop  }
0x98: {  	[hbm4b:s6+s3] =	stream.indirect_vreg.scatter [tilespmem:s28], [sflag:$0x2], $0x80, v4, vm0, $0xb8;
	[tilespmem:$0x10100] =	vst v63  }
0x99: {  	_ = 	snop  }
0x9a: {  	[hbm4b:s4+s3] =	stream.indirect_vreg.scatter [tilespmem:s29], [sflag:$0x2], $0x80, v3, vm0, $0xb8;
	[tilespmem:$0x10100] =	vst v63  }
0x9b: {  	_ = 	snop  }
0x9c: {  	[hbm4b:s5+s3] =	stream.indirect_vreg.scatter [tilespmem:s30], [sflag:$0x2], $0x80, v3, vm0, $0xb8;
	[tilespmem:$0x10100] =	vst v63  }
0x9d: {  	_ = 	snop  }
0x9e: {  	[hbm4b:s6+s3] =	stream.indirect_vreg.scatter [tilespmem:s31], [sflag:$0x2], $0x80, v3, vm0, $0xb8;
	[tilespmem:$0x10100] =	vst v63  }
0x9f: {  	v3 =	vld [tilespmem:$0xA0];
	_ =	sdelay $0x4  }
0xa0: {  	v62 =	vshrl.u32 v3, $0x3  }
0xa1: {  	v4 =	vmul.u32 $0x30, v62  }
0xa2: {  	v3 =	vand.u32 $0x7, v3  }
0xa3: {  	v3 =	vor.u32 v3, v4  }
0xa4: {  	v4 =	vperm.xlane v3, v0;
	_ =	sdelay $0x1  }
0xa5: {  	v4 =	vadd.s32 v1, v4;
	_ =	sdelay $0x3  }
0xa6: {  	s17 =	simm.s32 $0x6100;
	v3 =	vperm.xlane v3, v2  }
0xa7: {  	[hbm4b:s4+s3] =	stream.indirect_vreg.scatter [tilespmem:s17], [sflag:$0x2], $0x80, v4, vm0, $0xb8;
	[tilespmem:$0x10100] =	vst v63  }
0xa8: {  	v3 =	vadd.s32 v1, v3  }
0xa9: {  	[hbm4b:s5+s3] =	stream.indirect_vreg.scatter [tilespmem:s2], [sflag:$0x2], $0x80, v4, vm0, $0xb8;
	[tilespmem:$0x10100] =	vst v63  }
0xaa: {  	_ = 	snop  }
0xab: {  	[hbm4b:s6+s3] =	stream.indirect_vreg.scatter [tilespmem:s1], [sflag:$0x2], $0x80, v4, vm0, $0xb8;
	[tilespmem:$0x10100] =	vst v63  }
0xac: {  	_ = 	snop  }
0xad: {  	[hbm4b:s4+s3] =	stream.indirect_vreg.scatter [tilespmem:s8], [sflag:$0x2], $0x80, v3, vm0, $0xb8;
	[tilespmem:$0x10100] =	vst v63  }
0xae: {  	_ = 	snop  }
0xaf: {  	[hbm4b:s5+s3] =	stream.indirect_vreg.scatter [tilespmem:s10], [sflag:$0x2], $0x80, v3, vm0, $0xb8;
	[tilespmem:$0x10100] =	vst v63  }
0xb0: {  	_ = 	snop  }
0xb1: {  	[hbm4b:s6+s3] =	stream.indirect_vreg.scatter [tilespmem:s11], [sflag:$0x2], $0x80, v3, vm0, $0xb8;
	[tilespmem:$0x10100] =	vst v63  }
0xb2: {  	v3 =	vld [tilespmem:$0xB0];
	_ =	sdelay $0x4  }
0xb3: {  	v63 =	vshrl.u32 v3, $0x3  }
0xb4: {  	v4 =	vmul.u32 $0x30, v63  }
0xb5: {  	v3 =	vand.u32 $0x7, v3  }
0xb6: {  	v3 =	vor.u32 v3, v4  }
0xb7: {  	v4 =	vperm.xlane v3, v0;
	_ =	sdelay $0x1  }
0xb8: {  	v4 =	vadd.s32 v1, v4;
	_ =	sdelay $0x3  }
0xb9: {  	v3 =	vperm.xlane v3, v2  }
0xba: {  	[hbm4b:s4+s3] =	stream.indirect_vreg.scatter [tilespmem:s15], [sflag:$0x2], $0x80, v4, vm0, $0xb8;
	[tilespmem:$0x10100] =	vst v63  }
0xbb: {  	v3 =	vadd.s32 v1, v3  }
0xbc: {  	[hbm4b:s5+s3] =	stream.indirect_vreg.scatter [tilespmem:s16], [sflag:$0x2], $0x80, v4, vm0, $0xb8;
	[tilespmem:$0x10100] =	vst v63  }
0xbd: {  	_ = 	snop  }
0xbe: {  	[hbm4b:s6+s3] =	stream.indirect_vreg.scatter [tilespmem:s9], [sflag:$0x2], $0x80, v4, vm0, $0xb8;
	[tilespmem:$0x10100] =	vst v63  }
0xbf: {  	_ = 	snop  }
0xc0: {  	[hbm4b:s4+s3] =	stream.indirect_vreg.scatter [tilespmem:s18], [sflag:$0x2], $0x80, v3, vm0, $0xb8;
	[tilespmem:$0x10100] =	vst v63  }
0xc1: {  	_ = 	snop  }
0xc2: {  	[hbm4b:s5+s3] =	stream.indirect_vreg.scatter [tilespmem:s19], [sflag:$0x2], $0x80, v3, vm0, $0xb8;
	[tilespmem:$0x10100] =	vst v63  }
0xc3: {  	_ = 	snop  }
0xc4: {  	[hbm4b:s6+s3] =	stream.indirect_vreg.scatter [tilespmem:s20], [sflag:$0x2], $0x80, v3, vm0, $0xb8;
	[tilespmem:$0x10100] =	vst v63  }
0xc5: {  	s17 =	rddreg [dreg:$0x2];
	s1 =	simm.s32 $0x40;
	s8 =	simm.s32 $0xC100  }
0xc6: {  	[hbm4b:s17+s1] =	stream.indirect.scatter [tilespmem:s8], [sflag:$0x3], $0x80, s3, s1, $0xb8;
	[tilespmem:$0x10100] =	vst v63  }
0xc7: {  	s13 =	simm.s32 $0x80;
	s18 =	simm.s32 $0xE100  }
0xc8: {  	[hbm4b:s17+s1] =	stream.indirect.scatter [tilespmem:s18], [sflag:$0x3], $0x80, s13, s1, $0xb8;
	[tilespmem:$0x10100] =	vst v63  }
0xc9: {  	_ =	swait.ge [sflag:s12], $0xC000  }
0xca: {  	[sflag:s12] =	ssyncset.done $0x0  }
0xcb: {  	[sflag:s12] =	ssyncadd.s32 $0xFFFF4000  }
0xcc: {  	_ =	swait.ge [sflag:s0], $0xC000  }
0xcd: {  	[sflag:s0] =	ssyncset.done $0x0  }
0xce: {  	[sflag:s0] =	ssyncadd.s32 $0xFFFF4000  }
0xcf: {  	p0 =	sne.s32 s7, $0x1;
	_ =	swait.ge [sflag:s14], $0x2000  }
.Ltmp0:
0xd0: {  	[sflag:s14] =	ssyncset.done $0x0;
	(pc) =	sbr.rel @p0 .LBB2_1-.Ltmp0, $4  }
0xd1: {  	[sflag:s14] =	ssyncadd.s32 $0xFFFFE000  }
0xd2: {  	_ =	swait.ge [sflag:s14], $0x2000  }
0xd3: {  	[sflag:s14] =	ssyncset.done $0x0  }
0xd4: {  	s7 =	sadd.s32 $0xFFFFFFFF, s7;
	[sflag:s14] =	ssyncadd.s32 $0xFFFFE000  }
0xd5: {  	_ =	sfence.sel $0x180000  }
0xd6: {  	[bflag:$0x0] =	sbarrier.arrive $0xFFFF  }
0xd7: {  	_ =	strace $0x90000047  }
0xd8: {  	s0 =	stileid.u32;
	[bflag:$0x2] =	sbarrier.arrive $0xFFFF  }
0xd9: {  	p0 =	sne.s32 s0, $0x0;
	s0 =	rddreg [dreg:$0x3]  }
0xda: {  	s0 =	sadd.s32 @!p0 $0x100000, s0  }
0xdb: {  	[sflag:s0] =	ssyncadd.tile.s32 @!p0 $0x1;
	_ =	shalt  }
.Lfunc_end2:
_tile_overlayer_lowered:
.L_overlay_start_2:
0xdc: {  	(tag) =	ssettag $0x2  }
0xdd: {  	s0 =	rddreg [dreg:$0x0];
	s2 =	stileid.u32  }
0xde: {  	s1 =	rddreg [dreg:$0x1];
	p0 =	sne.s32 s2, $0x0  }
0xdf: {  	s3 =	rddreg [dreg:$0x2];
	[bflag:$0x3] =	sbarrier.arrive $0xFFFF;
	s2 =	simm.s32 @!p0 $0x1C04  }
0xe0: {  	[timem:s3], [sflag:s2] =	dma.local @!p0 [hbm:s0], s1  }
0xe1: {  	s0 =	simm.s32 @!p0 $0x4  }
0xe2: {  	_ =	swait.ge @!p0 [sflag:s0], s1  }
0xe3: {  	s1 =	ssub.s32 @!p0 $0x0, s1;
	[sflag:s0] =	ssyncset.done @!p0 $0x0  }
0xe4: {  	[sflag:s0] =	ssyncadd.s32 @!p0 s1  }
0xe5: {  	[bflag:$0x3] =	sbarrier.arrive $0xFFFF  }
0xe6: {  	_ =	shalt  }

// kernel: kernel.9.cloned.1.call-start
scs
__scs_entry_jumppad:
0x0: {  	(pc) =	sbr.rel $0x88, $3  }
0x1: {  	(tag) =	ssettag $0x0;
	lr =	simm.s32 $0x1  }
0x2: {  	[smem:$0x3F9C] =	sst lr;
	_ =	strace $0xD0000000  }
0x3: {  	_ = 	snop  }
0x4: {  	_ = 	snop  }
0x5: {  	_ = 	snop  }
0x6: {  	_ = 	snop  }
0x7: {  	_ = 	snop  }
__scs_overlays_trampoline_lowered:
0x8: {  	[smem:$0x3FAB] =	sst s0  }
0x9: {  	[smem:$0x3FAC] =	sst s1  }
0xa: {  	[smem:$0x3FAD] =	sst s2  }
0xb: {  	[smem:$0x3FAE] =	sst s3  }
0xc: {  	[smem:$0x3FAF] =	sst s4  }
0xd: {  	[smem:$0x3FB0] =	sst s5  }
0xe: {  	[smem:$0x3FB1] =	sst s6  }
0xf: {  	[smem:$0x3FB2] =	sst s7  }
0x10: {  	[smem:$0x3FB3] =	sst s8  }
0x11: {  	[smem:$0x3FB4] =	sst s9;
	s0 =	simm.s32 @!p0 $0x0  }
0x12: {  	s1 =	sld [smem:$0x3F9A];
	s0 =	simm.s32 @p0 $0x1  }
0x13: {  	[smem:$0x3FB5] =	sst s0;
	s0 =	simm.s32 @!p1 $0x0  }
0x14: {  	s2 =	sld [smem:$0x3F99];
	s0 =	simm.s32 @p1 $0x1  }
0x15: {  	[smem:$0x3FB6] =	sst s0;
	s0 =	simm.s32 @!p2 $0x0  }
0x16: {  	s3 =	sld [smem:$0x3FDB];
	s0 =	simm.s32 @p2 $0x1  }
0x17: {  	s4 =	simm.s32 $0x1BF5;
	[smem:$0x3FB8] =	sst s0  }
0x18: {  	s0 =	sld [smem:$0x3F9B];
	_ =	swait.ge [sflag:s4], $0x0  }
0x19: {  	s7 =	sld [smem:$0x3F9C]  }
0x1a: {  	s8 =	sadd.s32 $0xFFFFE003, lr  }
0x1b: {  	s9 =	sadd.s32 $0xFFFFFEF7, lr;
	s5 =	simm.s32 $0xFFFFFFFF;
	p2 =	slt.u32 s8, $0xFFFFF086  }
0x1c: {  	p1 =	slt.u32 s9, $0xF7A;
	s5 =	simm.s32 @!p2 $0x0  }
0x1d: {  	s5 =	simm.s32 @p1 $0x1;
	p0 =	seq.s32 s7, s2  }
0x1e: {  	s7 =	smul.u32 @!p0 $0xF7A, s2;
	p2 =	seq.s32 @!p0 s5, $0x0  }
0x1f: {  	s9 =	smul.u32 $0xF7A, s1;
	s8 =	simm.s32 @!p0 $0x1BF5;
	p2 =	por !p2, p0  }
0x20: {  	[sflag:s8] =	ssyncset.s32 @!p0 $0xFFFFF086;
	s6 =	sadd.s32 @!p0 s3, s7;
	s7 =	simm.s32 @!p0 $0x108  }
0x21: {  	s3 =	sadd.s32 s3, s9;
	s6 =	sadd.s32 @!p0 $0x88, s6;
	s7 =	simm.s32 @p2 $0x1082  }
0x22: {  	[simem:s7], [sflag:s8] =	dma.local @!p0 [hbm:s6], $0xF7A  }
0x23: {  	s9 =	sor.u32 $0xD0000000, s2;
	s6 =	simm.s32 $0x108;
	_ =	swait.ge @!p0 [sflag:s8], $0x0  }
0x24: {  	s3 =	sadd.s32 $0x88, s3;
	s6 =	simm.s32 @!p1 $0x1082;
	[sflag:s4] =	ssyncset.s32 $0xFFFFF086  }
0x25: {  	[simem:s6], [sflag:s4] =	dma.local [hbm:s3], $0xF7A  }
0x26: {  	[smem:$0x3F9C] =	sst s1;
	(tag) =	ssettag s2;
	_ =	strace s9  }
0x27: {  	s1 =	sld [smem:$0x3FAC]  }
0x28: {  	s2 =	sld [smem:$0x3FAD]  }
0x29: {  	s4 =	sld [smem:$0x3FAF]  }
0x2a: {  	p0 =	seq.s32 s5, $0x0;
	s5 =	sld [smem:$0x3FB0]  }
0x2b: {  	s6 =	sld [smem:$0x3FB1]  }
0x2c: {  	s7 =	sld [smem:$0x3FB2]  }
0x2d: {  	s3 =	simm.s32 $0x108;
	s8 =	sld [smem:$0x3FB3]  }
0x2e: {  	s3 =	simm.s32 @!p0 $0x1082;
	s9 =	sld [smem:$0x3FB4]  }
0x2f: {  	lr =	sadd.s32 s0, s3;
	s0 =	sld [smem:$0x3FAB]  }
0x30: {  	s3 =	sld [smem:$0x3FAE]  }
0x31: {  	[smem:$0x3FB7] =	sst s10  }
0x32: {  	s10 =	sld [smem:$0x3FB5];
	_ =	sdelay $0x3  }
0x33: {  	p0 =	seq.s32 s10, $0x1;
	s10 =	sld [smem:$0x3FB7];
	_ =	sdelay $0x3  }
0x34: {  	[smem:$0x3FB7] =	sst s10  }
0x35: {  	s10 =	sld [smem:$0x3FB6];
	_ =	sdelay $0x3  }
0x36: {  	p1 =	seq.s32 s10, $0x1;
	s10 =	sld [smem:$0x3FB7];
	_ =	sdelay $0x3  }
0x37: {  	[smem:$0x3FB7] =	sst s10  }
0x38: {  	s10 =	sld [smem:$0x3FB8]  }
0x39: {  	_ = 	snop;
	(pc) =	sbr.ind lr, $3  }
0x3a: {  	_ = 	snop  }
0x3b: {  	_ = 	snop  }
0x3c: {  	p2 =	seq.s32 s10, $0x1;
	s10 =	sld [smem:$0x3FB7]  }
0x3d: {  	_ =	shalt  }
0x3e: {  	_ =	shalt  }
0x3f: {  	_ =	shalt  }
0x40: {  	_ =	shalt  }
0x41: {  	_ =	shalt  }
0x42: {  	_ =	shalt  }
0x43: {  	_ =	shalt  }
0x44: {  	_ =	shalt  }
0x45: {  	_ =	shalt  }
0x46: {  	_ =	shalt  }
0x47: {  	_ =	shalt  }
0x48: {  	_ =	shalt  }
0x49: {  	_ =	shalt  }
0x4a: {  	_ =	shalt  }
0x4b: {  	_ =	shalt  }
0x4c: {  	_ =	shalt  }
0x4d: {  	_ =	shalt  }
0x4e: {  	_ =	shalt  }
0x4f: {  	_ =	shalt  }
0x50: {  	_ =	shalt  }
0x51: {  	_ =	shalt  }
0x52: {  	_ =	shalt  }
0x53: {  	_ =	shalt  }
0x54: {  	_ =	shalt  }
0x55: {  	_ =	shalt  }
0x56: {  	_ =	shalt  }
0x57: {  	_ =	shalt  }
0x58: {  	_ =	shalt  }
0x59: {  	_ =	shalt  }
0x5a: {  	_ =	shalt  }
0x5b: {  	_ =	shalt  }
0x5c: {  	_ =	shalt  }
0x5d: {  	_ =	shalt  }
0x5e: {  	_ =	shalt  }
0x5f: {  	_ =	shalt  }
0x60: {  	_ =	shalt  }
0x61: {  	_ =	shalt  }
0x62: {  	_ =	shalt  }
0x63: {  	_ =	shalt  }
0x64: {  	_ =	shalt  }
0x65: {  	_ =	shalt  }
0x66: {  	_ =	shalt  }
0x67: {  	_ =	shalt  }
0x68: {  	_ =	shalt  }
0x69: {  	_ =	shalt  }
0x6a: {  	_ =	shalt  }
0x6b: {  	_ =	shalt  }
0x6c: {  	_ =	shalt  }
0x6d: {  	_ =	shalt  }
0x6e: {  	_ =	shalt  }
0x6f: {  	_ =	shalt  }
0x70: {  	_ =	shalt  }
0x71: {  	_ =	shalt  }
0x72: {  	_ =	shalt  }
0x73: {  	_ =	shalt  }
0x74: {  	_ =	shalt  }
0x75: {  	_ =	shalt  }
0x76: {  	_ =	shalt  }
0x77: {  	_ =	shalt  }
0x78: {  	_ =	shalt  }
0x79: {  	_ =	shalt  }
0x7a: {  	_ =	shalt  }
0x7b: {  	_ =	shalt  }
0x7c: {  	_ =	shalt  }
0x7d: {  	_ =	shalt  }
0x7e: {  	_ =	shalt  }
0x7f: {  	_ =	shalt  }
0x80: {  	_ =	shalt  }
0x81: {  	_ =	shalt  }
0x82: {  	_ =	shalt  }
0x83: {  	_ =	shalt  }
0x84: {  	_ =	shalt  }
0x85: {  	_ =	shalt  }
0x86: {  	_ =	shalt  }
0x87: {  	_ =	shalt  }
.Lfunc_end0:
.L_simem_size_0:
called_computation.1_lowered:
.L_overlay_start_0:
0x88: {  	s2 =	sld [smem:$0x3FD9]  }
0x89: {  	s3 =	sld [smem:$0x3FFE];
	_ =	sdelay $0x1  }
0x8a: {  	s1 =	srdreg.scid  }
0x8b: {  	s0 =	sand.u32 $0x1, s1  }
0x8c: {  	s14 =	sshll.u32 s0, $0xA;
	s2 =	sadd.s32 s3, s2  }
0x8d: {  	s2 =	sadd.s32 s2, s14  }
0x8e: {  	[smem:$0x3FC3] =	sst s2  }
0x8f: {  	_ = 	snop  }
0x90: {  	s2 =	sld [smem:$0x3FD0];
	_ =	sdelay $0x2  }
0x91: {  	s15 =	simm.s32 $0xA;
	s4 =	simm.s32 $0x10  }
0x92: {  	[smem:s4], [sflag:s15] =	dma.local [hbm:s2], $0x1  }
0x93: {  	_ =	swait.eq [sflag:s15], $0x1  }
0x94: {  	[sflag:s15] =	ssyncset.done $0x0  }
0x95: {  	[sflag:s15] =	ssyncadd.s32 $0xFFFFFFFF  }
0x96: {  	s16 =	sld [smem:$0x10];
	(tm) =	ssettm $0x1  }
0x97: {  	s17 =	sld [smem:$0x3FFB];
	_ =	sdelay $0x3  }
0x98: {  	_ =	strace s17  }
0x99: {  	s3 =	sld [smem:$0x3FFC];
	_ =	sdelay $0x3  }
0x9a: {  	_ =	strace s3  }
0x9b: {  	s3 =	sld [smem:$0x3FFD];
	_ =	sdelay $0x3  }
0x9c: {  	_ =	strace s3  }
0x9d: {  	_ =	strace $0x8FFFFFFF  }
0x9e: {  	s18 =	sld [smem:$0x3FDB];
	_ =	sdelay $0x1  }
0x9f: {  	s19 =	simm.s32 $_scs_section_size  }
0xa0: {  	s5 =	simm.s32 $_size__tile_overlayer_lowered;
	s6 =	simm.s32 $_tile_overlayer_lowered  }
0xa1: {  	s22 =	simm.s32 $0x1BFF;
	s21 =	sshll.u32 s6, $0x1;
	s3 =	sadd.s32 s19, s18  }
0xa2: {  	s7 =	simm.s32 $0x0;
	s20 =	sshll.u32 s5, $0x1;
	s5 =	sadd.s32 s21, s3  }
0xa3: {  	[timem:s7], [sflag:s22] =	dma.local [hbm:s5], s20  }
0xa4: {  	_ =	swait.ge [sflag:s22], s20  }
0xa5: {  	s4 =	ssub.s32 $0x0, s20;
	[sflag:s22] =	ssyncset.done $0x0  }
0xa6: {  	[sflag:s22] =	ssyncadd.s32 s4;
	_ =	sdelay $0x1  }
0xa7: {  	s23 =	simm.s32 $0x1B8B  }
0xa8: {  	_ =	swait.ge [sflag:s23], $0x1  }
0xa9: {  	[sflag:s23] =	ssyncset.done $0x0  }
0xaa: {  	s25 =	simm.s32 $0x1B8E;
	s24 =	sld [smem:$0x3FFE];
	[sflag:s23] =	ssyncadd.s32 $0xFFFFFFFF  }
0xab: {  	s26 =	simm.s32 $execute0_lowered;
	[smem:$0x3FD2] =	sst s25  }
0xac: {  	s5 =	sshll.u32 s26, $0x1;
	_ =	strace $0x80000049;
	[dreg:$0x1] =	wrdreg $0xFFFFFFFF  }
0xad: {  	s28 =	simm.s32 $_size_execute0_lowered;
	s3 =	sadd.s32 s3, s5;
	[dreg:$0x0] =	wrdreg $0x0  }
0xae: {  	s5 =	sshll.u32 s28, $0x1;
	[dreg:$0x2] =	wrdreg s3  }
0xaf: {  	[dreg:$0x3] =	wrdreg s5  }
0xb0: {  	[dreg:$0x4] =	wrdreg $0xC0  }
0xb1: {  	_ =	task [dreg:s7], $0x5FFFF  }
0xb2: {  	[dreg:$0x1] =	wrdreg $0xFFFFFFFF  }
0xb3: {  	[dreg:$0x0] =	wrdreg $0x60  }
0xb4: {  	[dreg:$0x2] =	wrdreg s24  }
0xb5: {  	[dreg:$0x3] =	wrdreg s16  }
0xb6: {  	[dreg:$0x4] =	wrdreg $0x9  }
0xb7: {  	_ =	task.clear_ibuf [dreg:s7], $0x5FFFF;
	_ =	strace $0x90000049  }
0xb8: {  	s29 =	simm.s32 $0x9;
	_ =	strace $0x8000004B  }
0xb9: {  	_ =	swait.ge [sflag:s29], $0x1  }
0xba: {  	[sflag:s29] =	ssyncadd.s32 $0xFFFFFFFF  }
0xbb: {  	_ =	strace $0x9000004B  }
0xbc: {  	_ =	sfence  }
0xbd: {  	s30 =	sld [smem:$0x0];
	_ =	sdelay $0x2  }
0xbe: {  	s31 =	sshll.u32 s1, $0xD;
	s1 =	sshrl.u32 s1, $0x2  }
0xbf: {  	s3 =	sand.u32 $0x4000, s31;
	s1 =	sadd.s32 s1, s30  }
0xc0: {  	s0 =	sor.u32 s3, s0;
	s1 =	sshll.u32 s1, $0x11  }
0xc1: {  	s0 =	sor.u32 s1, s0  }
0xc2: {  	s0 =	sadd.s32 $0x8F2B, s0  }
0xc3: {  	[sflag:s0] =	ssyncadd.remote.s32 $0x1  }
0xc4: {  	_ =	sfence.sel $0xFFFF  }
0xc5: {  	[dreg:$0x0] =	wrdreg $0xFFFFFFFF;
	(pc) =	sbr.abs _section_cstart, $3  }
0xc6: {  	[dreg:$0x1] =	wrdreg $0xFFFFFFFF  }
0xc7: {  	_ =	task.clear_ibuf [dreg:s7], $0x2FFFF;
	_ =	strace $0x9FFFFFFF  }
0xc8: {  	(tm) =	ssettm $0x7FFFFFFF  }
0xc9: {  	_ =	shalt  }
tec
execute0_lowered:
.L_overlay_start_1:
0x0: {  	(tag) =	ssettag $0x1  }
0x1: {  	s0 =	rddreg [dreg:$0x0]  }
0x2: {  	s1 =	rddreg [dreg:$0x1]  }
0x3: {  	s2 =	srdreg.scid;
	s4 =	stileid.u32;
	s12 =	simm.s32 $0x1  }
0x4: {  	s13 =	simm.s32 $0x2;
	s14 =	simm.s32 $0x100;
	s19 =	simm.s32 $0x6100  }
0x5: {  	s15 =	simm.s32 $0x13900;
	s16 =	simm.s32 $0x14100;
	s17 =	simm.s32 $0x14900  }
0x6: {  	s18 =	simm.s32 $0x15100;
	s20 =	simm.s32 $0x15900;
	s21 =	simm.s32 $0x16100  }
0x7: {  	s22 =	simm.s32 $0x16900;
	s23 =	simm.s32 $0x17100;
	s24 =	simm.s32 $0x17900  }
0x8: {  	s25 =	simm.s32 $0x3;
	s26 =	simm.s32 $0x0;
	s3 =	sand.u32 $0x1, s2  }
0x9: {  	s2 =	simm.s32 $0x0;
	s4 =	sshll.u32 s4, $0x4;
	s5 =	sshll.u32 s3, $0x3  }
0xa: {  	[smem:$0x7FF] =	sst s2;
	s31 =	ssub.s32 $0x2, s3;
	s3 =	sadd.s32 $0xA0A00, s0  }
0xb: {  	s5 =	sor.u32 s5, s4;
	_ =	strace $0x8000004A;
	s6 =	sshrl.u32 s31, $0x1  }
0xc: {  	s7 =	smul.u32 $0x1800, s5;
	s8 =	sadd.s32 s5, s0;
	s10 =	ssub.s32 s31, s6  }
0xd: {  	s9 =	smul.u32 $0x300, s5;
	s6 =	sadd.s32 $0xA0B00, s0;
	s4 =	sadd.s32 $0x10400, s8  }
0xe: {  	v2 =	vlaneseq.u32;
	s5 =	sadd.s32 $0x10500, s8;
	s10 =	smax.u32 s10, $0x1;
	s7 =	sshrl.u32 s7, $0x3  }
0xf: {  	vm0 =	vmmov $0xffff;
	v1 =	vshrl.u32 v2, $0x3;
	s8 =	sadd.s32 s1, s9;
	s11 =	sadd.s32 s1, s7;
	s7 =	sadd.s32 $0xA0C00, s0  }
0x10: {  	v0 =	vand.u32 $0x7, v2;
	v2 =	vor.u32 $0x8, v2;
	v1 =	vmul.u32 $0x8, v1;
	s1 =	simm.s32 $0x12900;
	s9 =	sadd.s32 $0xC00, s11;
	s11 =	simm.s32 $0x13100  }
.LBB2_1:
0x11: {  	[tilespmem:s2], [sflag:$0x1] =	stream.linear.gather [hbm4b:s4+s2], $0x40, $0x38;
	[tilespmem:$0x18100] =	vst v63  }
0x12: {  	s0 =	simm.s32 $0x80  }
0x13: {  	[tilespmem:s0], [sflag:$0x2] =	stream.linear.gather [hbm4b:s5+s2], $0x40, $0x38;
	[tilespmem:$0x18100] =	vst v63  }
0x14: {  	_ =	swait.ge [sflag:s12], $0x40  }
0x15: {  	[sflag:s12] =	ssyncset.done $0x0  }
0x16: {  	[sflag:s12] =	ssyncadd.s32 $0xFFFFFFC0  }
0x17: {  	_ =	swait.ge [sflag:s13], $0x40  }
0x18: {  	[sflag:s13] =	ssyncset.done $0x0  }
0x19: {  	[sflag:s13] =	ssyncadd.s32 $0xFFFFFFC0  }
0x1a: {  	v3 =	vld [tilespmem:$0x0];
	_ =	sdelay $0x4  }
0x1b: {  	v4 =	vshrl.u32 v3, $0x3  }
0x1c: {  	v4 =	vmul.u32 $0x30, v4  }
0x1d: {  	v3 =	vand.u32 $0x7, v3  }
0x1e: {  	v3 =	vor.u32 v3, v4  }
0x1f: {  	v4 =	vperm.xlane v3, v0;
	_ =	sdelay $0x1  }
0x20: {  	v4 =	vadd.s32 v1, v4;
	_ =	sdelay $0x3  }
0x21: {  	v3 =	vperm.xlane v3, v2  }
0x22: {  	[tilespmem:s14], [sflag:$0x1] =	stream.indirect_vreg.gather [hbm4b:s3+s2], $0x80, v4, vm0, $0xb8;
	[tilespmem:$0x18100] =	vst v63  }
0x23: {  	s31 =	simm.s32 $0x900;
	v3 =	vadd.s32 v1, v3  }
0x24: {  	[tilespmem:s31], [sflag:$0x1] =	stream.indirect_vreg.gather [hbm4b:s6+s2], $0x80, v4, vm0, $0xb8;
	[tilespmem:$0x18100] =	vst v63  }
0x25: {  	s31 =	simm.s32 $0x1100  }
0x26: {  	[tilespmem:s31], [sflag:$0x1] =	stream.indirect_vreg.gather [hbm4b:s7+s2], $0x80, v4, vm0, $0xb8;
	[tilespmem:$0x18100] =	vst v63  }
0x27: {  	s31 =	simm.s32 $0x1900  }
0x28: {  	[tilespmem:s31], [sflag:$0x1] =	stream.indirect_vreg.gather [hbm4b:s3+s2], $0x80, v3, vm0, $0xb8;
	[tilespmem:$0x18100] =	vst v63  }
0x29: {  	s31 =	simm.s32 $0x2100  }
0x2a: {  	[tilespmem:s31], [sflag:$0x1] =	stream.indirect_vreg.gather [hbm4b:s6+s2], $0x80, v3, vm0, $0xb8;
	[tilespmem:$0x18100] =	vst v63  }
0x2b: {  	s31 =	simm.s32 $0x2900  }
0x2c: {  	[tilespmem:s31], [sflag:$0x1] =	stream.indirect_vreg.gather [hbm4b:s7+s2], $0x80, v3, vm0, $0xb8;
	[tilespmem:$0x18100] =	vst v63  }
0x2d: {  	v3 =	vld [tilespmem:$0x10];
	_ =	sdelay $0x4  }
0x2e: {  	v4 =	vshrl.u32 v3, $0x3  }
0x2f: {  	v4 =	vmul.u32 $0x30, v4  }
0x30: {  	v3 =	vand.u32 $0x7, v3  }
0x31: {  	v3 =	vor.u32 v3, v4  }
0x32: {  	v4 =	vperm.xlane v3, v0;
	_ =	sdelay $0x1  }
0x33: {  	v4 =	vadd.s32 v1, v4;
	_ =	sdelay $0x3  }
0x34: {  	s31 =	simm.s32 $0x3100;
	v3 =	vperm.xlane v3, v2  }
0x35: {  	[tilespmem:s31], [sflag:$0x1] =	stream.indirect_vreg.gather [hbm4b:s3+s2], $0x80, v4, vm0, $0xb8;
	[tilespmem:$0x18100] =	vst v63  }
0x36: {  	v3 =	vadd.s32 v1, v3;
	s31 =	simm.s32 $0x3900  }
0x37: {  	[tilespmem:s31], [sflag:$0x1] =	stream.indirect_vreg.gather [hbm4b:s6+s2], $0x80, v4, vm0, $0xb8;
	[tilespmem:$0x18100] =	vst v63  }
0x38: {  	s31 =	simm.s32 $0x4100  }
0x39: {  	[tilespmem:s31], [sflag:$0x1] =	stream.indirect_vreg.gather [hbm4b:s7+s2], $0x80, v4, vm0, $0xb8;
	[tilespmem:$0x18100] =	vst v63  }
0x3a: {  	s31 =	simm.s32 $0x4900  }
0x3b: {  	[tilespmem:s31], [sflag:$0x1] =	stream.indirect_vreg.gather [hbm4b:s3+s2], $0x80, v3, vm0, $0xb8;
	[tilespmem:$0x18100] =	vst v63  }
0x3c: {  	s31 =	simm.s32 $0x5100  }
0x3d: {  	[tilespmem:s31], [sflag:$0x1] =	stream.indirect_vreg.gather [hbm4b:s6+s2], $0x80, v3, vm0, $0xb8;
	[tilespmem:$0x18100] =	vst v63  }
0x3e: {  	s31 =	simm.s32 $0x5900  }
0x3f: {  	[tilespmem:s31], [sflag:$0x1] =	stream.indirect_vreg.gather [hbm4b:s7+s2], $0x80, v3, vm0, $0xb8;
	[tilespmem:$0x18100] =	vst v63  }
0x40: {  	v3 =	vld [tilespmem:$0x80];
	_ =	sdelay $0x4  }
0x41: {  	v4 =	vshrl.u32 v3, $0x3  }
0x42: {  	v4 =	vmul.u32 $0x30, v4  }
0x43: {  	v3 =	vand.u32 $0x7, v3  }
0x44: {  	v3 =	vor.u32 v3, v4  }
0x45: {  	v4 =	vperm.xlane v3, v0;
	_ =	sdelay $0x1  }
0x46: {  	v4 =	vadd.s32 v1, v4;
	_ =	sdelay $0x3  }
0x47: {  	s31 =	simm.s32 $0xC100;
	v3 =	vperm.xlane v3, v2  }
0x48: {  	[tilespmem:s31], [sflag:$0x2] =	stream.indirect_vreg.gather [hbm4b:s3+s2], $0x80, v4, vm0, $0xb8;
	[tilespmem:$0x18100] =	vst v63  }
0x49: {  	v3 =	vadd.s32 v1, v3;
	s31 =	simm.s32 $0xC900  }
0x4a: {  	[tilespmem:s31], [sflag:$0x2] =	stream.indirect_vreg.gather [hbm4b:s6+s2], $0x80, v4, vm0, $0xb8;
	[tilespmem:$0x18100] =	vst v63  }
0x4b: {  	s31 =	simm.s32 $0xD100  }
0x4c: {  	[tilespmem:s31], [sflag:$0x2] =	stream.indirect_vreg.gather [hbm4b:s7+s2], $0x80, v4, vm0, $0xb8;
	[tilespmem:$0x18100] =	vst v63  }
0x4d: {  	s31 =	simm.s32 $0xD900  }
0x4e: {  	[tilespmem:s31], [sflag:$0x2] =	stream.indirect_vreg.gather [hbm4b:s3+s2], $0x80, v3, vm0, $0xb8;
	[tilespmem:$0x18100] =	vst v63  }
0x4f: {  	s31 =	simm.s32 $0xE100  }
0x50: {  	[tilespmem:s31], [sflag:$0x2] =	stream.indirect_vreg.gather [hbm4b:s6+s2], $0x80, v3, vm0, $0xb8;
	[tilespmem:$0x18100] =	vst v63  }
0x51: {  	s31 =	simm.s32 $0xE900  }
0x52: {  	[tilespmem:s31], [sflag:$0x2] =	stream.indirect_vreg.gather [hbm4b:s7+s2], $0x80, v3, vm0, $0xb8;
	[tilespmem:$0x18100] =	vst v63  }
0x53: {  	v3 =	vld [tilespmem:$0x90];
	_ =	sdelay $0x4  }
0x54: {  	v4 =	vshrl.u32 v3, $0x3  }
0x55: {  	v4 =	vmul.u32 $0x30, v4  }
0x56: {  	v3 =	vand.u32 $0x7, v3  }
0x57: {  	v3 =	vor.u32 v3, v4  }
0x58: {  	v4 =	vperm.xlane v3, v0;
	_ =	sdelay $0x1  }
0x59: {  	v4 =	vadd.s32 v1, v4;
	_ =	sdelay $0x3  }
0x5a: {  	s31 =	simm.s32 $0xF100;
	v3 =	vperm.xlane v3, v2  }
0x5b: {  	[tilespmem:s31], [sflag:$0x2] =	stream.indirect_vreg.gather [hbm4b:s3+s2], $0x80, v4, vm0, $0xb8;
	[tilespmem:$0x18100] =	vst v63  }
0x5c: {  	v3 =	vadd.s32 v1, v3;
	s31 =	simm.s32 $0xF900  }
0x5d: {  	[tilespmem:s31], [sflag:$0x2] =	stream.indirect_vreg.gather [hbm4b:s6+s2], $0x80, v4, vm0, $0xb8;
	[tilespmem:$0x18100] =	vst v63  }
0x5e: {  	s31 =	simm.s32 $0x10100  }
0x5f: {  	[tilespmem:s31], [sflag:$0x2] =	stream.indirect_vreg.gather [hbm4b:s7+s2], $0x80, v4, vm0, $0xb8;
	[tilespmem:$0x18100] =	vst v63  }
0x60: {  	s31 =	simm.s32 $0x10900  }
0x61: {  	[tilespmem:s31], [sflag:$0x2] =	stream.indirect_vreg.gather [hbm4b:s3+s2], $0x80, v3, vm0, $0xb8;
	[tilespmem:$0x18100] =	vst v63  }
0x62: {  	s31 =	simm.s32 $0x11100  }
0x63: {  	[tilespmem:s31], [sflag:$0x2] =	stream.indirect_vreg.gather [hbm4b:s6+s2], $0x80, v3, vm0, $0xb8;
	[tilespmem:$0x18100] =	vst v63  }
0x64: {  	s31 =	simm.s32 $0x11900  }
0x65: {  	[tilespmem:s31], [sflag:$0x2] =	stream.indirect_vreg.gather [hbm4b:s7+s2], $0x80, v3, vm0, $0xb8;
	[tilespmem:$0x18100] =	vst v63  }
0x66: {  	v3 =	vld [tilespmem:$0x20];
	_ =	sdelay $0x4  }
0x67: {  	v4 =	vshrl.u32 v3, $0x3  }
0x68: {  	v4 =	vmul.u32 $0x30, v4  }
0x69: {  	v3 =	vand.u32 $0x7, v3  }
0x6a: {  	v3 =	vor.u32 v3, v4  }
0x6b: {  	v4 =	vperm.xlane v3, v0;
	_ =	sdelay $0x1  }
0x6c: {  	v4 =	vadd.s32 v1, v4;
	_ =	sdelay $0x3  }
0x6d: {  	v3 =	vperm.xlane v3, v2  }
0x6e: {  	[tilespmem:s19], [sflag:$0x1] =	stream.indirect_vreg.gather [hbm4b:s3+s2], $0x80, v4, vm0, $0xb8;
	[tilespmem:$0x18100] =	vst v63  }
0x6f: {  	s31 =	simm.s32 $0x6900;
	v3 =	vadd.s32 v1, v3  }
0x70: {  	[tilespmem:s31], [sflag:$0x1] =	stream.indirect_vreg.gather [hbm4b:s6+s2], $0x80, v4, vm0, $0xb8;
	[tilespmem:$0x18100] =	vst v63  }
0x71: {  	s31 =	simm.s32 $0x7100  }
0x72: {  	[tilespmem:s31], [sflag:$0x1] =	stream.indirect_vreg.gather [hbm4b:s7+s2], $0x80, v4, vm0, $0xb8;
	[tilespmem:$0x18100] =	vst v63  }
0x73: {  	s31 =	simm.s32 $0x7900  }
0x74: {  	[tilespmem:s31], [sflag:$0x1] =	stream.indirect_vreg.gather [hbm4b:s3+s2], $0x80, v3, vm0, $0xb8;
	[tilespmem:$0x18100] =	vst v63  }
0x75: {  	s31 =	simm.s32 $0x8100  }
0x76: {  	[tilespmem:s31], [sflag:$0x1] =	stream.indirect_vreg.gather [hbm4b:s6+s2], $0x80, v3, vm0, $0xb8;
	[tilespmem:$0x18100] =	vst v63  }
0x77: {  	s31 =	simm.s32 $0x8900  }
0x78: {  	[tilespmem:s31], [sflag:$0x1] =	stream.indirect_vreg.gather [hbm4b:s7+s2], $0x80, v3, vm0, $0xb8;
	[tilespmem:$0x18100] =	vst v63  }
0x79: {  	v3 =	vld [tilespmem:$0x30];
	_ =	sdelay $0x4  }
0x7a: {  	v4 =	vshrl.u32 v3, $0x3  }
0x7b: {  	v4 =	vmul.u32 $0x30, v4  }
0x7c: {  	v3 =	vand.u32 $0x7, v3  }
0x7d: {  	v3 =	vor.u32 v3, v4  }
0x7e: {  	v4 =	vperm.xlane v3, v0;
	_ =	sdelay $0x1  }
0x7f: {  	v4 =	vadd.s32 v1, v4;
	_ =	sdelay $0x3  }
0x80: {  	s31 =	simm.s32 $0x9100;
	v3 =	vperm.xlane v3, v2  }
0x81: {  	[tilespmem:s31], [sflag:$0x1] =	stream.indirect_vreg.gather [hbm4b:s3+s2], $0x80, v4, vm0, $0xb8;
	[tilespmem:$0x18100] =	vst v63  }
0x82: {  	v3 =	vadd.s32 v1, v3;
	s31 =	simm.s32 $0x9900  }
0x83: {  	[tilespmem:s31], [sflag:$0x1] =	stream.indirect_vreg.gather [hbm4b:s6+s2], $0x80, v4, vm0, $0xb8;
	[tilespmem:$0x18100] =	vst v63  }
0x84: {  	s31 =	simm.s32 $0xA100  }
0x85: {  	[tilespmem:s31], [sflag:$0x1] =	stream.indirect_vreg.gather [hbm4b:s7+s2], $0x80, v4, vm0, $0xb8;
	[tilespmem:$0x18100] =	vst v63  }
0x86: {  	s31 =	simm.s32 $0xA900  }
0x87: {  	[tilespmem:s31], [sflag:$0x1] =	stream.indirect_vreg.gather [hbm4b:s3+s2], $0x80, v3, vm0, $0xb8;
	[tilespmem:$0x18100] =	vst v63  }
0x88: {  	s31 =	simm.s32 $0xB100  }
0x89: {  	[tilespmem:s31], [sflag:$0x1] =	stream.indirect_vreg.gather [hbm4b:s6+s2], $0x80, v3, vm0, $0xb8;
	[tilespmem:$0x18100] =	vst v63  }
0x8a: {  	s31 =	simm.s32 $0xB900  }
0x8b: {  	[tilespmem:s31], [sflag:$0x1] =	stream.indirect_vreg.gather [hbm4b:s7+s2], $0x80, v3, vm0, $0xb8;
	[tilespmem:$0x18100] =	vst v63  }
0x8c: {  	v3 =	vld [tilespmem:$0xA0];
	_ =	sdelay $0x4  }
0x8d: {  	v4 =	vshrl.u32 v3, $0x3  }
0x8e: {  	v4 =	vmul.u32 $0x30, v4  }
0x8f: {  	v3 =	vand.u32 $0x7, v3  }
0x90: {  	v3 =	vor.u32 v3, v4  }
0x91: {  	v4 =	vperm.xlane v3, v0;
	_ =	sdelay $0x1  }
0x92: {  	v4 =	vadd.s32 v1, v4;
	_ =	sdelay $0x3  }
0x93: {  	s31 =	simm.s32 $0x12100;
	v3 =	vperm.xlane v3, v2  }
0x94: {  	[tilespmem:s31], [sflag:$0x2] =	stream.indirect_vreg.gather [hbm4b:s3+s2], $0x80, v4, vm0, $0xb8;
	[tilespmem:$0x18100] =	vst v63  }
0x95: {  	v3 =	vadd.s32 v1, v3  }
0x96: {  	[tilespmem:s1], [sflag:$0x2] =	stream.indirect_vreg.gather [hbm4b:s6+s2], $0x80, v4, vm0, $0xb8;
	[tilespmem:$0x18100] =	vst v63  }
0x97: {  	_ = 	snop  }
0x98: {  	[tilespmem:s11], [sflag:$0x2] =	stream.indirect_vreg.gather [hbm4b:s7+s2], $0x80, v4, vm0, $0xb8;
	[tilespmem:$0x18100] =	vst v63  }
0x99: {  	_ = 	snop  }
0x9a: {  	[tilespmem:s15], [sflag:$0x2] =	stream.indirect_vreg.gather [hbm4b:s3+s2], $0x80, v3, vm0, $0xb8;
	[tilespmem:$0x18100] =	vst v63  }
0x9b: {  	_ = 	snop  }
0x9c: {  	[tilespmem:s16], [sflag:$0x2] =	stream.indirect_vreg.gather [hbm4b:s6+s2], $0x80, v3, vm0, $0xb8;
	[tilespmem:$0x18100] =	vst v63  }
0x9d: {  	_ = 	snop  }
0x9e: {  	[tilespmem:s17], [sflag:$0x2] =	stream.indirect_vreg.gather [hbm4b:s7+s2], $0x80, v3, vm0, $0xb8;
	[tilespmem:$0x18100] =	vst v63  }
0x9f: {  	v3 =	vld [tilespmem:$0xB0];
	_ =	sdelay $0x4  }
0xa0: {  	v4 =	vshrl.u32 v3, $0x3  }
0xa1: {  	v4 =	vmul.u32 $0x30, v4  }
0xa2: {  	v3 =	vand.u32 $0x7, v3  }
0xa3: {  	v3 =	vor.u32 v3, v4  }
0xa4: {  	v4 =	vperm.xlane v3, v0;
	_ =	sdelay $0x1  }
0xa5: {  	v4 =	vadd.s32 v1, v4;
	_ =	sdelay $0x3  }
0xa6: {  	v3 =	vperm.xlane v3, v2  }
0xa7: {  	[tilespmem:s18], [sflag:$0x2] =	stream.indirect_vreg.gather [hbm4b:s3+s2], $0x80, v4, vm0, $0xb8;
	[tilespmem:$0x18100] =	vst v63  }
0xa8: {  	v3 =	vadd.s32 v1, v3  }
0xa9: {  	[tilespmem:s20], [sflag:$0x2] =	stream.indirect_vreg.gather [hbm4b:s6+s2], $0x80, v4, vm0, $0xb8;
	[tilespmem:$0x18100] =	vst v63  }
0xaa: {  	_ = 	snop  }
0xab: {  	[tilespmem:s21], [sflag:$0x2] =	stream.indirect_vreg.gather [hbm4b:s7+s2], $0x80, v4, vm0, $0xb8;
	[tilespmem:$0x18100] =	vst v63  }
0xac: {  	_ = 	snop  }
0xad: {  	[tilespmem:s22], [sflag:$0x2] =	stream.indirect_vreg.gather [hbm4b:s3+s2], $0x80, v3, vm0, $0xb8;
	[tilespmem:$0x18100] =	vst v63  }
0xae: {  	_ = 	snop  }
0xaf: {  	[tilespmem:s23], [sflag:$0x2] =	stream.indirect_vreg.gather [hbm4b:s6+s2], $0x80, v3, vm0, $0xb8;
	[tilespmem:$0x18100] =	vst v63  }
0xb0: {  	_ = 	snop  }
0xb1: {  	[tilespmem:s24], [sflag:$0x2] =	stream.indirect_vreg.gather [hbm4b:s7+s2], $0x80, v3, vm0, $0xb8;
	[tilespmem:$0x18100] =	vst v63  }
0xb2: {  	_ =	swait.ge [sflag:s12], $0x6000  }
0xb3: {  	[sflag:s12] =	ssyncset.done $0x0  }
0xb4: {  	s28 =	simm.s32 $0x0;
	[sflag:s12] =	ssyncadd.s32 $0xFFFFA000  }
0xb5: {  	s28 =	smul.u32 $0x1800, s28;
	_ =	swait.ge [sflag:s13], $0x6000  }
0xb6: {  	s29 =	sand.u32 $0x380, s2;
	[sflag:s13] =	ssyncset.done $0x0  }
0xb7: {  	s28 =	sor.u32 s29, s28;
	[sflag:s13] =	ssyncadd.s32 $0xFFFFA000  }
0xb8: {  	v12 =	vld [tilespmem:s28+$0xC100]  }
0xb9: {  	v13 =	vld [tilespmem:s28+$0xC110]  }
0xba: {  	v14 =	vld [tilespmem:s28+$0xC120]  }
0xbb: {  	v15 =	vld [tilespmem:s28+$0xC130]  }
0xbc: {  	v16 =	vld [tilespmem:s28+$0xC140]  }
0xbd: {  	v17 =	vld [tilespmem:s28+$0xC150]  }
0xbe: {  	v18 =	vld [tilespmem:s28+$0xC160]  }
0xbf: {  	v19 =	vld [tilespmem:s28+$0xC170]  }
0xc0: {  	v20 =	vld [tilespmem:s28+$0xC500]  }
0xc1: {  	v21 =	vld [tilespmem:s28+$0xC510]  }
0xc2: {  	v22 =	vld [tilespmem:s28+$0xC520]  }
0xc3: {  	v23 =	vld [tilespmem:s28+$0xC530]  }
0xc4: {  	v24 =	vld [tilespmem:s28+$0xC540]  }
0xc5: {  	v25 =	vld [tilespmem:s28+$0xC550]  }
0xc6: {  	v26 =	vld [tilespmem:s28+$0xC560]  }
0xc7: {  	v27 =	vld [tilespmem:s28+$0xC570]  }
0xc8: {  	v28 =	vld [tilespmem:s28+$0xC900]  }
0xc9: {  	v29 =	vld [tilespmem:s28+$0xC910]  }
0xca: {  	v30 =	vld [tilespmem:s28+$0xC920]  }
0xcb: {  	v31 =	vld [tilespmem:s28+$0xC930]  }
0xcc: {  	v32 =	vld [tilespmem:s28+$0xC940]  }
0xcd: {  	v33 =	vld [tilespmem:s28+$0xC950]  }
0xce: {  	v34 =	vld [tilespmem:s28+$0xC960]  }
0xcf: {  	v35 =	vld [tilespmem:s28+$0xC970]  }
0xd0: {  	v36 =	vld [tilespmem:s28+$0xCD00]  }
0xd1: {  	v37 =	vld [tilespmem:s28+$0xCD10]  }
0xd2: {  	v38 =	vld [tilespmem:s28+$0xCD20]  }
0xd3: {  	v39 =	vld [tilespmem:s28+$0xCD30]  }
0xd4: {  	v40 =	vld [tilespmem:s28+$0xCD40]  }
0xd5: {  	v41 =	vld [tilespmem:s28+$0xCD50]  }
0xd6: {  	v42 =	vld [tilespmem:s28+$0xCD60]  }
0xd7: {  	v43 =	vld [tilespmem:s28+$0xCD70]  }
0xd8: {  	v44 =	vld [tilespmem:s28+$0xD100]  }
0xd9: {  	v45 =	vld [tilespmem:s28+$0xD110]  }
0xda: {  	v46 =	vld [tilespmem:s28+$0xD120]  }
0xdb: {  	v47 =	vld [tilespmem:s28+$0xD130]  }
0xdc: {  	v48 =	vld [tilespmem:s28+$0xD140]  }
0xdd: {  	v49 =	vld [tilespmem:s28+$0xD150]  }
0xde: {  	v50 =	vld [tilespmem:s28+$0xD160]  }
0xdf: {  	v11 =	vld [tilespmem:s28+$0xD170]  }
0xe0: {  	v10 =	vld [tilespmem:s28+$0xD500]  }
0xe1: {  	v9 =	vld [tilespmem:s28+$0xD510]  }
0xe2: {  	v8 =	vld [tilespmem:s28+$0xD520]  }
0xe3: {  	v7 =	vld [tilespmem:s28+$0xD530]  }
0xe4: {  	v6 =	vld [tilespmem:s28+$0xD540]  }
0xe5: {  	v51 =	vld [tilespmem:s28+$0x100]  }
0xe6: {  	v52 =	vld [tilespmem:s28+$0x110]  }
0xe7: {  	v53 =	vld [tilespmem:s28+$0x120]  }
0xe8: {  	v54 =	vld [tilespmem:s28+$0x130]  }
0xe9: {  	v55 =	vld [tilespmem:s28+$0x140]  }
0xea: {  	v62 =	vld [tilespmem:s28+$0x150];
	v12 =	vadd.f32 v12, v51  }
0xeb: {  	v63 =	vld [tilespmem:s28+$0x160];
	v13 =	vadd.f32 v13, v52  }
0xec: {  	[tilespmem:s28+$0x100] =	vst v12;
	v12 =	vadd.f32 v14, v53;
	v14 =	vld [tilespmem:s28+$0x170]  }
0xed: {  	[tilespmem:s28+$0x110] =	vst v13;
	v13 =	vadd.f32 v15, v54;
	v15 =	vld [tilespmem:s28+$0x500]  }
0xee: {  	[tilespmem:s28+$0x120] =	vst v12;
	v12 =	vadd.f32 v16, v55;
	v16 =	vld [tilespmem:s28+$0x510]  }
0xef: {  	[tilespmem:s28+$0x130] =	vst v13;
	v13 =	vadd.f32 v17, v62;
	v17 =	vld [tilespmem:s28+$0x520]  }
0xf0: {  	v5 =	vld [tilespmem:s28+$0xD550]  }
0xf1: {  	[tilespmem:s28+$0x140] =	vst v12;
	v12 =	vadd.f32 v18, v63;
	v18 =	vld [tilespmem:s28+$0x570]  }
0xf2: {  	[tilespmem:s28+$0x150] =	vst v13;
	v13 =	vadd.f32 v19, v14;
	v14 =	vld [tilespmem:s28+$0x530]  }
0xf3: {  	[tilespmem:s28+$0x160] =	vst v12;
	v12 =	vadd.f32 v20, v15;
	v15 =	vld [tilespmem:s28+$0x540]  }
0xf4: {  	[tilespmem:s28+$0x170] =	vst v13;
	v13 =	vadd.f32 v21, v16;
	v16 =	vadd.f32 v22, v17;
	v17 =	vld [tilespmem:s28+$0x560]  }
0xf5: {  	[tilespmem:s28+$0x500] =	vst v12;
	v12 =	vld [tilespmem:s28+$0x550]  }
0xf6: {  	[tilespmem:s28+$0x510] =	vst v13;
	v13 =	vld [tilespmem:s28+$0x900];
	v18 =	vadd.f32 v27, v18  }
0xf7: {  	[tilespmem:s28+$0x520] =	vst v16;
	v16 =	vld [tilespmem:s28+$0x910];
	v14 =	vadd.f32 v23, v14  }
0xf8: {  	v4 =	vld [tilespmem:s28+$0xD560];
	v15 =	vadd.f32 v24, v15;
	[tilespmem:s28+$0x570] =	vst v18  }
0xf9: {  	[tilespmem:s28+$0x530] =	vst v14;
	v14 =	vld [tilespmem:s28+$0x920];
	v17 =	vadd.f32 v26, v17  }
0xfa: {  	v12 =	vadd.f32 v25, v12;
	[tilespmem:s28+$0x540] =	vst v15;
	v15 =	vld [tilespmem:s28+$0x930]  }
0xfb: {  	v18 =	vld [tilespmem:s28+$0x970];
	[tilespmem:s28+$0x560] =	vst v17;
	v13 =	vadd.f32 v28, v13  }
0xfc: {  	v16 =	vadd.f32 v29, v16;
	[tilespmem:s28+$0x550] =	vst v12;
	v12 =	vld [tilespmem:s28+$0x940]  }
0xfd: {  	v17 =	vld [tilespmem:s28+$0x950];
	[tilespmem:s28+$0x900] =	vst v13  }
0xfe: {  	[tilespmem:s28+$0x910] =	vst v16;
	v16 =	vld [tilespmem:s28+$0x960];
	v13 =	vadd.f32 v30, v14  }
0xff: {  	v14 =	vld [tilespmem:s28+$0xD00];
	v15 =	vadd.f32 v31, v15  }
0x100: {  	[tilespmem:s28+$0x920] =	vst v13;
	v13 =	vld [tilespmem:s28+$0xD10]  }
0x101: {  	v12 =	vadd.f32 v32, v12;
	[tilespmem:s28+$0x930] =	vst v15;
	v15 =	vld [tilespmem:s28+$0xD20]  }
0x102: {  	v3 =	vld [tilespmem:s28+$0xD570];
	v17 =	vadd.f32 v33, v17  }
0x103: {  	v16 =	vadd.f32 v34, v16;
	[tilespmem:s28+$0x940] =	vst v12;
	v12 =	vld [tilespmem:s28+$0xD30]  }
0x104: {  	[tilespmem:s28+$0x950] =	vst v17;
	v17 =	vld [tilespmem:s28+$0xD40];
	v14 =	vadd.f32 v36, v14  }
0x105: {  	v18 =	vadd.f32 v35, v18;
	[tilespmem:s28+$0x960] =	vst v16;
	v16 =	vld [tilespmem:s28+$0xD50]  }
0x106: {  	v13 =	vadd.f32 v37, v13;
	[tilespmem:s28+$0xD00] =	vst v14;
	v14 =	vadd.f32 v38, v15;
	v15 =	vld [tilespmem:s28+$0xD60]  }
0x107: {  	[tilespmem:s28+$0x970] =	vst v18;
	v18 =	vld [tilespmem:s28+$0xD70]  }
0x108: {  	[tilespmem:s28+$0xD10] =	vst v13;
	v13 =	vld [tilespmem:s28+$0x1100];
	v12 =	vadd.f32 v39, v12  }
0x109: {  	v17 =	vadd.f32 v40, v17;
	[tilespmem:s28+$0xD20] =	vst v14;
	v14 =	vld [tilespmem:s28+$0x1110]  }
0x10a: {  	v16 =	vadd.f32 v41, v16;
	[tilespmem:s28+$0xD30] =	vst v12;
	v12 =	vld [tilespmem:s28+$0x1120]  }
0x10b: {  	[tilespmem:s28+$0xD40] =	vst v17;
	v17 =	vld [tilespmem:s28+$0x1130];
	v15 =	vadd.f32 v42, v15  }
0x10c: {  	v19 =	vld [tilespmem:s28+$0x1140];
	[tilespmem:s28+$0xD50] =	vst v16;
	v16 =	vadd.f32 v43, v18  }
0x10d: {  	v18 =	vld [tilespmem:s28+$0x1150];
	v13 =	vadd.f32 v44, v13;
	[tilespmem:s28+$0xD60] =	vst v15  }
0x10e: {  	v20 =	vld [tilespmem:s28+$0x1160];
	[tilespmem:s28+$0xD70] =	vst v16;
	v14 =	vadd.f32 v45, v14  }
0x10f: {  	v16 =	vld [tilespmem:s28+$0x1170];
	[tilespmem:s28+$0x1100] =	vst v13;
	v12 =	vadd.f32 v46, v12  }
0x110: {  	v15 =	vld [tilespmem:s28+$0x1500];
	v13 =	vadd.f32 v47, v17;
	[tilespmem:s28+$0x1110] =	vst v14  }
0x111: {  	v14 =	vld [tilespmem:s28+$0x1510];
	[tilespmem:s28+$0x1120] =	vst v12;
	v12 =	vadd.f32 v48, v19  }
0x112: {  	[tilespmem:s28+$0x1130] =	vst v13;
	v13 =	vld [tilespmem:s28+$0x1520];
	v18 =	vadd.f32 v49, v18  }
0x113: {  	s30 =	simm.s32 $0x0;
	s29 =	simm.s32 $0x1;
	v17 =	vadd.f32 v50, v20;
	[tilespmem:s28+$0x1140] =	vst v12;
	v12 =	vld [tilespmem:s28+$0x1530]  }
.LBB2_2:
0x114: {  	s31 =	sshrl.u32 s29, $0x3;
	p0 =	sne.s32 s29, $0x1F;
	[tilespmem:s28+$0x1150] =	vst v18;
	v11 =	vadd.f32 v11, v16;
	v16 =	vld [tilespmem:s28+$0x1540]  }
0x115: {  	s30 =	sadd.s32 $0x80, s30;
	s31 =	smul.u32 $0x1800, s31;
	[tilespmem:s28+$0x1160] =	vst v17;
	v10 =	vadd.f32 v10, v15;
	v15 =	vld [tilespmem:s28+$0x1550]  }
0x116: {  	s0 =	sand.u32 $0x380, s30;
	[tilespmem:s28+$0x1170] =	vst v11;
	v9 =	vadd.f32 v9, v14;
	v11 =	vld [tilespmem:s28+$0x1560]  }
0x117: {  	s0 =	sor.u32 s0, s31;
	[tilespmem:s28+$0x1500] =	vst v10;
	v8 =	vadd.f32 v8, v13;
	v10 =	vld [tilespmem:s28+$0x1570]  }
0x118: {  	v39 =	vld [tilespmem:s0+$0xC100];
	[tilespmem:s28+$0x1510] =	vst v9;
	v7 =	vadd.f32 v7, v12  }
0x119: {  	v40 =	vld [tilespmem:s0+$0xC110];
	[tilespmem:s28+$0x1520] =	vst v8;
	v6 =	vadd.f32 v6, v16  }
0x11a: {  	v41 =	vld [tilespmem:s0+$0xC120];
	[tilespmem:s28+$0x1530] =	vst v7;
	v5 =	vadd.f32 v5, v15  }
0x11b: {  	v42 =	vld [tilespmem:s0+$0xC130];
	[tilespmem:s28+$0x1540] =	vst v6;
	v4 =	vadd.f32 v4, v11  }
0x11c: {  	v43 =	vld [tilespmem:s0+$0xC140];
	[tilespmem:s28+$0x1550] =	vst v5;
	v3 =	vadd.f32 v3, v10  }
0x11d: {  	v44 =	vld [tilespmem:s0+$0xC150];
	[tilespmem:s28+$0x1560] =	vst v4  }
0x11e: {  	v45 =	vld [tilespmem:s0+$0xC160];
	[tilespmem:s28+$0x1570] =	vst v3;
	s28 =	smov.u32 s0  }
0x11f: {  	v46 =	vld [tilespmem:s28+$0xC170]  }
0x120: {  	v47 =	vld [tilespmem:s28+$0xC500]  }
0x121: {  	v48 =	vld [tilespmem:s28+$0xC510]  }
0x122: {  	v49 =	vld [tilespmem:s28+$0xC520]  }
0x123: {  	v50 =	vld [tilespmem:s28+$0xC530]  }
0x124: {  	v38 =	vld [tilespmem:s28+$0xC540]  }
0x125: {  	v37 =	vld [tilespmem:s28+$0xC550]  }
0x126: {  	v36 =	vld [tilespmem:s28+$0xC560]  }
0x127: {  	v35 =	vld [tilespmem:s28+$0xC570]  }
0x128: {  	v34 =	vld [tilespmem:s28+$0xC900]  }
0x129: {  	v33 =	vld [tilespmem:s28+$0xC910]  }
0x12a: {  	v32 =	vld [tilespmem:s28+$0xC920]  }
0x12b: {  	v31 =	vld [tilespmem:s28+$0xC930]  }
0x12c: {  	v30 =	vld [tilespmem:s28+$0xC940]  }
0x12d: {  	v29 =	vld [tilespmem:s28+$0xC950]  }
0x12e: {  	v28 =	vld [tilespmem:s28+$0xC960]  }
0x12f: {  	v27 =	vld [tilespmem:s28+$0xC970]  }
0x130: {  	v26 =	vld [tilespmem:s28+$0xCD00]  }
0x131: {  	v25 =	vld [tilespmem:s28+$0xCD10]  }
0x132: {  	v24 =	vld [tilespmem:s28+$0xCD20]  }
0x133: {  	v23 =	vld [tilespmem:s28+$0xCD30]  }
0x134: {  	v22 =	vld [tilespmem:s28+$0xCD40]  }
0x135: {  	v21 =	vld [tilespmem:s28+$0xCD50]  }
0x136: {  	v20 =	vld [tilespmem:s28+$0xCD60]  }
0x137: {  	v19 =	vld [tilespmem:s28+$0xCD70]  }
0x138: {  	v18 =	vld [tilespmem:s28+$0xD100]  }
0x139: {  	v17 =	vld [tilespmem:s28+$0xD110]  }
0x13a: {  	v16 =	vld [tilespmem:s28+$0xD120]  }
0x13b: {  	v15 =	vld [tilespmem:s28+$0xD130]  }
0x13c: {  	v14 =	vld [tilespmem:s28+$0xD140]  }
0x13d: {  	v13 =	vld [tilespmem:s28+$0xD150]  }
0x13e: {  	v12 =	vld [tilespmem:s28+$0xD160]  }
0x13f: {  	v11 =	vld [tilespmem:s28+$0xD170]  }
0x140: {  	v10 =	vld [tilespmem:s28+$0xD500]  }
0x141: {  	v9 =	vld [tilespmem:s28+$0xD510]  }
0x142: {  	v8 =	vld [tilespmem:s28+$0xD520]  }
0x143: {  	v7 =	vld [tilespmem:s28+$0xD530]  }
0x144: {  	v6 =	vld [tilespmem:s28+$0xD540]  }
0x145: {  	v5 =	vld [tilespmem:s28+$0xD550]  }
0x146: {  	v4 =	vld [tilespmem:s28+$0xD560]  }
0x147: {  	v3 =	vld [tilespmem:s28+$0xD570]  }
0x148: {  	v51 =	vld [tilespmem:s28+$0x100]  }
0x149: {  	v52 =	vld [tilespmem:s28+$0x110]  }
0x14a: {  	v53 =	vld [tilespmem:s28+$0x120]  }
0x14b: {  	v54 =	vld [tilespmem:s28+$0x130]  }
0x14c: {  	v55 =	vld [tilespmem:s28+$0x140]  }
0x14d: {  	v39 =	vadd.f32 v39, v51;
	v51 =	vld [tilespmem:s28+$0x150]  }
0x14e: {  	v40 =	vadd.f32 v40, v52;
	v52 =	vld [tilespmem:s28+$0x160]  }
0x14f: {  	[tilespmem:s28+$0x100] =	vst v39;
	v39 =	vadd.f32 v41, v53;
	v41 =	vld [tilespmem:s28+$0x170]  }
0x150: {  	[tilespmem:s28+$0x110] =	vst v40;
	v40 =	vadd.f32 v42, v54;
	v42 =	vld [tilespmem:s28+$0x500]  }
0x151: {  	[tilespmem:s28+$0x120] =	vst v39;
	v39 =	vadd.f32 v43, v55;
	v43 =	vld [tilespmem:s28+$0x510]  }
0x152: {  	[tilespmem:s28+$0x130] =	vst v40;
	v40 =	vadd.f32 v44, v51;
	v44 =	vld [tilespmem:s28+$0x520]  }
0x153: {  	[tilespmem:s28+$0x140] =	vst v39;
	v39 =	vadd.f32 v45, v52;
	v45 =	vld [tilespmem:s28+$0x530]  }
0x154: {  	[tilespmem:s28+$0x150] =	vst v40;
	v40 =	vadd.f32 v46, v41;
	v41 =	vld [tilespmem:s28+$0x540]  }
0x155: {  	[tilespmem:s28+$0x160] =	vst v39;
	v39 =	vadd.f32 v47, v42;
	v42 =	vld [tilespmem:s28+$0x550]  }
0x156: {  	[tilespmem:s28+$0x170] =	vst v40;
	v40 =	vadd.f32 v48, v43;
	v43 =	vld [tilespmem:s28+$0x560]  }
0x157: {  	[tilespmem:s28+$0x500] =	vst v39;
	v39 =	vadd.f32 v49, v44;
	v44 =	vld [tilespmem:s28+$0x570]  }
0x158: {  	[tilespmem:s28+$0x510] =	vst v40;
	v40 =	vadd.f32 v50, v45;
	v45 =	vld [tilespmem:s28+$0x900]  }
0x159: {  	[tilespmem:s28+$0x520] =	vst v39;
	v38 =	vadd.f32 v38, v41;
	v39 =	vld [tilespmem:s28+$0x910]  }
0x15a: {  	[tilespmem:s28+$0x530] =	vst v40;
	v37 =	vadd.f32 v37, v42;
	v40 =	vld [tilespmem:s28+$0x920]  }
0x15b: {  	[tilespmem:s28+$0x540] =	vst v38;
	v36 =	vadd.f32 v36, v43;
	v38 =	vld [tilespmem:s28+$0x930]  }
0x15c: {  	[tilespmem:s28+$0x550] =	vst v37;
	v35 =	vadd.f32 v35, v44;
	v37 =	vld [tilespmem:s28+$0x940]  }
0x15d: {  	[tilespmem:s28+$0x560] =	vst v36;
	v34 =	vadd.f32 v34, v45;
	v36 =	vld [tilespmem:s28+$0x950]  }
0x15e: {  	[tilespmem:s28+$0x570] =	vst v35;
	v33 =	vadd.f32 v33, v39;
	v35 =	vld [tilespmem:s28+$0x960]  }
0x15f: {  	[tilespmem:s28+$0x900] =	vst v34;
	v32 =	vadd.f32 v32, v40;
	v34 =	vld [tilespmem:s28+$0x970]  }
0x160: {  	[tilespmem:s28+$0x910] =	vst v33;
	v31 =	vadd.f32 v31, v38;
	v33 =	vld [tilespmem:s28+$0xD00]  }
0x161: {  	[tilespmem:s28+$0x920] =	vst v32;
	v30 =	vadd.f32 v30, v37;
	v32 =	vld [tilespmem:s28+$0xD10]  }
0x162: {  	[tilespmem:s28+$0x930] =	vst v31;
	v29 =	vadd.f32 v29, v36;
	v31 =	vld [tilespmem:s28+$0xD20]  }
0x163: {  	[tilespmem:s28+$0x940] =	vst v30;
	v28 =	vadd.f32 v28, v35;
	v30 =	vld [tilespmem:s28+$0xD30]  }
0x164: {  	[tilespmem:s28+$0x950] =	vst v29;
	v27 =	vadd.f32 v27, v34;
	v29 =	vld [tilespmem:s28+$0xD40]  }
0x165: {  	[tilespmem:s28+$0x960] =	vst v28;
	v26 =	vadd.f32 v26, v33;
	v28 =	vld [tilespmem:s28+$0xD50]  }
0x166: {  	[tilespmem:s28+$0x970] =	vst v27;
	v25 =	vadd.f32 v25, v32;
	v27 =	vld [tilespmem:s28+$0xD60]  }
0x167: {  	[tilespmem:s28+$0xD00] =	vst v26;
	v24 =	vadd.f32 v24, v31;
	v26 =	vld [tilespmem:s28+$0xD70]  }
0x168: {  	[tilespmem:s28+$0xD10] =	vst v25;
	v23 =	vadd.f32 v23, v30;
	v25 =	vld [tilespmem:s28+$0x1100]  }
0x169: {  	[tilespmem:s28+$0xD20] =	vst v24;
	v22 =	vadd.f32 v22, v29;
	v24 =	vld [tilespmem:s28+$0x1110]  }
0x16a: {  	[tilespmem:s28+$0xD30] =	vst v23;
	v21 =	vadd.f32 v21, v28;
	v23 =	vld [tilespmem:s28+$0x1120]  }
0x16b: {  	[tilespmem:s28+$0xD40] =	vst v22;
	v20 =	vadd.f32 v20, v27;
	v22 =	vld [tilespmem:s28+$0x1130]  }
0x16c: {  	[tilespmem:s28+$0xD50] =	vst v21;
	v19 =	vadd.f32 v19, v26;
	v21 =	vld [tilespmem:s28+$0x1140]  }
0x16d: {  	[tilespmem:s28+$0xD60] =	vst v20;
	v18 =	vadd.f32 v18, v25;
	v20 =	vld [tilespmem:s28+$0x1150]  }
0x16e: {  	[tilespmem:s28+$0xD70] =	vst v19;
	v17 =	vadd.f32 v17, v24;
	v19 =	vld [tilespmem:s28+$0x1160]  }
.Ltmp0:
0x16f: {  	[tilespmem:s28+$0x1100] =	vst v18;
	v18 =	vadd.f32 v16, v23;
	v16 =	vld [tilespmem:s28+$0x1170];
	(pc) =	sbr.rel @p0 .LBB2_2-.Ltmp0, $4  }
0x170: {  	[tilespmem:s28+$0x1110] =	vst v17;
	v17 =	vadd.f32 v15, v22;
	v15 =	vld [tilespmem:s28+$0x1500]  }
0x171: {  	[tilespmem:s28+$0x1120] =	vst v18;
	v21 =	vadd.f32 v14, v21;
	v14 =	vld [tilespmem:s28+$0x1510]  }
0x172: {  	[tilespmem:s28+$0x1130] =	vst v17;
	v18 =	vadd.f32 v13, v20;
	v13 =	vld [tilespmem:s28+$0x1520]  }
0x173: {  	s29 =	sadd.s32 $0x1, s29;
	[tilespmem:s28+$0x1140] =	vst v21;
	v17 =	vadd.f32 v12, v19;
	v12 =	vld [tilespmem:s28+$0x1530]  }
0x174: {  	[tilespmem:s28+$0x1150] =	vst v18;
	v18 =	vld [tilespmem:s28+$0x1540];
	v11 =	vadd.f32 v11, v16  }
0x175: {  	v16 =	vld [tilespmem:s28+$0x1550];
	[tilespmem:s28+$0x1160] =	vst v17;
	v10 =	vadd.f32 v10, v15  }
0x176: {  	[tilespmem:s28+$0x1170] =	vst v11;
	v9 =	vadd.f32 v9, v14;
	v11 =	vld [tilespmem:s28+$0x1560]  }
0x177: {  	[tilespmem:s28+$0x1500] =	vst v10;
	v8 =	vadd.f32 v8, v13;
	v10 =	vld [tilespmem:s28+$0x1570]  }
0x178: {  	[tilespmem:s28+$0x1510] =	vst v9;
	v7 =	vadd.f32 v7, v12  }
0x179: {  	[tilespmem:s28+$0x1520] =	vst v8;
	v6 =	vadd.f32 v6, v18  }
0x17a: {  	v5 =	vadd.f32 v5, v16;
	[tilespmem:s28+$0x1530] =	vst v7  }
0x17b: {  	[tilespmem:s28+$0x1540] =	vst v6;
	v4 =	vadd.f32 v4, v11  }
0x17c: {  	[tilespmem:s28+$0x1550] =	vst v5;
	v3 =	vadd.f32 v3, v10  }
0x17d: {  	[tilespmem:s28+$0x1560] =	vst v4  }
0x17e: {  	[tilespmem:s28+$0x1570] =	vst v3  }
0x17f: {  	[hbm4b:s8+s2] =	stream.linear.scatter [tilespmem:s14], [sflag:$0x3], $0x6000, $0x38;
	[tilespmem:$0x18100] =	vst v63  }
0x180: {  	_ =	swait.ge [sflag:s12], $0x6000  }
0x181: {  	[sflag:s12] =	ssyncset.done $0x0  }
0x182: {  	s0 =	simm.s32 $0x4;
	[sflag:s12] =	ssyncadd.s32 $0xFFFFA000  }
0x183: {  	s29 =	simm.s32 $0x1000;
	s0 =	smul.u32 $0x1800, s0;
	_ =	swait.ge [sflag:s13], $0x6000  }
0x184: {  	s28 =	sand.u32 $0x380, s29;
	[sflag:s13] =	ssyncset.done $0x0  }
0x185: {  	s28 =	sor.u32 s28, s0;
	[sflag:s13] =	ssyncadd.s32 $0xFFFFA000  }
0x186: {  	v12 =	vld [tilespmem:s28+$0xC100]  }
0x187: {  	v13 =	vld [tilespmem:s28+$0xC110]  }
0x188: {  	v14 =	vld [tilespmem:s28+$0xC120]  }
0x189: {  	v15 =	vld [tilespmem:s28+$0xC130]  }
0x18a: {  	v16 =	vld [tilespmem:s28+$0xC140]  }
0x18b: {  	v17 =	vld [tilespmem:s28+$0xC150]  }
0x18c: {  	v18 =	vld [tilespmem:s28+$0xC160]  }
0x18d: {  	v19 =	vld [tilespmem:s28+$0xC170]  }
0x18e: {  	v20 =	vld [tilespmem:s28+$0xC500]  }
0x18f: {  	v21 =	vld [tilespmem:s28+$0xC510]  }
0x190: {  	v22 =	vld [tilespmem:s28+$0xC520]  }
0x191: {  	v23 =	vld [tilespmem:s28+$0xC530]  }
0x192: {  	v24 =	vld [tilespmem:s28+$0xC540]  }
0x193: {  	v25 =	vld [tilespmem:s28+$0xC550]  }
0x194: {  	v26 =	vld [tilespmem:s28+$0xC560]  }
0x195: {  	v27 =	vld [tilespmem:s28+$0xC570]  }
0x196: {  	v28 =	vld [tilespmem:s28+$0xC900]  }
0x197: {  	v29 =	vld [tilespmem:s28+$0xC910]  }
0x198: {  	v30 =	vld [tilespmem:s28+$0xC920]  }
0x199: {  	v31 =	vld [tilespmem:s28+$0xC930]  }
0x19a: {  	v32 =	vld [tilespmem:s28+$0xC940]  }
0x19b: {  	v33 =	vld [tilespmem:s28+$0xC950]  }
0x19c: {  	v34 =	vld [tilespmem:s28+$0xC960]  }
0x19d: {  	v35 =	vld [tilespmem:s28+$0xC970]  }
0x19e: {  	v36 =	vld [tilespmem:s28+$0xCD00]  }
0x19f: {  	v37 =	vld [tilespmem:s28+$0xCD10]  }
0x1a0: {  	v38 =	vld [tilespmem:s28+$0xCD20]  }
0x1a1: {  	v39 =	vld [tilespmem:s28+$0xCD30]  }
0x1a2: {  	v40 =	vld [tilespmem:s28+$0xCD40]  }
0x1a3: {  	v41 =	vld [tilespmem:s28+$0xCD50]  }
0x1a4: {  	v42 =	vld [tilespmem:s28+$0xCD60]  }
0x1a5: {  	v43 =	vld [tilespmem:s28+$0xCD70]  }
0x1a6: {  	v44 =	vld [tilespmem:s28+$0xD100]  }
0x1a7: {  	v45 =	vld [tilespmem:s28+$0xD110]  }
0x1a8: {  	v46 =	vld [tilespmem:s28+$0xD120]  }
0x1a9: {  	v47 =	vld [tilespmem:s28+$0xD130]  }
0x1aa: {  	v48 =	vld [tilespmem:s28+$0xD140]  }
0x1ab: {  	v49 =	vld [tilespmem:s28+$0xD150]  }
0x1ac: {  	v50 =	vld [tilespmem:s28+$0xD160]  }
0x1ad: {  	v11 =	vld [tilespmem:s28+$0xD170]  }
0x1ae: {  	v10 =	vld [tilespmem:s28+$0xD500]  }
0x1af: {  	v9 =	vld [tilespmem:s28+$0xD510]  }
0x1b0: {  	v8 =	vld [tilespmem:s28+$0xD520]  }
0x1b1: {  	v7 =	vld [tilespmem:s28+$0xD530]  }
0x1b2: {  	v6 =	vld [tilespmem:s28+$0xD540]  }
0x1b3: {  	v51 =	vld [tilespmem:s28+$0x100]  }
0x1b4: {  	v52 =	vld [tilespmem:s28+$0x110]  }
0x1b5: {  	v53 =	vld [tilespmem:s28+$0x120]  }
0x1b6: {  	v54 =	vld [tilespmem:s28+$0x130]  }
0x1b7: {  	v55 =	vld [tilespmem:s28+$0x140]  }
0x1b8: {  	v62 =	vld [tilespmem:s28+$0x150];
	v12 =	vadd.f32 v12, v51  }
0x1b9: {  	v63 =	vld [tilespmem:s28+$0x160];
	v13 =	vadd.f32 v13, v52  }
0x1ba: {  	[tilespmem:s28+$0x100] =	vst v12;
	v12 =	vadd.f32 v14, v53;
	v14 =	vld [tilespmem:s28+$0x170]  }
0x1bb: {  	[tilespmem:s28+$0x110] =	vst v13;
	v13 =	vadd.f32 v15, v54;
	v15 =	vld [tilespmem:s28+$0x500]  }
0x1bc: {  	[tilespmem:s28+$0x120] =	vst v12;
	v12 =	vadd.f32 v16, v55;
	v16 =	vld [tilespmem:s28+$0x510]  }
0x1bd: {  	[tilespmem:s28+$0x130] =	vst v13;
	v13 =	vadd.f32 v17, v62;
	v17 =	vld [tilespmem:s28+$0x520]  }
0x1be: {  	v5 =	vld [tilespmem:s28+$0xD550]  }
0x1bf: {  	[tilespmem:s28+$0x140] =	vst v12;
	v12 =	vadd.f32 v18, v63;
	v18 =	vld [tilespmem:s28+$0x570]  }
0x1c0: {  	[tilespmem:s28+$0x150] =	vst v13;
	v13 =	vadd.f32 v19, v14;
	v14 =	vld [tilespmem:s28+$0x530]  }
0x1c1: {  	[tilespmem:s28+$0x160] =	vst v12;
	v12 =	vadd.f32 v20, v15;
	v15 =	vld [tilespmem:s28+$0x540]  }
0x1c2: {  	[tilespmem:s28+$0x170] =	vst v13;
	v13 =	vadd.f32 v21, v16;
	v16 =	vadd.f32 v22, v17;
	v17 =	vld [tilespmem:s28+$0x560]  }
0x1c3: {  	[tilespmem:s28+$0x500] =	vst v12;
	v12 =	vld [tilespmem:s28+$0x550]  }
0x1c4: {  	[tilespmem:s28+$0x510] =	vst v13;
	v13 =	vld [tilespmem:s28+$0x900];
	v18 =	vadd.f32 v27, v18  }
0x1c5: {  	[tilespmem:s28+$0x520] =	vst v16;
	v16 =	vld [tilespmem:s28+$0x910];
	v14 =	vadd.f32 v23, v14  }
0x1c6: {  	v4 =	vld [tilespmem:s28+$0xD560];
	v15 =	vadd.f32 v24, v15;
	[tilespmem:s28+$0x570] =	vst v18  }
0x1c7: {  	[tilespmem:s28+$0x530] =	vst v14;
	v14 =	vld [tilespmem:s28+$0x920];
	v17 =	vadd.f32 v26, v17  }
0x1c8: {  	v12 =	vadd.f32 v25, v12;
	[tilespmem:s28+$0x540] =	vst v15;
	v15 =	vld [tilespmem:s28+$0x930]  }
0x1c9: {  	v18 =	vld [tilespmem:s28+$0x970];
	[tilespmem:s28+$0x560] =	vst v17;
	v13 =	vadd.f32 v28, v13  }
0x1ca: {  	v16 =	vadd.f32 v29, v16;
	[tilespmem:s28+$0x550] =	vst v12;
	v12 =	vld [tilespmem:s28+$0x940]  }
0x1cb: {  	v17 =	vld [tilespmem:s28+$0x950];
	[tilespmem:s28+$0x900] =	vst v13  }
0x1cc: {  	[tilespmem:s28+$0x910] =	vst v16;
	v16 =	vld [tilespmem:s28+$0x960];
	v13 =	vadd.f32 v30, v14  }
0x1cd: {  	v14 =	vld [tilespmem:s28+$0xD00];
	v15 =	vadd.f32 v31, v15  }
0x1ce: {  	[tilespmem:s28+$0x920] =	vst v13;
	v13 =	vld [tilespmem:s28+$0xD10]  }
0x1cf: {  	v12 =	vadd.f32 v32, v12;
	[tilespmem:s28+$0x930] =	vst v15;
	v15 =	vld [tilespmem:s28+$0xD20]  }
0x1d0: {  	v3 =	vld [tilespmem:s28+$0xD570];
	v17 =	vadd.f32 v33, v17  }
0x1d1: {  	v16 =	vadd.f32 v34, v16;
	[tilespmem:s28+$0x940] =	vst v12;
	v12 =	vld [tilespmem:s28+$0xD30]  }
0x1d2: {  	[tilespmem:s28+$0x950] =	vst v17;
	v17 =	vld [tilespmem:s28+$0xD40];
	v14 =	vadd.f32 v36, v14  }
0x1d3: {  	v18 =	vadd.f32 v35, v18;
	[tilespmem:s28+$0x960] =	vst v16;
	v16 =	vld [tilespmem:s28+$0xD50]  }
0x1d4: {  	v13 =	vadd.f32 v37, v13;
	[tilespmem:s28+$0xD00] =	vst v14;
	v14 =	vadd.f32 v38, v15;
	v15 =	vld [tilespmem:s28+$0xD60]  }
0x1d5: {  	[tilespmem:s28+$0x970] =	vst v18;
	v18 =	vld [tilespmem:s28+$0xD70]  }
0x1d6: {  	[tilespmem:s28+$0xD10] =	vst v13;
	v13 =	vld [tilespmem:s28+$0x1100];
	v12 =	vadd.f32 v39, v12  }
0x1d7: {  	v17 =	vadd.f32 v40, v17;
	[tilespmem:s28+$0xD20] =	vst v14;
	v14 =	vld [tilespmem:s28+$0x1110]  }
0x1d8: {  	v16 =	vadd.f32 v41, v16;
	[tilespmem:s28+$0xD30] =	vst v12;
	v12 =	vld [tilespmem:s28+$0x1120]  }
0x1d9: {  	[tilespmem:s28+$0xD40] =	vst v17;
	v17 =	vld [tilespmem:s28+$0x1130];
	v15 =	vadd.f32 v42, v15  }
0x1da: {  	v19 =	vld [tilespmem:s28+$0x1140];
	[tilespmem:s28+$0xD50] =	vst v16;
	v16 =	vadd.f32 v43, v18  }
0x1db: {  	v18 =	vld [tilespmem:s28+$0x1150];
	v13 =	vadd.f32 v44, v13;
	[tilespmem:s28+$0xD60] =	vst v15  }
0x1dc: {  	v20 =	vld [tilespmem:s28+$0x1160];
	[tilespmem:s28+$0xD70] =	vst v16;
	v14 =	vadd.f32 v45, v14  }
0x1dd: {  	v16 =	vld [tilespmem:s28+$0x1170];
	[tilespmem:s28+$0x1100] =	vst v13;
	v12 =	vadd.f32 v46, v12  }
0x1de: {  	v15 =	vld [tilespmem:s28+$0x1500];
	v13 =	vadd.f32 v47, v17;
	[tilespmem:s28+$0x1110] =	vst v14  }
0x1df: {  	v14 =	vld [tilespmem:s28+$0x1510];
	[tilespmem:s28+$0x1120] =	vst v12;
	v12 =	vadd.f32 v48, v19  }
0x1e0: {  	[tilespmem:s28+$0x1130] =	vst v13;
	v13 =	vld [tilespmem:s28+$0x1520];
	v18 =	vadd.f32 v49, v18  }
0x1e1: {  	s30 =	simm.s32 $0x21;
	v17 =	vadd.f32 v50, v20;
	[tilespmem:s28+$0x1140] =	vst v12;
	v12 =	vld [tilespmem:s28+$0x1530]  }
.LBB2_4:
0x1e2: {  	s0 =	sshrl.u32 s30, $0x3;
	p0 =	sne.s32 s30, $0x3F;
	[tilespmem:s28+$0x1150] =	vst v18;
	v11 =	vadd.f32 v11, v16;
	v16 =	vld [tilespmem:s28+$0x1540]  }
0x1e3: {  	s29 =	sadd.s32 $0x80, s29;
	s0 =	smul.u32 $0x1800, s0;
	[tilespmem:s28+$0x1160] =	vst v17;
	v10 =	vadd.f32 v10, v15;
	v15 =	vld [tilespmem:s28+$0x1550]  }
0x1e4: {  	s31 =	sand.u32 $0x380, s29;
	[tilespmem:s28+$0x1170] =	vst v11;
	v9 =	vadd.f32 v9, v14;
	v11 =	vld [tilespmem:s28+$0x1560]  }
0x1e5: {  	s0 =	sor.u32 s31, s0;
	[tilespmem:s28+$0x1500] =	vst v10;
	v8 =	vadd.f32 v8, v13;
	v10 =	vld [tilespmem:s28+$0x1570]  }
0x1e6: {  	v39 =	vld [tilespmem:s0+$0xC100];
	[tilespmem:s28+$0x1510] =	vst v9;
	v7 =	vadd.f32 v7, v12  }
0x1e7: {  	v40 =	vld [tilespmem:s0+$0xC110];
	[tilespmem:s28+$0x1520] =	vst v8;
	v6 =	vadd.f32 v6, v16  }
0x1e8: {  	v41 =	vld [tilespmem:s0+$0xC120];
	[tilespmem:s28+$0x1530] =	vst v7;
	v5 =	vadd.f32 v5, v15  }
0x1e9: {  	v42 =	vld [tilespmem:s0+$0xC130];
	[tilespmem:s28+$0x1540] =	vst v6;
	v4 =	vadd.f32 v4, v11  }
0x1ea: {  	v43 =	vld [tilespmem:s0+$0xC140];
	[tilespmem:s28+$0x1550] =	vst v5;
	v3 =	vadd.f32 v3, v10  }
0x1eb: {  	v44 =	vld [tilespmem:s0+$0xC150];
	[tilespmem:s28+$0x1560] =	vst v4  }
0x1ec: {  	v45 =	vld [tilespmem:s0+$0xC160];
	[tilespmem:s28+$0x1570] =	vst v3;
	s28 =	smov.u32 s0  }
0x1ed: {  	v46 =	vld [tilespmem:s28+$0xC170]  }
0x1ee: {  	v47 =	vld [tilespmem:s28+$0xC500]  }
0x1ef: {  	v48 =	vld [tilespmem:s28+$0xC510]  }
0x1f0: {  	v49 =	vld [tilespmem:s28+$0xC520]  }
0x1f1: {  	v50 =	vld [tilespmem:s28+$0xC530]  }
0x1f2: {  	v38 =	vld [tilespmem:s28+$0xC540]  }
0x1f3: {  	v37 =	vld [tilespmem:s28+$0xC550]  }
0x1f4: {  	v36 =	vld [tilespmem:s28+$0xC560]  }
0x1f5: {  	v35 =	vld [tilespmem:s28+$0xC570]  }
0x1f6: {  	v34 =	vld [tilespmem:s28+$0xC900]  }
0x1f7: {  	v33 =	vld [tilespmem:s28+$0xC910]  }
0x1f8: {  	v32 =	vld [tilespmem:s28+$0xC920]  }
0x1f9: {  	v31 =	vld [tilespmem:s28+$0xC930]  }
0x1fa: {  	v30 =	vld [tilespmem:s28+$0xC940]  }
0x1fb: {  	v29 =	vld [tilespmem:s28+$0xC950]  }
0x1fc: {  	v28 =	vld [tilespmem:s28+$0xC960]  }
0x1fd: {  	v27 =	vld [tilespmem:s28+$0xC970]  }
0x1fe: {  	v26 =	vld [tilespmem:s28+$0xCD00]  }
0x1ff: {  	v25 =	vld [tilespmem:s28+$0xCD10]  }
0x200: {  	v24 =	vld [tilespmem:s28+$0xCD20]  }
0x201: {  	v23 =	vld [tilespmem:s28+$0xCD30]  }
0x202: {  	v22 =	vld [tilespmem:s28+$0xCD40]  }
0x203: {  	v21 =	vld [tilespmem:s28+$0xCD50]  }
0x204: {  	v20 =	vld [tilespmem:s28+$0xCD60]  }
0x205: {  	v19 =	vld [tilespmem:s28+$0xCD70]  }
0x206: {  	v18 =	vld [tilespmem:s28+$0xD100]  }
0x207: {  	v17 =	vld [tilespmem:s28+$0xD110]  }
0x208: {  	v16 =	vld [tilespmem:s28+$0xD120]  }
0x209: {  	v15 =	vld [tilespmem:s28+$0xD130]  }
0x20a: {  	v14 =	vld [tilespmem:s28+$0xD140]  }
0x20b: {  	v13 =	vld [tilespmem:s28+$0xD150]  }
0x20c: {  	v12 =	vld [tilespmem:s28+$0xD160]  }
0x20d: {  	v11 =	vld [tilespmem:s28+$0xD170]  }
0x20e: {  	v10 =	vld [tilespmem:s28+$0xD500]  }
0x20f: {  	v9 =	vld [tilespmem:s28+$0xD510]  }
0x210: {  	v8 =	vld [tilespmem:s28+$0xD520]  }
0x211: {  	v7 =	vld [tilespmem:s28+$0xD530]  }
0x212: {  	v6 =	vld [tilespmem:s28+$0xD540]  }
0x213: {  	v5 =	vld [tilespmem:s28+$0xD550]  }
0x214: {  	v4 =	vld [tilespmem:s28+$0xD560]  }
0x215: {  	v3 =	vld [tilespmem:s28+$0xD570]  }
0x216: {  	v51 =	vld [tilespmem:s28+$0x100]  }
0x217: {  	v52 =	vld [tilespmem:s28+$0x110]  }
0x218: {  	v53 =	vld [tilespmem:s28+$0x120]  }
0x219: {  	v54 =	vld [tilespmem:s28+$0x130]  }
0x21a: {  	v55 =	vld [tilespmem:s28+$0x140]  }
0x21b: {  	v39 =	vadd.f32 v39, v51;
	v51 =	vld [tilespmem:s28+$0x150]  }
0x21c: {  	v40 =	vadd.f32 v40, v52;
	v52 =	vld [tilespmem:s28+$0x160]  }
0x21d: {  	[tilespmem:s28+$0x100] =	vst v39;
	v39 =	vadd.f32 v41, v53;
	v41 =	vld [tilespmem:s28+$0x170]  }
0x21e: {  	[tilespmem:s28+$0x110] =	vst v40;
	v40 =	vadd.f32 v42, v54;
	v42 =	vld [tilespmem:s28+$0x500]  }
0x21f: {  	[tilespmem:s28+$0x120] =	vst v39;
	v39 =	vadd.f32 v43, v55;
	v43 =	vld [tilespmem:s28+$0x510]  }
0x220: {  	[tilespmem:s28+$0x130] =	vst v40;
	v40 =	vadd.f32 v44, v51;
	v44 =	vld [tilespmem:s28+$0x520]  }
0x221: {  	[tilespmem:s28+$0x140] =	vst v39;
	v39 =	vadd.f32 v45, v52;
	v45 =	vld [tilespmem:s28+$0x530]  }
0x222: {  	[tilespmem:s28+$0x150] =	vst v40;
	v40 =	vadd.f32 v46, v41;
	v41 =	vld [tilespmem:s28+$0x540]  }
0x223: {  	[tilespmem:s28+$0x160] =	vst v39;
	v39 =	vadd.f32 v47, v42;
	v42 =	vld [tilespmem:s28+$0x550]  }
0x224: {  	[tilespmem:s28+$0x170] =	vst v40;
	v40 =	vadd.f32 v48, v43;
	v43 =	vld [tilespmem:s28+$0x560]  }
0x225: {  	[tilespmem:s28+$0x500] =	vst v39;
	v39 =	vadd.f32 v49, v44;
	v44 =	vld [tilespmem:s28+$0x570]  }
0x226: {  	[tilespmem:s28+$0x510] =	vst v40;
	v40 =	vadd.f32 v50, v45;
	v45 =	vld [tilespmem:s28+$0x900]  }
0x227: {  	[tilespmem:s28+$0x520] =	vst v39;
	v38 =	vadd.f32 v38, v41;
	v39 =	vld [tilespmem:s28+$0x910]  }
0x228: {  	[tilespmem:s28+$0x530] =	vst v40;
	v37 =	vadd.f32 v37, v42;
	v40 =	vld [tilespmem:s28+$0x920]  }
0x229: {  	[tilespmem:s28+$0x540] =	vst v38;
	v36 =	vadd.f32 v36, v43;
	v38 =	vld [tilespmem:s28+$0x930]  }
0x22a: {  	[tilespmem:s28+$0x550] =	vst v37;
	v35 =	vadd.f32 v35, v44;
	v37 =	vld [tilespmem:s28+$0x940]  }
0x22b: {  	[tilespmem:s28+$0x560] =	vst v36;
	v34 =	vadd.f32 v34, v45;
	v36 =	vld [tilespmem:s28+$0x950]  }
0x22c: {  	[tilespmem:s28+$0x570] =	vst v35;
	v33 =	vadd.f32 v33, v39;
	v35 =	vld [tilespmem:s28+$0x960]  }
0x22d: {  	[tilespmem:s28+$0x900] =	vst v34;
	v32 =	vadd.f32 v32, v40;
	v34 =	vld [tilespmem:s28+$0x970]  }
0x22e: {  	[tilespmem:s28+$0x910] =	vst v33;
	v31 =	vadd.f32 v31, v38;
	v33 =	vld [tilespmem:s28+$0xD00]  }
0x22f: {  	[tilespmem:s28+$0x920] =	vst v32;
	v30 =	vadd.f32 v30, v37;
	v32 =	vld [tilespmem:s28+$0xD10]  }
0x230: {  	[tilespmem:s28+$0x930] =	vst v31;
	v29 =	vadd.f32 v29, v36;
	v31 =	vld [tilespmem:s28+$0xD20]  }
0x231: {  	[tilespmem:s28+$0x940] =	vst v30;
	v28 =	vadd.f32 v28, v35;
	v30 =	vld [tilespmem:s28+$0xD30]  }
0x232: {  	[tilespmem:s28+$0x950] =	vst v29;
	v27 =	vadd.f32 v27, v34;
	v29 =	vld [tilespmem:s28+$0xD40]  }
0x233: {  	[tilespmem:s28+$0x960] =	vst v28;
	v26 =	vadd.f32 v26, v33;
	v28 =	vld [tilespmem:s28+$0xD50]  }
0x234: {  	[tilespmem:s28+$0x970] =	vst v27;
	v25 =	vadd.f32 v25, v32;
	v27 =	vld [tilespmem:s28+$0xD60]  }
0x235: {  	[tilespmem:s28+$0xD00] =	vst v26;
	v24 =	vadd.f32 v24, v31;
	v26 =	vld [tilespmem:s28+$0xD70]  }
0x236: {  	[tilespmem:s28+$0xD10] =	vst v25;
	v23 =	vadd.f32 v23, v30;
	v25 =	vld [tilespmem:s28+$0x1100]  }
0x237: {  	[tilespmem:s28+$0xD20] =	vst v24;
	v22 =	vadd.f32 v22, v29;
	v24 =	vld [tilespmem:s28+$0x1110]  }
0x238: {  	[tilespmem:s28+$0xD30] =	vst v23;
	v21 =	vadd.f32 v21, v28;
	v23 =	vld [tilespmem:s28+$0x1120]  }
0x239: {  	[tilespmem:s28+$0xD40] =	vst v22;
	v20 =	vadd.f32 v20, v27;
	v22 =	vld [tilespmem:s28+$0x1130]  }
0x23a: {  	[tilespmem:s28+$0xD50] =	vst v21;
	v19 =	vadd.f32 v19, v26;
	v21 =	vld [tilespmem:s28+$0x1140]  }
0x23b: {  	[tilespmem:s28+$0xD60] =	vst v20;
	v18 =	vadd.f32 v18, v25;
	v20 =	vld [tilespmem:s28+$0x1150]  }
0x23c: {  	[tilespmem:s28+$0xD70] =	vst v19;
	v17 =	vadd.f32 v17, v24;
	v19 =	vld [tilespmem:s28+$0x1160]  }
.Ltmp1:
0x23d: {  	[tilespmem:s28+$0x1100] =	vst v18;
	v18 =	vadd.f32 v16, v23;
	v16 =	vld [tilespmem:s28+$0x1170];
	(pc) =	sbr.rel @p0 .LBB2_4-.Ltmp1, $4  }
0x23e: {  	[tilespmem:s28+$0x1110] =	vst v17;
	v17 =	vadd.f32 v15, v22;
	v15 =	vld [tilespmem:s28+$0x1500]  }
0x23f: {  	[tilespmem:s28+$0x1120] =	vst v18;
	v21 =	vadd.f32 v14, v21;
	v14 =	vld [tilespmem:s28+$0x1510]  }
0x240: {  	[tilespmem:s28+$0x1130] =	vst v17;
	v18 =	vadd.f32 v13, v20;
	v13 =	vld [tilespmem:s28+$0x1520]  }
0x241: {  	s30 =	sadd.s32 $0x1, s30;
	[tilespmem:s28+$0x1140] =	vst v21;
	v17 =	vadd.f32 v12, v19;
	v12 =	vld [tilespmem:s28+$0x1530]  }
0x242: {  	[tilespmem:s28+$0x1150] =	vst v18;
	v60 =	vld [tilespmem:s28+$0x1540];
	v11 =	vadd.f32 v11, v16  }
0x243: {  	v61 =	vld [tilespmem:s28+$0x1550];
	[tilespmem:s28+$0x1160] =	vst v17;
	v10 =	vadd.f32 v10, v15  }
0x244: {  	v62 =	vld [tilespmem:s28+$0x1560];
	[tilespmem:s28+$0x1170] =	vst v11;
	v9 =	vadd.f32 v9, v14  }
0x245: {  	v63 =	vld [tilespmem:s28+$0x1570];
	[tilespmem:s28+$0x1500] =	vst v10;
	v8 =	vadd.f32 v8, v13  }
0x246: {  	[tilespmem:s28+$0x1510] =	vst v9;
	v7 =	vadd.f32 v7, v12  }
0x247: {  	[tilespmem:s28+$0x1520] =	vst v8;
	v6 =	vadd.f32 v6, v60  }
0x248: {  	v5 =	vadd.f32 v5, v61;
	[tilespmem:s28+$0x1530] =	vst v7  }
0x249: {  	v4 =	vadd.f32 v4, v62;
	[tilespmem:s28+$0x1540] =	vst v6  }
0x24a: {  	v3 =	vadd.f32 v3, v63;
	[tilespmem:s28+$0x1550] =	vst v5  }
0x24b: {  	[tilespmem:s28+$0x1560] =	vst v4  }
0x24c: {  	s26 =	sadd.s32 $0x1, s26;
	[tilespmem:s28+$0x1570] =	vst v3  }
0x24d: {  	[hbm4b:s9+s2] =	stream.linear.scatter [tilespmem:s19], [sflag:$0x3], $0x6000, $0x38;
	[tilespmem:$0x18100] =	vst v63  }
0x24e: {  	p0 =	sne.s32 s26, s10;
	_ =	swait.ge [sflag:s25], $0x6000  }
.Ltmp2:
0x24f: {  	[sflag:s25] =	ssyncset.done $0x0;
	(pc) =	sbr.rel @p0 .LBB2_1-.Ltmp2, $4  }
0x250: {  	[sflag:s25] =	ssyncadd.s32 $0xFFFFA000  }
0x251: {  	_ =	swait.ge [sflag:s25], $0x6000  }
0x252: {  	[sflag:s25] =	ssyncset.done $0x0  }
0x253: {  	[sflag:s25] =	ssyncadd.s32 $0xFFFFA000  }
0x254: {  	_ =	sfence.sel $0x180000  }
0x255: {  	[bflag:$0x0] =	sbarrier.arrive $0xFFFF  }
0x256: {  	_ =	strace $0x9000004A  }
0x257: {  	s0 =	stileid.u32;
	[bflag:$0x2] =	sbarrier.arrive $0xFFFF  }
0x258: {  	p0 =	sne.s32 s0, $0x0;
	s0 =	rddreg [dreg:$0x2]  }
0x259: {  	s0 =	sadd.s32 @!p0 $0x100000, s0  }
0x25a: {  	[sflag:s0] =	ssyncadd.tile.s32 @!p0 $0x1;
	_ =	shalt  }
.Lfunc_end2:
_tile_overlayer_lowered:
.L_overlay_start_2:
0x25b: {  	(tag) =	ssettag $0x2  }
0x25c: {  	s0 =	rddreg [dreg:$0x0];
	s2 =	stileid.u32  }
0x25d: {  	s1 =	rddreg [dreg:$0x1];
	p0 =	sne.s32 s2, $0x0  }
0x25e: {  	s3 =	rddreg [dreg:$0x2];
	[bflag:$0x3] =	sbarrier.arrive $0xFFFF;
	s2 =	simm.s32 @!p0 $0x1C04  }
0x25f: {  	[timem:s3], [sflag:s2] =	dma.local @!p0 [hbm:s0], s1  }
0x260: {  	s0 =	simm.s32 @!p0 $0x4  }
0x261: {  	_ =	swait.ge @!p0 [sflag:s0], s1  }
0x262: {  	s1 =	ssub.s32 @!p0 $0x0, s1;
	[sflag:s0] =	ssyncset.done @!p0 $0x0  }
0x263: {  	[sflag:s0] =	ssyncadd.s32 @!p0 s1  }
0x264: {  	[bflag:$0x3] =	sbarrier.arrive $0xFFFF  }
0x265: {  	_ =	shalt  }

</sc_bundles>
